<compile_context>
chip_gen: v7x
topology: tpu7x:2x2x1
jax: 0.10.2.dev20260603
libtpu: 0.0.44.dev20260713+nightly
codegen_flags: <defaults>
</compile_context>

<pallas_src>
import functools

import jax
import jax.numpy as jnp
from jax import lax
from jax.experimental import pallas as pl
from jax.experimental.pallas import tpu as pltpu
from jax.experimental.pallas import tpu_sc as plsc

N = 10000
E = 320000
D = 128
DH = D // 2
ALPHA = 0.5

NC = 2
NS = 16
CHUNK = 128
N_PAD = 10240
E_PAD = 327680
NCHUNKS = E_PAD // CHUNK
CPT = NCHUNKS // NS
RPT = N_PAD // NS
CW = 16


def _make_sc_agg(with_counts):
    out_type = [jax.ShapeDtypeStruct((2, NC, N_PAD, DH), jnp.float32)]
    scratch = [
        pltpu.VMEM((CPT, CHUNK), jnp.int32),
        pltpu.VMEM((CPT, CHUNK), jnp.int32),
        pltpu.VMEM((CHUNK, DH), jnp.float32),
        pltpu.VMEM((CHUNK, DH), jnp.float32),
        pltpu.VMEM((CHUNK, DH), jnp.float32),
        pltpu.VMEM_SHARED((N_PAD, DH), jnp.float32),
        pltpu.SemaphoreType.DMA,
        pltpu.SemaphoreType.DMA,
    ]
    if with_counts:
        out_type.append(jax.ShapeDtypeStruct((NC, N_PAD, CW), jnp.float32))
        scratch += [
            pltpu.VMEM((CHUNK, CW), jnp.float32),
            pltpu.VMEM((CHUNK, CW), jnp.float32),
            pltpu.VMEM_SHARED((N_PAD, CW), jnp.float32),
        ]

    def body(*refs):
        if with_counts:
            (x0_hbm, x1_hbm, e_hbm, agg_hbm, cnt_hbm,
             gidx_v, sidx_v, rows0, rows1, zbuf, acc_sh, sem0, sem1,
             ones_v, cbuf, cnt_sh) = refs
        else:
            (x0_hbm, x1_hbm, e_hbm, agg_hbm,
             gidx_v, sidx_v, rows0, rows1, zbuf, acc_sh, sem0, sem1) = refs
            ones_v = cbuf = cnt_sh = cnt_hbm = None
        rows = (rows0, rows1)
        sems = (sem0, sem1)

        ci = lax.axis_index("c")
        si = lax.axis_index("s")
        base = si * RPT

        def init_body(i, carry):
            for k in range(DH // 16):
                zbuf[i, pl.ds(16 * k, 16)] = jnp.zeros((16,), jnp.float32)
            if with_counts:
                ones_v[i, pl.ds(0, 16)] = jnp.ones((16,), jnp.float32)
                cbuf[i, pl.ds(0, 16)] = jnp.zeros((16,), jnp.float32)
            return carry
        lax.fori_loop(0, CHUNK, init_body, 0)

        pltpu.sync_copy(e_hbm.at[ci, pl.ds(si * CPT, CPT)], gidx_v)
        pltpu.sync_copy(e_hbm.at[1 - ci, pl.ds(si * CPT, CPT)], sidx_v)

        for f in range(2):
            xf_hbm = x0_hbm if f == 0 else x1_hbm
            counts = with_counts and f == 0

            for k in range(RPT // CHUNK):
                sl = pl.ds(base + k * CHUNK, CHUNK)
                pltpu.sync_copy(zbuf, acc_sh.at[sl])
                if counts:
                    pltpu.sync_copy(cbuf, cnt_sh.at[sl])
            plsc.subcore_barrier()

            for b in range(2):
                pltpu.async_copy(xf_hbm.at[gidx_v.at[b]], rows[b], sems[b])

            def chunk_body(jj, carry):
                for b in range(2):
                    jb = 2 * jj + b
                    pltpu.make_async_copy(xf_hbm.at[pl.ds(0, CHUNK)], rows[b],
                                          sems[b]).wait()
                    pltpu.sync_copy(rows[b], acc_sh.at[sidx_v.at[jb]],
                                    add=True)
                    if counts:
                        pltpu.sync_copy(ones_v, cnt_sh.at[sidx_v.at[jb]],
                                        add=True)

                    @pl.when(jb + 2 < CPT)
                    def _():
                        pltpu.async_copy(xf_hbm.at[gidx_v.at[jb + 2]],
                                         rows[b], sems[b])
                return carry
            lax.fori_loop(0, CPT // 2, chunk_body, 0)
            plsc.subcore_barrier()

            for k in range(RPT // CHUNK):
                sl = pl.ds(base + k * CHUNK, CHUNK)
                pltpu.sync_copy(acc_sh.at[sl], rows0)
                pltpu.sync_copy(rows0, agg_hbm.at[f, ci, sl])
                if counts:
                    pltpu.sync_copy(cnt_sh.at[sl], cbuf)
                    pltpu.sync_copy(cbuf, cnt_hbm.at[ci, sl])

    mesh = plsc.VectorSubcoreMesh(core_axis_name="c", subcore_axis_name="s")
    return pl.kernel(body, out_type=tuple(out_type), mesh=mesh,
                     scratch_types=scratch,
                     compiler_params=pltpu.CompilerParams(
                         use_tc_tiling_on_sc=False))


def _tc_layer_body(relu, split_out, agg_ref, cnt_ref, wi_ref, wo_ref, b_ref,
                   *o_refs):
    a_in = jnp.concatenate([agg_ref[0, 0], agg_ref[1, 0]], axis=1)
    a_out = jnp.concatenate([agg_ref[0, 1], agg_ref[1, 1]], axis=1)
    c_in = cnt_ref[0, :, 0:1]
    c_out = cnt_ref[1, :, 0:1]
    m_in = a_in * ((1.0 - ALPHA) / jnp.maximum(c_in, 1.0))
    m_out = a_out * (ALPHA / jnp.maximum(c_out, 1.0))
    r = (jnp.dot(m_in, wi_ref[...], preferred_element_type=jnp.float32)
         + jnp.dot(m_out, wo_ref[...], preferred_element_type=jnp.float32)
         + b_ref[...])
    if relu:
        r = jnp.maximum(r, 0.0)
    if split_out:
        o_refs[0][...] = r[:, :DH]
        o_refs[1][...] = r[:, DH:]
    else:
        o_refs[0][...] = r


def _tc_layer(agg, cnt, w_in, w_out, b_comb, relu, split_out, nrows, blk):
    grid = (nrows // blk,)
    if split_out:
        out_specs = [pl.BlockSpec((blk, DH), lambda i: (i, 0)),
                     pl.BlockSpec((blk, DH), lambda i: (i, 0))]
        out_shape = [jax.ShapeDtypeStruct((nrows, DH), jnp.float32),
                     jax.ShapeDtypeStruct((nrows, DH), jnp.float32)]
    else:
        out_specs = pl.BlockSpec((blk, D), lambda i: (i, 0))
        out_shape = jax.ShapeDtypeStruct((nrows, D), jnp.float32)
    return pl.pallas_call(
        functools.partial(_tc_layer_body, relu, split_out),
        grid=grid,
        in_specs=[
            pl.BlockSpec((2, NC, blk, DH), lambda i: (0, 0, i, 0)),
            pl.BlockSpec((NC, blk, CW), lambda i: (0, i, 0)),
            pl.BlockSpec((D, D), lambda i: (0, 0)),
            pl.BlockSpec((D, D), lambda i: (0, 0)),
            pl.BlockSpec((1, D), lambda i: (0, 0)),
        ],
        out_specs=out_specs,
        out_shape=out_shape,
    )(agg, cnt, w_in, w_out, b_comb)


def kernel(x, edge_index, W_in1, b_in1, W_out1, b_out1,
           W_in2, b_in2, W_out2, b_out2):
    zpad = jnp.zeros((N_PAD - N, DH), jnp.float32)
    x0 = jnp.concatenate([x[:, :DH], zpad], axis=0)
    x1 = jnp.concatenate([x[:, DH:], zpad], axis=0)
    pad_edges = jnp.full((2, E_PAD - E), N, jnp.int32)
    edges = jnp.concatenate([edge_index, pad_edges], axis=1)
    edges = edges.reshape(2, NCHUNKS, CHUNK)

    b1 = ((1.0 - ALPHA) * b_in1 + ALPHA * b_out1).reshape(1, D)
    b2 = ((1.0 - ALPHA) * b_in2 + ALPHA * b_out2).reshape(1, D)

    sc_agg_counts = _make_sc_agg(True)
    sc_agg = _make_sc_agg(False)

    agg1, cnt = sc_agg_counts(x0, x1, edges)
    h0, h1 = _tc_layer(agg1, cnt, W_in1, W_out1, b1, True, True, N_PAD, 1024)
    (agg2,) = sc_agg(h0, h1, edges)
    out = _tc_layer(agg2, cnt, W_in2, W_out2, b2, False, False, N, 1000)
    return out

# --- scband reference (transcript-rebuilt; emitter-appended) ---
"""Pipeline reference for scband-dir-gnn-46780783788057 (READ-ONLY COPY).

The authoritative reference and input builder live on the scoring server;
editing this copy changes nothing except your own understanding.
"""

import jax, jax.numpy as jnp
import numpy as np

N = 10000
E = 320000
D_IN = 128
D_HID = 128
D_OUT = 128
ALPHA = 0.5


def setup_inputs(seed: int = 0) -> dict:
    key = jax.random.key(seed)
    ks = jax.random.split(key, 10)
    x = jax.random.normal(ks[0], (N, D_IN), dtype=jnp.float32)
    edge_index = jax.random.randint(ks[1], (2, E), 0, N, dtype=jnp.int32)
    def glorot(k, fan_in, fan_out):
        s = jnp.sqrt(6.0 / (fan_in + fan_out))
        return jax.random.uniform(k, (fan_in, fan_out), jnp.float32, -s, s)
    # layer 1: DirGNNConv(SAGEConv(D_IN, D_HID), alpha, root_weight=False)
    W_in1 = glorot(ks[2], D_IN, D_HID)
    b_in1 = jnp.zeros((D_HID,), jnp.float32)
    W_out1 = glorot(ks[3], D_IN, D_HID)
    b_out1 = jnp.zeros((D_HID,), jnp.float32)
    # layer 2: DirGNNConv(SAGEConv(D_HID, D_OUT), alpha, root_weight=False)
    W_in2 = glorot(ks[4], D_HID, D_OUT)
    b_in2 = jnp.zeros((D_OUT,), jnp.float32)
    W_out2 = glorot(ks[5], D_HID, D_OUT)
    b_out2 = jnp.zeros((D_OUT,), jnp.float32)
    return {"x": x, "edge_index": edge_index,
            "W_in1": W_in1, "b_in1": b_in1, "W_out1": W_out1, "b_out1": b_out1,
            "W_in2": W_in2, "b_in2": b_in2, "W_out2": W_out2, "b_out2": b_out2}


def _sage_conv(x, edge_index, W, b):
    # SAGEConv with mean aggregation, root_weight=False (disabled by DirGNNConv)
    src = edge_index[0]
    dst = edge_index[1]
    msg = jnp.take(x, src, axis=0)
    agg = jax.ops.segment_sum(msg, dst, num_segments=N)
    cnt = jax.ops.segment_sum(jnp.ones((edge_index.shape[1],), x.dtype), dst, num_segments=N)
    mean = agg / jnp.clip(cnt, 1.0)[:, None]
    return mean @ W + b


def _dir_gnn_conv(x, edge_index, W_in, b_in, W_out, b_out, alpha):
    # x_in: aggregate along original edges; x_out: along flipped edges
    x_in = _sage_conv(x, edge_index, W_in, b_in)
    x_out = _sage_conv(x, jnp.flip(edge_index, axis=0), W_out, b_out)
    return alpha * x_out + (1.0 - alpha) * x_in


def reference(x, edge_index, W_in1, b_in1, W_out1, b_out1, W_in2, b_in2, W_out2, b_out2):
    h = _dir_gnn_conv(x, edge_index, W_in1, b_in1, W_out1, b_out1, ALPHA)
    h = jax.nn.relu(h)
    out = _dir_gnn_conv(h, edge_index, W_in2, b_in2, W_out2, b_out2, ALPHA)
    return out

if __name__ == "__main__":
    import jax
    _d = setup_inputs()
    print(jax.jit(kernel)(*tuple(_d.values())))

</pallas_src>

<mosaic_0001>
#map = affine_map<(d0, d1) -> (0, 0)>
#map1 = affine_map<(d0, d1) -> (0, 0, 0)>
#map2 = affine_map<(d0, d1) -> (0, 0, 0, 0)>
module attributes {stable_mosaic.version = 14 : i64} {
  func.func @body(%arg0: i32, %arg1: i32, %arg2: memref<10240x64xf32, #tpu.memory_space<hbm>>, %arg3: memref<10240x64xf32, #tpu.memory_space<hbm>>, %arg4: memref<2x2560x128xi32, #tpu.memory_space<hbm>>, %arg5: memref<2x2x10240x64xf32, #tpu.memory_space<hbm>>, %arg6: memref<2x10240x16xf32, #tpu.memory_space<hbm>>, %arg7: memref<160x128xi32, #tpu.memory_space<vmem>>, %arg8: memref<160x128xi32, #tpu.memory_space<vmem>>, %arg9: memref<128x64xf32, #tpu.memory_space<vmem>>, %arg10: memref<128x64xf32, #tpu.memory_space<vmem>>, %arg11: memref<128x64xf32, #tpu.memory_space<vmem>>, %arg12: memref<10240x64xf32, #tpu.memory_space<vmem_shared>>, %arg13: memref<!tpu.dma_semaphore, #tpu.memory_space<semaphore_mem>>, %arg14: memref<!tpu.dma_semaphore, #tpu.memory_space<semaphore_mem>>, %arg15: memref<128x16xf32, #tpu.memory_space<vmem>>, %arg16: memref<128x16xf32, #tpu.memory_space<vmem>>, %arg17: memref<10240x16xf32, #tpu.memory_space<vmem_shared>>) attributes {dimension_semantics = [#tpu.dimension_semantics<core_parallel>, #tpu.dimension_semantics<subcore_parallel>], iteration_bounds = array<i64: 2, 16>, scalar_prefetch = 0 : i64, scratch_operands = 11 : i64, tpu.core_type = #tpu.core_type<sc_vector_subcore>, window_params = [{transform_indices = #map}, {transform_indices = #map}, {transform_indices = #map1}, {transform_indices = #map2}, {transform_indices = #map1}]} {
    %mul3A = arith.constant 640 : i32
    %mul3A_0 = arith.muli %arg1, %mul3A : i32
    %scan3A = arith.constant 0 : i32
    %scan3A_1 = arith.constant 0 : i32
    %scan3A_2 = arith.constant 128 : i32
    %scan3A_3 = arith.addi %scan3A_1, %scan3A_2 : i32
    %scan3A_4 = arith.constant 1 : i32
    scf.for %scan3A_101 = %scan3A_1 to %scan3A_3 step %scan3A_4  : i32 {
      %broadcast_in_dim3A = arith.constant 0.000000e+00 : f32
      %broadcast_in_dim3A_102 = vector.broadcast %broadcast_in_dim3A : f32 to vector<16xf32>
      %swap3A = arith.index_cast %scan3A_101 : i32 to index
      %swap3A_103 = arith.constant 0 : index
      %swap3A_104 = tpu.vector_load %arg11[%swap3A, %swap3A_103] {strides = array<i32>} : memref<128x64xf32, #tpu.memory_space<vmem>>, vector<1x16xf32>,
      %swap3A_105 = vector.shape_cast %swap3A_104 : vector<1x16xf32> to vector<16xf32>
      %swap3A_106 = vector.shape_cast %broadcast_in_dim3A_102 : vector<16xf32> to vector<1x16xf32>
      tpu.vector_store %arg11[%swap3A, %swap3A_103], %swap3A_106 {strides = array<i32>} : memref<128x64xf32, #tpu.memory_space<vmem>>, vector<1x16xf32>,
      %broadcast_in_dim3A_107 = arith.constant 0.000000e+00 : f32
      %broadcast_in_dim3A_108 = vector.broadcast %broadcast_in_dim3A_107 : f32 to vector<16xf32>
      %swap3A_109 = arith.index_cast %scan3A_101 : i32 to index
      %swap3A_110 = arith.constant 16 : index
      %swap3A_111 = tpu.vector_load %arg11[%swap3A_109, %swap3A_110] {strides = array<i32>} : memref<128x64xf32, #tpu.memory_space<vmem>>, vector<1x16xf32>,
      %swap3A_112 = vector.shape_cast %swap3A_111 : vector<1x16xf32> to vector<16xf32>
      %swap3A_113 = vector.shape_cast %broadcast_in_dim3A_108 : vector<16xf32> to vector<1x16xf32>
      tpu.vector_store %arg11[%swap3A_109, %swap3A_110], %swap3A_113 {strides = array<i32>} : memref<128x64xf32, #tpu.memory_space<vmem>>, vector<1x16xf32>,
      %broadcast_in_dim3A_114 = arith.constant 0.000000e+00 : f32
      %broadcast_in_dim3A_115 = vector.broadcast %broadcast_in_dim3A_114 : f32 to vector<16xf32>
      %swap3A_116 = arith.index_cast %scan3A_101 : i32 to index
      %swap3A_117 = arith.constant 32 : index
      %swap3A_118 = tpu.vector_load %arg11[%swap3A_116, %swap3A_117] {strides = array<i32>} : memref<128x64xf32, #tpu.memory_space<vmem>>, vector<1x16xf32>,
      %swap3A_119 = vector.shape_cast %swap3A_118 : vector<1x16xf32> to vector<16xf32>
      %swap3A_120 = vector.shape_cast %broadcast_in_dim3A_115 : vector<16xf32> to vector<1x16xf32>
      tpu.vector_store %arg11[%swap3A_116, %swap3A_117], %swap3A_120 {strides = array<i32>} : memref<128x64xf32, #tpu.memory_space<vmem>>, vector<1x16xf32>,
      %broadcast_in_dim3A_121 = arith.constant 0.000000e+00 : f32
      %broadcast_in_dim3A_122 = vector.broadcast %broadcast_in_dim3A_121 : f32 to vector<16xf32>
      %swap3A_123 = arith.index_cast %scan3A_101 : i32 to index
      %swap3A_124 = arith.constant 48 : index
      %swap3A_125 = tpu.vector_load %arg11[%swap3A_123, %swap3A_124] {strides = array<i32>} : memref<128x64xf32, #tpu.memory_space<vmem>>, vector<1x16xf32>,
      %swap3A_126 = vector.shape_cast %swap3A_125 : vector<1x16xf32> to vector<16xf32>
      %swap3A_127 = vector.shape_cast %broadcast_in_dim3A_122 : vector<16xf32> to vector<1x16xf32>
      tpu.vector_store %arg11[%swap3A_123, %swap3A_124], %swap3A_127 {strides = array<i32>} : memref<128x64xf32, #tpu.memory_space<vmem>>, vector<1x16xf32>,
      %broadcast_in_dim3A_128 = arith.constant 1.000000e+00 : f32
      %broadcast_in_dim3A_129 = vector.broadcast %broadcast_in_dim3A_128 : f32 to vector<16xf32>
      %swap3A_130 = arith.index_cast %scan3A_101 : i32 to index
      %swap3A_131 = arith.constant 0 : index
      %swap3A_132 = tpu.vector_load %arg15[%swap3A_130, %swap3A_131] {strides = array<i32>} : memref<128x16xf32, #tpu.memory_space<vmem>>, vector<1x16xf32>,
      %swap3A_133 = vector.shape_cast %swap3A_132 : vector<1x16xf32> to vector<16xf32>
      %swap3A_134 = vector.shape_cast %broadcast_in_dim3A_129 : vector<16xf32> to vector<1x16xf32>
      tpu.vector_store %arg15[%swap3A_130, %swap3A_131], %swap3A_134 {strides = array<i32>} : memref<128x16xf32, #tpu.memory_space<vmem>>, vector<1x16xf32>,
      %broadcast_in_dim3A_135 = arith.constant 0.000000e+00 : f32
      %broadcast_in_dim3A_136 = vector.broadcast %broadcast_in_dim3A_135 : f32 to vector<16xf32>
      %swap3A_137 = arith.index_cast %scan3A_101 : i32 to index
      %swap3A_138 = arith.constant 0 : index
      %swap3A_139 = tpu.vector_load %arg16[%swap3A_137, %swap3A_138] {strides = array<i32>} : memref<128x16xf32, #tpu.memory_space<vmem>>, vector<1x16xf32>,
      %swap3A_140 = vector.shape_cast %swap3A_139 : vector<1x16xf32> to vector<16xf32>
      %swap3A_141 = vector.shape_cast %broadcast_in_dim3A_136 : vector<16xf32> to vector<1x16xf32>
      tpu.vector_store %arg16[%swap3A_137, %swap3A_138], %swap3A_141 {strides = array<i32>} : memref<128x16xf32, #tpu.memory_space<vmem>>, vector<1x16xf32>,
    }
    %scan3A_5 = arith.constant 128 : i32
    %mul3A_6 = arith.constant 160 : i32
    %mul3A_7 = arith.muli %arg1, %mul3A_6 : i32
    "tpu.region"() ({
      %run_scoped3A_101 = tpu.sem_alloc : memref<!tpu.dma_semaphore, #tpu.memory_space<semaphore_mem>>
      %dma_start3A_102 = arith.constant 0 : i32
      %dma_start3A_103 = tpu.memref_slice %arg4[%arg0, %mul3A_7, %dma_start3A_102] : memref<2x2560x128xi32, #tpu.memory_space<hbm>> -> memref<1x160x128xi32, #tpu.memory_space<hbm>>
      %dma_start3A_104 = tpu.memref_squeeze %dma_start3A_103 : memref<1x160x128xi32, #tpu.memory_space<hbm>> -> memref<160x128xi32, #tpu.memory_space<hbm>>
      %dma_start3A_105 = arith.constant 0 : i32
      %dma_start3A_106 = tpu.memref_slice %arg4[%arg0, %mul3A_7, %dma_start3A_105] : memref<2x2560x128xi32, #tpu.memory_space<hbm>> -> memref<1x160x128xi32, #tpu.memory_space<hbm>>
      %dma_start3A_107 = tpu.memref_squeeze %dma_start3A_106 : memref<1x160x128xi32, #tpu.memory_space<hbm>> -> memref<160x128xi32, #tpu.memory_space<hbm>>
      tpu.enqueue_dma source(%dma_start3A_107 : memref<160x128xi32, #tpu.memory_space<hbm>>) target(%arg7 : memref<160x128xi32, #tpu.memory_space<vmem>>) target_semaphore(%run_scoped3A_101 : memref<!tpu.dma_semaphore, #tpu.memory_space<semaphore_mem>>)
      %dma_wait3A = arith.constant 0 : i32
      %dma_wait3A_108 = tpu.memref_slice %arg4[%arg0, %mul3A_7, %dma_wait3A] : memref<2x2560x128xi32, #tpu.memory_space<hbm>> -> memref<1x160x128xi32, #tpu.memory_space<hbm>>
      %dma_wait3A_109 = tpu.memref_squeeze %dma_wait3A_108 : memref<1x160x128xi32, #tpu.memory_space<hbm>> -> memref<160x128xi32, #tpu.memory_space<hbm>>
      %dma_wait3A_110 = arith.constant 0 : i32
      %dma_wait3A_111 = tpu.memref_slice %arg4[%arg0, %mul3A_7, %dma_wait3A_110] : memref<2x2560x128xi32, #tpu.memory_space<hbm>> -> memref<1x160x128xi32, #tpu.memory_space<hbm>>
      %dma_wait3A_112 = tpu.memref_squeeze %dma_wait3A_111 : memref<1x160x128xi32, #tpu.memory_space<hbm>> -> memref<160x128xi32, #tpu.memory_space<hbm>>
      tpu.wait_dma2 semaphore(%run_scoped3A_101 : memref<!tpu.dma_semaphore, #tpu.memory_space<semaphore_mem>>) src(%dma_wait3A_112 : memref<160x128xi32, #tpu.memory_space<hbm>>) dst(%arg7 : memref<160x128xi32, #tpu.memory_space<vmem>>)
      tpu.yield
    }) : () -> ()
    %sub3A = arith.constant 1 : i32
    %sub3A_8 = arith.subi %sub3A, %arg0 : i32
    %mul3A_9 = arith.constant 160 : i32
    %mul3A_10 = arith.muli %arg1, %mul3A_9 : i32
    "tpu.region"() ({
      %run_scoped3A_101 = tpu.sem_alloc : memref<!tpu.dma_semaphore, #tpu.memory_space<semaphore_mem>>
      %dma_start3A_102 = arith.constant 0 : i32
      %dma_start3A_103 = tpu.memref_slice %arg4[%sub3A_8, %mul3A_10, %dma_start3A_102] : memref<2x2560x128xi32, #tpu.memory_space<hbm>> -> memref<1x160x128xi32, #tpu.memory_space<hbm>>
      %dma_start3A_104 = tpu.memref_squeeze %dma_start3A_103 : memref<1x160x128xi32, #tpu.memory_space<hbm>> -> memref<160x128xi32, #tpu.memory_space<hbm>>
      %dma_start3A_105 = arith.constant 0 : i32
      %dma_start3A_106 = tpu.memref_slice %arg4[%sub3A_8, %mul3A_10, %dma_start3A_105] : memref<2x2560x128xi32, #tpu.memory_space<hbm>> -> memref<1x160x128xi32, #tpu.memory_space<hbm>>
      %dma_start3A_107 = tpu.memref_squeeze %dma_start3A_106 : memref<1x160x128xi32, #tpu.memory_space<hbm>> -> memref<160x128xi32, #tpu.memory_space<hbm>>
      tpu.enqueue_dma source(%dma_start3A_107 : memref<160x128xi32, #tpu.memory_space<hbm>>) target(%arg8 : memref<160x128xi32, #tpu.memory_space<vmem>>) target_semaphore(%run_scoped3A_101 : memref<!tpu.dma_semaphore, #tpu.memory_space<semaphore_mem>>)
      %dma_wait3A = arith.constant 0 : i32
      %dma_wait3A_108 = tpu.memref_slice %arg4[%sub3A_8, %mul3A_10, %dma_wait3A] : memref<2x2560x128xi32, #tpu.memory_space<hbm>> -> memref<1x160x128xi32, #tpu.memory_space<hbm>>
      %dma_wait3A_109 = tpu.memref_squeeze %dma_wait3A_108 : memref<1x160x128xi32, #tpu.memory_space<hbm>> -> memref<160x128xi32, #tpu.memory_space<hbm>>
      %dma_wait3A_110 = arith.constant 0 : i32
      %dma_wait3A_111 = tpu.memref_slice %arg4[%sub3A_8, %mul3A_10, %dma_wait3A_110] : memref<2x2560x128xi32, #tpu.memory_space<hbm>> -> memref<1x160x128xi32, #tpu.memory_space<hbm>>
      %dma_wait3A_112 = tpu.memref_squeeze %dma_wait3A_111 : memref<1x160x128xi32, #tpu.memory_space<hbm>> -> memref<160x128xi32, #tpu.memory_space<hbm>>
      tpu.wait_dma2 semaphore(%run_scoped3A_101 : memref<!tpu.dma_semaphore, #tpu.memory_space<semaphore_mem>>) src(%dma_wait3A_112 : memref<160x128xi32, #tpu.memory_space<hbm>>) dst(%arg8 : memref<160x128xi32, #tpu.memory_space<vmem>>)
      tpu.yield
    }) : () -> ()
    %add3A = arith.constant 0 : i32
    %add3A_11 = arith.addi %mul3A_0, %add3A : i32
    "tpu.region"() ({
      %run_scoped3A_101 = tpu.sem_alloc : memref<!tpu.dma_semaphore, #tpu.memory_space<semaphore_mem>>
      %dma_start3A_102 = arith.constant 0 : i32
      %dma_start3A_103 = tpu.memref_slice %arg12[%add3A_11, %dma_start3A_102] : memref<10240x64xf32, #tpu.memory_space<vmem_shared>> -> memref<128x64xf32, #tpu.memory_space<vmem_shared>>
      %dma_start3A_104 = arith.constant 0 : i32
      %dma_start3A_105 = tpu.memref_slice %arg12[%add3A_11, %dma_start3A_104] : memref<10240x64xf32, #tpu.memory_space<vmem_shared>> -> memref<128x64xf32, #tpu.memory_space<vmem_shared>>
      tpu.enqueue_dma source(%arg11 : memref<128x64xf32, #tpu.memory_space<vmem>>) target(%dma_start3A_105 : memref<128x64xf32, #tpu.memory_space<vmem_shared>>) target_semaphore(%run_scoped3A_101 : memref<!tpu.dma_semaphore, #tpu.memory_space<semaphore_mem>>)
      %dma_wait3A = arith.constant 0 : i32
      %dma_wait3A_106 = tpu.memref_slice %arg12[%add3A_11, %dma_wait3A] : memref<10240x64xf32, #tpu.memory_space<vmem_shared>> -> memref<128x64xf32, #tpu.memory_space<vmem_shared>>
      %dma_wait3A_107 = arith.constant 0 : i32
      %dma_wait3A_108 = tpu.memref_slice %arg12[%add3A_11, %dma_wait3A_107] : memref<10240x64xf32, #tpu.memory_space<vmem_shared>> -> memref<128x64xf32, #tpu.memory_space<vmem_shared>>
      tpu.wait_dma2 semaphore(%run_scoped3A_101 : memref<!tpu.dma_semaphore, #tpu.memory_space<semaphore_mem>>) src(%arg11 : memref<128x64xf32, #tpu.memory_space<vmem>>) dst(%dma_wait3A_108 : memref<128x64xf32, #tpu.memory_space<vmem_shared>>)
      tpu.yield
    }) : () -> ()
    "tpu.region"() ({
      %run_scoped3A_101 = tpu.sem_alloc : memref<!tpu.dma_semaphore, #tpu.memory_space<semaphore_mem>>
      %dma_start3A_102 = arith.constant 0 : i32
      %dma_start3A_103 = tpu.memref_slice %arg17[%add3A_11, %dma_start3A_102] : memref<10240x16xf32, #tpu.memory_space<vmem_shared>> -> memref<128x16xf32, #tpu.memory_space<vmem_shared>>
      %dma_start3A_104 = arith.constant 0 : i32
      %dma_start3A_105 = tpu.memref_slice %arg17[%add3A_11, %dma_start3A_104] : memref<10240x16xf32, #tpu.memory_space<vmem_shared>> -> memref<128x16xf32, #tpu.memory_space<vmem_shared>>
      tpu.enqueue_dma source(%arg16 : memref<128x16xf32, #tpu.memory_space<vmem>>) target(%dma_start3A_105 : memref<128x16xf32, #tpu.memory_space<vmem_shared>>) target_semaphore(%run_scoped3A_101 : memref<!tpu.dma_semaphore, #tpu.memory_space<semaphore_mem>>)
      %dma_wait3A = arith.constant 0 : i32
      %dma_wait3A_106 = tpu.memref_slice %arg17[%add3A_11, %dma_wait3A] : memref<10240x16xf32, #tpu.memory_space<vmem_shared>> -> memref<128x16xf32, #tpu.memory_space<vmem_shared>>
      %dma_wait3A_107 = arith.constant 0 : i32
      %dma_wait3A_108 = tpu.memref_slice %arg17[%add3A_11, %dma_wait3A_107] : memref<10240x16xf32, #tpu.memory_space<vmem_shared>> -> memref<128x16xf32, #tpu.memory_space<vmem_shared>>
      tpu.wait_dma2 semaphore(%run_scoped3A_101 : memref<!tpu.dma_semaphore, #tpu.memory_space<semaphore_mem>>) src(%arg16 : memref<128x16xf32, #tpu.memory_space<vmem>>) dst(%dma_wait3A_108 : memref<128x16xf32, #tpu.memory_space<vmem_shared>>)
      tpu.yield
    }) : () -> ()
    %add3A_12 = arith.constant 128 : i32
    %add3A_13 = arith.addi %mul3A_0, %add3A_12 : i32
    "tpu.region"() ({
      %run_scoped3A_101 = tpu.sem_alloc : memref<!tpu.dma_semaphore, #tpu.memory_space<semaphore_mem>>
      %dma_start3A_102 = arith.constant 0 : i32
      %dma_start3A_103 = tpu.memref_slice %arg12[%add3A_13, %dma_start3A_102] : memref<10240x64xf32, #tpu.memory_space<vmem_shared>> -> memref<128x64xf32, #tpu.memory_space<vmem_shared>>
      %dma_start3A_104 = arith.constant 0 : i32
      %dma_start3A_105 = tpu.memref_slice %arg12[%add3A_13, %dma_start3A_104] : memref<10240x64xf32, #tpu.memory_space<vmem_shared>> -> memref<128x64xf32, #tpu.memory_space<vmem_shared>>
      tpu.enqueue_dma source(%arg11 : memref<128x64xf32, #tpu.memory_space<vmem>>) target(%dma_start3A_105 : memref<128x64xf32, #tpu.memory_space<vmem_shared>>) target_semaphore(%run_scoped3A_101 : memref<!tpu.dma_semaphore, #tpu.memory_space<semaphore_mem>>)
      %dma_wait3A = arith.constant 0 : i32
      %dma_wait3A_106 = tpu.memref_slice %arg12[%add3A_13, %dma_wait3A] : memref<10240x64xf32, #tpu.memory_space<vmem_shared>> -> memref<128x64xf32, #tpu.memory_space<vmem_shared>>
      %dma_wait3A_107 = arith.constant 0 : i32
      %dma_wait3A_108 = tpu.memref_slice %arg12[%add3A_13, %dma_wait3A_107] : memref<10240x64xf32, #tpu.memory_space<vmem_shared>> -> memref<128x64xf32, #tpu.memory_space<vmem_shared>>
      tpu.wait_dma2 semaphore(%run_scoped3A_101 : memref<!tpu.dma_semaphore, #tpu.memory_space<semaphore_mem>>) src(%arg11 : memref<128x64xf32, #tpu.memory_space<vmem>>) dst(%dma_wait3A_108 : memref<128x64xf32, #tpu.memory_space<vmem_shared>>)
      tpu.yield
    }) : () -> ()
    "tpu.region"() ({
      %run_scoped3A_101 = tpu.sem_alloc : memref<!tpu.dma_semaphore, #tpu.memory_space<semaphore_mem>>
      %dma_start3A_102 = arith.constant 0 : i32
      %dma_start3A_103 = tpu.memref_slice %arg17[%add3A_13, %dma_start3A_102] : memref<10240x16xf32, #tpu.memory_space<vmem_shared>> -> memref<128x16xf32, #tpu.memory_space<vmem_shared>>
      %dma_start3A_104 = arith.constant 0 : i32
      %dma_start3A_105 = tpu.memref_slice %arg17[%add3A_13, %dma_start3A_104] : memref<10240x16xf32, #tpu.memory_space<vmem_shared>> -> memref<128x16xf32, #tpu.memory_space<vmem_shared>>
      tpu.enqueue_dma source(%arg16 : memref<128x16xf32, #tpu.memory_space<vmem>>) target(%dma_start3A_105 : memref<128x16xf32, #tpu.memory_space<vmem_shared>>) target_semaphore(%run_scoped3A_101 : memref<!tpu.dma_semaphore, #tpu.memory_space<semaphore_mem>>)
      %dma_wait3A = arith.constant 0 : i32
      %dma_wait3A_106 = tpu.memref_slice %arg17[%add3A_13, %dma_wait3A] : memref<10240x16xf32, #tpu.memory_space<vmem_shared>> -> memref<128x16xf32, #tpu.memory_space<vmem_shared>>
      %dma_wait3A_107 = arith.constant 0 : i32
      %dma_wait3A_108 = tpu.memref_slice %arg17[%add3A_13, %dma_wait3A_107] : memref<10240x16xf32, #tpu.memory_space<vmem_shared>> -> memref<128x16xf32, #tpu.memory_space<vmem_shared>>
      tpu.wait_dma2 semaphore(%run_scoped3A_101 : memref<!tpu.dma_semaphore, #tpu.memory_space<semaphore_mem>>) src(%arg16 : memref<128x16xf32, #tpu.memory_space<vmem>>) dst(%dma_wait3A_108 : memref<128x16xf32, #tpu.memory_space<vmem_shared>>)
      tpu.yield
    }) : () -> ()
    %add3A_14 = arith.constant 256 : i32
    %add3A_15 = arith.addi %mul3A_0, %add3A_14 : i32
    "tpu.region"() ({
      %run_scoped3A_101 = tpu.sem_alloc : memref<!tpu.dma_semaphore, #tpu.memory_space<semaphore_mem>>
      %dma_start3A_102 = arith.constant 0 : i32
      %dma_start3A_103 = tpu.memref_slice %arg12[%add3A_15, %dma_start3A_102] : memref<10240x64xf32, #tpu.memory_space<vmem_shared>> -> memref<128x64xf32, #tpu.memory_space<vmem_shared>>
      %dma_start3A_104 = arith.constant 0 : i32
      %dma_start3A_105 = tpu.memref_slice %arg12[%add3A_15, %dma_start3A_104] : memref<10240x64xf32, #tpu.memory_space<vmem_shared>> -> memref<128x64xf32, #tpu.memory_space<vmem_shared>>
      tpu.enqueue_dma source(%arg11 : memref<128x64xf32, #tpu.memory_space<vmem>>) target(%dma_start3A_105 : memref<128x64xf32, #tpu.memory_space<vmem_shared>>) target_semaphore(%run_scoped3A_101 : memref<!tpu.dma_semaphore, #tpu.memory_space<semaphore_mem>>)
      %dma_wait3A = arith.constant 0 : i32
      %dma_wait3A_106 = tpu.memref_slice %arg12[%add3A_15, %dma_wait3A] : memref<10240x64xf32, #tpu.memory_space<vmem_shared>> -> memref<128x64xf32, #tpu.memory_space<vmem_shared>>
      %dma_wait3A_107 = arith.constant 0 : i32
      %dma_wait3A_108 = tpu.memref_slice %arg12[%add3A_15, %dma_wait3A_107] : memref<10240x64xf32, #tpu.memory_space<vmem_shared>> -> memref<128x64xf32, #tpu.memory_space<vmem_shared>>
      tpu.wait_dma2 semaphore(%run_scoped3A_101 : memref<!tpu.dma_semaphore, #tpu.memory_space<semaphore_mem>>) src(%arg11 : memref<128x64xf32, #tpu.memory_space<vmem>>) dst(%dma_wait3A_108 : memref<128x64xf32, #tpu.memory_space<vmem_shared>>)
      tpu.yield
    }) : () -> ()
    "tpu.region"() ({
      %run_scoped3A_101 = tpu.sem_alloc : memref<!tpu.dma_semaphore, #tpu.memory_space<semaphore_mem>>
      %dma_start3A_102 = arith.constant 0 : i32
      %dma_start3A_103 = tpu.memref_slice %arg17[%add3A_15, %dma_start3A_102] : memref<10240x16xf32, #tpu.memory_space<vmem_shared>> -> memref<128x16xf32, #tpu.memory_space<vmem_shared>>
      %dma_start3A_104 = arith.constant 0 : i32
      %dma_start3A_105 = tpu.memref_slice %arg17[%add3A_15, %dma_start3A_104] : memref<10240x16xf32, #tpu.memory_space<vmem_shared>> -> memref<128x16xf32, #tpu.memory_space<vmem_shared>>
      tpu.enqueue_dma source(%arg16 : memref<128x16xf32, #tpu.memory_space<vmem>>) target(%dma_start3A_105 : memref<128x16xf32, #tpu.memory_space<vmem_shared>>) target_semaphore(%run_scoped3A_101 : memref<!tpu.dma_semaphore, #tpu.memory_space<semaphore_mem>>)
      %dma_wait3A = arith.constant 0 : i32
      %dma_wait3A_106 = tpu.memref_slice %arg17[%add3A_15, %dma_wait3A] : memref<10240x16xf32, #tpu.memory_space<vmem_shared>> -> memref<128x16xf32, #tpu.memory_space<vmem_shared>>
      %dma_wait3A_107 = arith.constant 0 : i32
      %dma_wait3A_108 = tpu.memref_slice %arg17[%add3A_15, %dma_wait3A_107] : memref<10240x16xf32, #tpu.memory_space<vmem_shared>> -> memref<128x16xf32, #tpu.memory_space<vmem_shared>>
      tpu.wait_dma2 semaphore(%run_scoped3A_101 : memref<!tpu.dma_semaphore, #tpu.memory_space<semaphore_mem>>) src(%arg16 : memref<128x16xf32, #tpu.memory_space<vmem>>) dst(%dma_wait3A_108 : memref<128x16xf32, #tpu.memory_space<vmem_shared>>)
      tpu.yield
    }) : () -> ()
    %add3A_16 = arith.constant 384 : i32
    %add3A_17 = arith.addi %mul3A_0, %add3A_16 : i32
    "tpu.region"() ({
      %run_scoped3A_101 = tpu.sem_alloc : memref<!tpu.dma_semaphore, #tpu.memory_space<semaphore_mem>>
      %dma_start3A_102 = arith.constant 0 : i32
      %dma_start3A_103 = tpu.memref_slice %arg12[%add3A_17, %dma_start3A_102] : memref<10240x64xf32, #tpu.memory_space<vmem_shared>> -> memref<128x64xf32, #tpu.memory_space<vmem_shared>>
      %dma_start3A_104 = arith.constant 0 : i32
      %dma_start3A_105 = tpu.memref_slice %arg12[%add3A_17, %dma_start3A_104] : memref<10240x64xf32, #tpu.memory_space<vmem_shared>> -> memref<128x64xf32, #tpu.memory_space<vmem_shared>>
      tpu.enqueue_dma source(%arg11 : memref<128x64xf32, #tpu.memory_space<vmem>>) target(%dma_start3A_105 : memref<128x64xf32, #tpu.memory_space<vmem_shared>>) target_semaphore(%run_scoped3A_101 : memref<!tpu.dma_semaphore, #tpu.memory_space<semaphore_mem>>)
      %dma_wait3A = arith.constant 0 : i32
      %dma_wait3A_106 = tpu.memref_slice %arg12[%add3A_17, %dma_wait3A] : memref<10240x64xf32, #tpu.memory_space<vmem_shared>> -> memref<128x64xf32, #tpu.memory_space<vmem_shared>>
      %dma_wait3A_107 = arith.constant 0 : i32
      %dma_wait3A_108 = tpu.memref_slice %arg12[%add3A_17, %dma_wait3A_107] : memref<10240x64xf32, #tpu.memory_space<vmem_shared>> -> memref<128x64xf32, #tpu.memory_space<vmem_shared>>
      tpu.wait_dma2 semaphore(%run_scoped3A_101 : memref<!tpu.dma_semaphore, #tpu.memory_space<semaphore_mem>>) src(%arg11 : memref<128x64xf32, #tpu.memory_space<vmem>>) dst(%dma_wait3A_108 : memref<128x64xf32, #tpu.memory_space<vmem_shared>>)
      tpu.yield
    }) : () -> ()
    "tpu.region"() ({
      %run_scoped3A_101 = tpu.sem_alloc : memref<!tpu.dma_semaphore, #tpu.memory_space<semaphore_mem>>
      %dma_start3A_102 = arith.constant 0 : i32
      %dma_start3A_103 = tpu.memref_slice %arg17[%add3A_17, %dma_start3A_102] : memref<10240x16xf32, #tpu.memory_space<vmem_shared>> -> memref<128x16xf32, #tpu.memory_space<vmem_shared>>
      %dma_start3A_104 = arith.constant 0 : i32
      %dma_start3A_105 = tpu.memref_slice %arg17[%add3A_17, %dma_start3A_104] : memref<10240x16xf32, #tpu.memory_space<vmem_shared>> -> memref<128x16xf32, #tpu.memory_space<vmem_shared>>
      tpu.enqueue_dma source(%arg16 : memref<128x16xf32, #tpu.memory_space<vmem>>) target(%dma_start3A_105 : memref<128x16xf32, #tpu.memory_space<vmem_shared>>) target_semaphore(%run_scoped3A_101 : memref<!tpu.dma_semaphore, #tpu.memory_space<semaphore_mem>>)
      %dma_wait3A = arith.constant 0 : i32
      %dma_wait3A_106 = tpu.memref_slice %arg17[%add3A_17, %dma_wait3A] : memref<10240x16xf32, #tpu.memory_space<vmem_shared>> -> memref<128x16xf32, #tpu.memory_space<vmem_shared>>
      %dma_wait3A_107 = arith.constant 0 : i32
      %dma_wait3A_108 = tpu.memref_slice %arg17[%add3A_17, %dma_wait3A_107] : memref<10240x16xf32, #tpu.memory_space<vmem_shared>> -> memref<128x16xf32, #tpu.memory_space<vmem_shared>>
      tpu.wait_dma2 semaphore(%run_scoped3A_101 : memref<!tpu.dma_semaphore, #tpu.memory_space<semaphore_mem>>) src(%arg16 : memref<128x16xf32, #tpu.memory_space<vmem>>) dst(%dma_wait3A_108 : memref<128x16xf32, #tpu.memory_space<vmem_shared>>)
      tpu.yield
    }) : () -> ()
    %add3A_18 = arith.constant 512 : i32
    %add3A_19 = arith.addi %mul3A_0, %add3A_18 : i32
    "tpu.region"() ({
      %run_scoped3A_101 = tpu.sem_alloc : memref<!tpu.dma_semaphore, #tpu.memory_space<semaphore_mem>>
      %dma_start3A_102 = arith.constant 0 : i32
      %dma_start3A_103 = tpu.memref_slice %arg12[%add3A_19, %dma_start3A_102] : memref<10240x64xf32, #tpu.memory_space<vmem_shared>> -> memref<128x64xf32, #tpu.memory_space<vmem_shared>>
      %dma_start3A_104 = arith.constant 0 : i32
      %dma_start3A_105 = tpu.memref_slice %arg12[%add3A_19, %dma_start3A_104] : memref<10240x64xf32, #tpu.memory_space<vmem_shared>> -> memref<128x64xf32, #tpu.memory_space<vmem_shared>>
      tpu.enqueue_dma source(%arg11 : memref<128x64xf32, #tpu.memory_space<vmem>>) target(%dma_start3A_105 : memref<128x64xf32, #tpu.memory_space<vmem_shared>>) target_semaphore(%run_scoped3A_101 : memref<!tpu.dma_semaphore, #tpu.memory_space<semaphore_mem>>)
      %dma_wait3A = arith.constant 0 : i32
      %dma_wait3A_106 = tpu.memref_slice %arg12[%add3A_19, %dma_wait3A] : memref<10240x64xf32, #tpu.memory_space<vmem_shared>> -> memref<128x64xf32, #tpu.memory_space<vmem_shared>>
      %dma_wait3A_107 = arith.constant 0 : i32
      %dma_wait3A_108 = tpu.memref_slice %arg12[%add3A_19, %dma_wait3A_107] : memref<10240x64xf32, #tpu.memory_space<vmem_shared>> -> memref<128x64xf32, #tpu.memory_space<vmem_shared>>
      tpu.wait_dma2 semaphore(%run_scoped3A_101 : memref<!tpu.dma_semaphore, #tpu.memory_space<semaphore_mem>>) src(%arg11 : memref<128x64xf32, #tpu.memory_space<vmem>>) dst(%dma_wait3A_108 : memref<128x64xf32, #tpu.memory_space<vmem_shared>>)
      tpu.yield
    }) : () -> ()
    "tpu.region"() ({
      %run_scoped3A_101 = tpu.sem_alloc : memref<!tpu.dma_semaphore, #tpu.memory_space<semaphore_mem>>
      %dma_start3A_102 = arith.constant 0 : i32
      %dma_start3A_103 = tpu.memref_slice %arg17[%add3A_19, %dma_start3A_102] : memref<10240x16xf32, #tpu.memory_space<vmem_shared>> -> memref<128x16xf32, #tpu.memory_space<vmem_shared>>
      %dma_start3A_104 = arith.constant 0 : i32
      %dma_start3A_105 = tpu.memref_slice %arg17[%add3A_19, %dma_start3A_104] : memref<10240x16xf32, #tpu.memory_space<vmem_shared>> -> memref<128x16xf32, #tpu.memory_space<vmem_shared>>
      tpu.enqueue_dma source(%arg16 : memref<128x16xf32, #tpu.memory_space<vmem>>) target(%dma_start3A_105 : memref<128x16xf32, #tpu.memory_space<vmem_shared>>) target_semaphore(%run_scoped3A_101 : memref<!tpu.dma_semaphore, #tpu.memory_space<semaphore_mem>>)
      %dma_wait3A = arith.constant 0 : i32
      %dma_wait3A_106 = tpu.memref_slice %arg17[%add3A_19, %dma_wait3A] : memref<10240x16xf32, #tpu.memory_space<vmem_shared>> -> memref<128x16xf32, #tpu.memory_space<vmem_shared>>
      %dma_wait3A_107 = arith.constant 0 : i32
      %dma_wait3A_108 = tpu.memref_slice %arg17[%add3A_19, %dma_wait3A_107] : memref<10240x16xf32, #tpu.memory_space<vmem_shared>> -> memref<128x16xf32, #tpu.memory_space<vmem_shared>>
      tpu.wait_dma2 semaphore(%run_scoped3A_101 : memref<!tpu.dma_semaphore, #tpu.memory_space<semaphore_mem>>) src(%arg16 : memref<128x16xf32, #tpu.memory_space<vmem>>) dst(%dma_wait3A_108 : memref<128x16xf32, #tpu.memory_space<vmem_shared>>)
      tpu.yield
    }) : () -> ()
    %barrier3A = arith.constant 0 : index
    tpu.barrier barrier_id(%barrier3A)
    %dma_start3A = arith.constant 0 : i32
    %dma_start3A_20 = arith.constant 0 : i32
    %dma_start3A_21 = tpu.memref_slice %arg7[%dma_start3A, %dma_start3A_20] : memref<160x128xi32, #tpu.memory_space<vmem>> -> memref<1x128xi32, #tpu.memory_space<vmem>>
    %dma_start3A_22 = tpu.memref_squeeze %dma_start3A_21 : memref<1x128xi32, #tpu.memory_space<vmem>> -> memref<128xi32, #tpu.memory_space<vmem>>
    %dma_start3A_23 = arith.constant 0 : i32
    %dma_start3A_24 = arith.constant 0 : i32
    %dma_start3A_25 = tpu.memref_slice %arg2[%dma_start3A_23, %dma_start3A_24] : memref<10240x64xf32, #tpu.memory_space<hbm>> -> memref<10240x64xf32, #tpu.memory_space<hbm>>
    tpu.enqueue_indirect_dma source(%dma_start3A_25 : memref<10240x64xf32, #tpu.memory_space<hbm>>) target(%arg9 : memref<128x64xf32, #tpu.memory_space<vmem>>) offsets(%dma_start3A_22 : memref<128xi32, #tpu.memory_space<vmem>>) semaphore(%arg13 : memref<!tpu.dma_semaphore, #tpu.memory_space<semaphore_mem>>)
    %dma_start3A_26 = arith.constant 1 : i32
    %dma_start3A_27 = arith.constant 0 : i32
    %dma_start3A_28 = tpu.memref_slice %arg7[%dma_start3A_26, %dma_start3A_27] : memref<160x128xi32, #tpu.memory_space<vmem>> -> memref<1x128xi32, #tpu.memory_space<vmem>>
    %dma_start3A_29 = tpu.memref_squeeze %dma_start3A_28 : memref<1x128xi32, #tpu.memory_space<vmem>> -> memref<128xi32, #tpu.memory_space<vmem>>
    %dma_start3A_30 = arith.constant 0 : i32
    %dma_start3A_31 = arith.constant 0 : i32
    %dma_start3A_32 = tpu.memref_slice %arg2[%dma_start3A_30, %dma_start3A_31] : memref<10240x64xf32, #tpu.memory_space<hbm>> -> memref<10240x64xf32, #tpu.memory_space<hbm>>
    tpu.enqueue_indirect_dma source(%dma_start3A_32 : memref<10240x64xf32, #tpu.memory_space<hbm>>) target(%arg10 : memref<128x64xf32, #tpu.memory_space<vmem>>) offsets(%dma_start3A_29 : memref<128xi32, #tpu.memory_space<vmem>>) semaphore(%arg14 : memref<!tpu.dma_semaphore, #tpu.memory_space<semaphore_mem>>)
    %scan3A_33 = arith.constant 0 : i32
    %scan3A_34 = arith.constant 0 : i32
    %scan3A_35 = arith.constant 80 : i32
    %scan3A_36 = arith.addi %scan3A_34, %scan3A_35 : i32
    %scan3A_37 = arith.constant 1 : i32
    scf.for %scan3A_101 = %scan3A_34 to %scan3A_36 step %scan3A_37  : i32 {
      %mul3A_102 = arith.constant 2 : i32
      %mul3A_103 = arith.muli %mul3A_102, %scan3A_101 : i32
      %add3A_104 = arith.constant 0 : i32
      %add3A_105 = arith.addi %mul3A_103, %add3A_104 : i32
      %dma_wait3A = arith.constant 0 : i32
      %dma_wait3A_106 = arith.constant 0 : i32
      %dma_wait3A_107 = tpu.memref_slice %arg2[%dma_wait3A, %dma_wait3A_106] : memref<10240x64xf32, #tpu.memory_space<hbm>> -> memref<128x64xf32, #tpu.memory_space<hbm>>
      %dma_wait3A_108 = arith.constant 0 : i32
      %dma_wait3A_109 = arith.constant 0 : i32
      %dma_wait3A_110 = tpu.memref_slice %arg2[%dma_wait3A_108, %dma_wait3A_109] : memref<10240x64xf32, #tpu.memory_space<hbm>> -> memref<128x64xf32, #tpu.memory_space<hbm>>
      tpu.wait_dma2 semaphore(%arg13 : memref<!tpu.dma_semaphore, #tpu.memory_space<semaphore_mem>>) src(%dma_wait3A_110 : memref<128x64xf32, #tpu.memory_space<hbm>>) dst(%arg9 : memref<128x64xf32, #tpu.memory_space<vmem>>)
      "tpu.region"() ({
        %run_scoped3A_132 = tpu.sem_alloc : memref<!tpu.dma_semaphore, #tpu.memory_space<semaphore_mem>>
        %dma_start3A_133 = arith.constant 0 : i32
        %dma_start3A_134 = tpu.memref_slice %arg8[%add3A_105, %dma_start3A_133] : memref<160x128xi32, #tpu.memory_space<vmem>> -> memref<1x128xi32, #tpu.memory_space<vmem>>
        %dma_start3A_135 = tpu.memref_squeeze %dma_start3A_134 : memref<1x128xi32, #tpu.memory_space<vmem>> -> memref<128xi32, #tpu.memory_space<vmem>>
        %dma_start3A_136 = arith.constant 0 : i32
        %dma_start3A_137 = arith.constant 0 : i32
        %dma_start3A_138 = tpu.memref_slice %arg12[%dma_start3A_136, %dma_start3A_137] : memref<10240x64xf32, #tpu.memory_space<vmem_shared>> -> memref<10240x64xf32, #tpu.memory_space<vmem_shared>>
        tpu.enqueue_indirect_dma source(%arg9 : memref<128x64xf32, #tpu.memory_space<vmem>>) target(%dma_start3A_138 : memref<10240x64xf32, #tpu.memory_space<vmem_shared>>) offsets(%dma_start3A_135 : memref<128xi32, #tpu.memory_space<vmem>>) semaphore(%run_scoped3A_132 : memref<!tpu.dma_semaphore, #tpu.memory_space<semaphore_mem>>) {add = true}
        %dma_wait3A_139 = arith.constant 0 : i32
        %dma_wait3A_140 = tpu.memref_slice %arg8[%add3A_105, %dma_wait3A_139] : memref<160x128xi32, #tpu.memory_space<vmem>> -> memref<1x128xi32, #tpu.memory_space<vmem>>
        %dma_wait3A_141 = tpu.memref_squeeze %dma_wait3A_140 : memref<1x128xi32, #tpu.memory_space<vmem>> -> memref<128xi32, #tpu.memory_space<vmem>>
        %dma_wait3A_142 = arith.constant 0 : i32
        %dma_wait3A_143 = arith.constant 0 : i32
        %dma_wait3A_144 = tpu.memref_slice %arg12[%dma_wait3A_142, %dma_wait3A_143] : memref<10240x64xf32, #tpu.memory_space<vmem_shared>> -> memref<10240x64xf32, #tpu.memory_space<vmem_shared>>
        tpu.wait_indirect_dma semaphore(%run_scoped3A_132 : memref<!tpu.dma_semaphore, #tpu.memory_space<semaphore_mem>>) src(%arg9 : memref<128x64xf32, #tpu.memory_space<vmem>>) dst(%dma_wait3A_144 : memref<10240x64xf32, #tpu.memory_space<vmem_shared>>)
        tpu.yield
      }) : () -> ()
      "tpu.region"() ({
        %run_scoped3A_132 = tpu.sem_alloc : memref<!tpu.dma_semaphore, #tpu.memory_space<semaphore_mem>>
        %dma_start3A_133 = arith.constant 0 : i32
        %dma_start3A_134 = tpu.memref_slice %arg8[%add3A_105, %dma_start3A_133] : memref<160x128xi32, #tpu.memory_space<vmem>> -> memref<1x128xi32, #tpu.memory_space<vmem>>
        %dma_start3A_135 = tpu.memref_squeeze %dma_start3A_134 : memref<1x128xi32, #tpu.memory_space<vmem>> -> memref<128xi32, #tpu.memory_space<vmem>>
        %dma_start3A_136 = arith.constant 0 : i32
        %dma_start3A_137 = arith.constant 0 : i32
        %dma_start3A_138 = tpu.memref_slice %arg17[%dma_start3A_136, %dma_start3A_137] : memref<10240x16xf32, #tpu.memory_space<vmem_shared>> -> memref<10240x16xf32, #tpu.memory_space<vmem_shared>>
        tpu.enqueue_indirect_dma source(%arg15 : memref<128x16xf32, #tpu.memory_space<vmem>>) target(%dma_start3A_138 : memref<10240x16xf32, #tpu.memory_space<vmem_shared>>) offsets(%dma_start3A_135 : memref<128xi32, #tpu.memory_space<vmem>>) semaphore(%run_scoped3A_132 : memref<!tpu.dma_semaphore, #tpu.memory_space<semaphore_mem>>) {add = true}
        %dma_wait3A_139 = arith.constant 0 : i32
        %dma_wait3A_140 = tpu.memref_slice %arg8[%add3A_105, %dma_wait3A_139] : memref<160x128xi32, #tpu.memory_space<vmem>> -> memref<1x128xi32, #tpu.memory_space<vmem>>
        %dma_wait3A_141 = tpu.memref_squeeze %dma_wait3A_140 : memref<1x128xi32, #tpu.memory_space<vmem>> -> memref<128xi32, #tpu.memory_space<vmem>>
        %dma_wait3A_142 = arith.constant 0 : i32
        %dma_wait3A_143 = arith.constant 0 : i32
        %dma_wait3A_144 = tpu.memref_slice %arg17[%dma_wait3A_142, %dma_wait3A_143] : memref<10240x16xf32, #tpu.memory_space<vmem_shared>> -> memref<10240x16xf32, #tpu.memory_space<vmem_shared>>
        tpu.wait_indirect_dma semaphore(%run_scoped3A_132 : memref<!tpu.dma_semaphore, #tpu.memory_space<semaphore_mem>>) src(%arg15 : memref<128x16xf32, #tpu.memory_space<vmem>>) dst(%dma_wait3A_144 : memref<10240x16xf32, #tpu.memory_space<vmem_shared>>)
        tpu.yield
      }) : () -> ()
      %add3A_111 = arith.constant 2 : i32
      %add3A_112 = arith.addi %add3A_105, %add3A_111 : i32
      %lt3A = arith.constant 160 : i32
      %lt3A_113 = arith.cmpi slt, %add3A_112, %lt3A : i32
      %convert_element_type3A = arith.extui %lt3A_113 : i1 to i32
      %cond3A = arith.constant 0 : i32
      %cond3A_114 = arith.cmpi ne, %convert_element_type3A, %cond3A : i32
      scf.if %cond3A_114 {
        %add3A_132 = arith.constant 2 : i32
        %add3A_133 = arith.addi %add3A_105, %add3A_132 : i32
        %dma_start3A_134 = arith.constant 0 : i32
        %dma_start3A_135 = tpu.memref_slice %arg7[%add3A_133, %dma_start3A_134] : memref<160x128xi32, #tpu.memory_space<vmem>> -> memref<1x128xi32, #tpu.memory_space<vmem>>
        %dma_start3A_136 = tpu.memref_squeeze %dma_start3A_135 : memref<1x128xi32, #tpu.memory_space<vmem>> -> memref<128xi32, #tpu.memory_space<vmem>>
        %dma_start3A_137 = arith.constant 0 : i32
        %dma_start3A_138 = arith.constant 0 : i32
        %dma_start3A_139 = tpu.memref_slice %arg2[%dma_start3A_137, %dma_start3A_138] : memref<10240x64xf32, #tpu.memory_space<hbm>> -> memref<10240x64xf32, #tpu.memory_space<hbm>>
        tpu.enqueue_indirect_dma source(%dma_start3A_139 : memref<10240x64xf32, #tpu.memory_space<hbm>>) target(%arg9 : memref<128x64xf32, #tpu.memory_space<vmem>>) offsets(%dma_start3A_136 : memref<128xi32, #tpu.memory_space<vmem>>) semaphore(%arg13 : memref<!tpu.dma_semaphore, #tpu.memory_space<semaphore_mem>>)
      } else {
      }
      %mul3A_115 = arith.constant 2 : i32
      %mul3A_116 = arith.muli %mul3A_115, %scan3A_101 : i32
      %add3A_117 = arith.constant 1 : i32
      %add3A_118 = arith.addi %mul3A_116, %add3A_117 : i32
      %dma_wait3A_119 = arith.constant 0 : i32
      %dma_wait3A_120 = arith.constant 0 : i32
      %dma_wait3A_121 = tpu.memref_slice %arg2[%dma_wait3A_119, %dma_wait3A_120] : memref<10240x64xf32, #tpu.memory_space<hbm>> -> memref<128x64xf32, #tpu.memory_space<hbm>>
      %dma_wait3A_122 = arith.constant 0 : i32
      %dma_wait3A_123 = arith.constant 0 : i32
      %dma_wait3A_124 = tpu.memref_slice %arg2[%dma_wait3A_122, %dma_wait3A_123] : memref<10240x64xf32, #tpu.memory_space<hbm>> -> memref<128x64xf32, #tpu.memory_space<hbm>>
      tpu.wait_dma2 semaphore(%arg14 : memref<!tpu.dma_semaphore, #tpu.memory_space<semaphore_mem>>) src(%dma_wait3A_124 : memref<128x64xf32, #tpu.memory_space<hbm>>) dst(%arg10 : memref<128x64xf32, #tpu.memory_space<vmem>>)
      "tpu.region"() ({
        %run_scoped3A_132 = tpu.sem_alloc : memref<!tpu.dma_semaphore, #tpu.memory_space<semaphore_mem>>
        %dma_start3A_133 = arith.constant 0 : i32
        %dma_start3A_134 = tpu.memref_slice %arg8[%add3A_118, %dma_start3A_133] : memref<160x128xi32, #tpu.memory_space<vmem>> -> memref<1x128xi32, #tpu.memory_space<vmem>>
        %dma_start3A_135 = tpu.memref_squeeze %dma_start3A_134 : memref<1x128xi32, #tpu.memory_space<vmem>> -> memref<128xi32, #tpu.memory_space<vmem>>
        %dma_start3A_136 = arith.constant 0 : i32
        %dma_start3A_137 = arith.constant 0 : i32
        %dma_start3A_138 = tpu.memref_slice %arg12[%dma_start3A_136, %dma_start3A_137] : memref<10240x64xf32, #tpu.memory_space<vmem_shared>> -> memref<10240x64xf32, #tpu.memory_space<vmem_shared>>
        tpu.enqueue_indirect_dma source(%arg10 : memref<128x64xf32, #tpu.memory_space<vmem>>) target(%dma_start3A_138 : memref<10240x64xf32, #tpu.memory_space<vmem_shared>>) offsets(%dma_start3A_135 : memref<128xi32, #tpu.memory_space<vmem>>) semaphore(%run_scoped3A_132 : memref<!tpu.dma_semaphore, #tpu.memory_space<semaphore_mem>>) {add = true}
        %dma_wait3A_139 = arith.constant 0 : i32
        %dma_wait3A_140 = tpu.memref_slice %arg8[%add3A_118, %dma_wait3A_139] : memref<160x128xi32, #tpu.memory_space<vmem>> -> memref<1x128xi32, #tpu.memory_space<vmem>>
        %dma_wait3A_141 = tpu.memref_squeeze %dma_wait3A_140 : memref<1x128xi32, #tpu.memory_space<vmem>> -> memref<128xi32, #tpu.memory_space<vmem>>
        %dma_wait3A_142 = arith.constant 0 : i32
        %dma_wait3A_143 = arith.constant 0 : i32
        %dma_wait3A_144 = tpu.memref_slice %arg12[%dma_wait3A_142, %dma_wait3A_143] : memref<10240x64xf32, #tpu.memory_space<vmem_shared>> -> memref<10240x64xf32, #tpu.memory_space<vmem_shared>>
        tpu.wait_indirect_dma semaphore(%run_scoped3A_132 : memref<!tpu.dma_semaphore, #tpu.memory_space<semaphore_mem>>) src(%arg10 : memref<128x64xf32, #tpu.memory_space<vmem>>) dst(%dma_wait3A_144 : memref<10240x64xf32, #tpu.memory_space<vmem_shared>>)
        tpu.yield
      }) : () -> ()
      "tpu.region"() ({
        %run_scoped3A_132 = tpu.sem_alloc : memref<!tpu.dma_semaphore, #tpu.memory_space<semaphore_mem>>
        %dma_start3A_133 = arith.constant 0 : i32
        %dma_start3A_134 = tpu.memref_slice %arg8[%add3A_118, %dma_start3A_133] : memref<160x128xi32, #tpu.memory_space<vmem>> -> memref<1x128xi32, #tpu.memory_space<vmem>>
        %dma_start3A_135 = tpu.memref_squeeze %dma_start3A_134 : memref<1x128xi32, #tpu.memory_space<vmem>> -> memref<128xi32, #tpu.memory_space<vmem>>
        %dma_start3A_136 = arith.constant 0 : i32
        %dma_start3A_137 = arith.constant 0 : i32
        %dma_start3A_138 = tpu.memref_slice %arg17[%dma_start3A_136, %dma_start3A_137] : memref<10240x16xf32, #tpu.memory_space<vmem_shared>> -> memref<10240x16xf32, #tpu.memory_space<vmem_shared>>
        tpu.enqueue_indirect_dma source(%arg15 : memref<128x16xf32, #tpu.memory_space<vmem>>) target(%dma_start3A_138 : memref<10240x16xf32, #tpu.memory_space<vmem_shared>>) offsets(%dma_start3A_135 : memref<128xi32, #tpu.memory_space<vmem>>) semaphore(%run_scoped3A_132 : memref<!tpu.dma_semaphore, #tpu.memory_space<semaphore_mem>>) {add = true}
        %dma_wait3A_139 = arith.constant 0 : i32
        %dma_wait3A_140 = tpu.memref_slice %arg8[%add3A_118, %dma_wait3A_139] : memref<160x128xi32, #tpu.memory_space<vmem>> -> memref<1x128xi32, #tpu.memory_space<vmem>>
        %dma_wait3A_141 = tpu.memref_squeeze %dma_wait3A_140 : memref<1x128xi32, #tpu.memory_space<vmem>> -> memref<128xi32, #tpu.memory_space<vmem>>
        %dma_wait3A_142 = arith.constant 0 : i32
        %dma_wait3A_143 = arith.constant 0 : i32
        %dma_wait3A_144 = tpu.memref_slice %arg17[%dma_wait3A_142, %dma_wait3A_143] : memref<10240x16xf32, #tpu.memory_space<vmem_shared>> -> memref<10240x16xf32, #tpu.memory_space<vmem_shared>>
        tpu.wait_indirect_dma semaphore(%run_scoped3A_132 : memref<!tpu.dma_semaphore, #tpu.memory_space<semaphore_mem>>) src(%arg15 : memref<128x16xf32, #tpu.memory_space<vmem>>) dst(%dma_wait3A_144 : memref<10240x16xf32, #tpu.memory_space<vmem_shared>>)
        tpu.yield
      }) : () -> ()
      %add3A_125 = arith.constant 2 : i32
      %add3A_126 = arith.addi %add3A_118, %add3A_125 : i32
      %lt3A_127 = arith.constant 160 : i32
      %lt3A_128 = arith.cmpi slt, %add3A_126, %lt3A_127 : i32
      %convert_element_type3A_129 = arith.extui %lt3A_128 : i1 to i32
      %cond3A_130 = arith.constant 0 : i32
      %cond3A_131 = arith.cmpi ne, %convert_element_type3A_129, %cond3A_130 : i32
      scf.if %cond3A_131 {
        %add3A_132 = arith.constant 2 : i32
        %add3A_133 = arith.addi %add3A_118, %add3A_132 : i32
        %dma_start3A_134 = arith.constant 0 : i32
        %dma_start3A_135 = tpu.memref_slice %arg7[%add3A_133, %dma_start3A_134] : memref<160x128xi32, #tpu.memory_space<vmem>> -> memref<1x128xi32, #tpu.memory_space<vmem>>
        %dma_start3A_136 = tpu.memref_squeeze %dma_start3A_135 : memref<1x128xi32, #tpu.memory_space<vmem>> -> memref<128xi32, #tpu.memory_space<vmem>>
        %dma_start3A_137 = arith.constant 0 : i32
        %dma_start3A_138 = arith.constant 0 : i32
        %dma_start3A_139 = tpu.memref_slice %arg2[%dma_start3A_137, %dma_start3A_138] : memref<10240x64xf32, #tpu.memory_space<hbm>> -> memref<10240x64xf32, #tpu.memory_space<hbm>>
        tpu.enqueue_indirect_dma source(%dma_start3A_139 : memref<10240x64xf32, #tpu.memory_space<hbm>>) target(%arg10 : memref<128x64xf32, #tpu.memory_space<vmem>>) offsets(%dma_start3A_136 : memref<128xi32, #tpu.memory_space<vmem>>) semaphore(%arg14 : memref<!tpu.dma_semaphore, #tpu.memory_space<semaphore_mem>>)
      } else {
      }
    }
    %scan3A_38 = arith.constant 80 : i32
    %barrier3A_39 = arith.constant 0 : index
    tpu.barrier barrier_id(%barrier3A_39)
    %add3A_40 = arith.constant 0 : i32
    %add3A_41 = arith.addi %mul3A_0, %add3A_40 : i32
    "tpu.region"() ({
      %run_scoped3A_101 = tpu.sem_alloc : memref<!tpu.dma_semaphore, #tpu.memory_space<semaphore_mem>>
      %dma_start3A_102 = arith.constant 0 : i32
      %dma_start3A_103 = tpu.memref_slice %arg12[%add3A_41, %dma_start3A_102] : memref<10240x64xf32, #tpu.memory_space<vmem_shared>> -> memref<128x64xf32, #tpu.memory_space<vmem_shared>>
      %dma_start3A_104 = arith.constant 0 : i32
      %dma_start3A_105 = tpu.memref_slice %arg12[%add3A_41, %dma_start3A_104] : memref<10240x64xf32, #tpu.memory_space<vmem_shared>> -> memref<128x64xf32, #tpu.memory_space<vmem_shared>>
      tpu.enqueue_dma source(%dma_start3A_105 : memref<128x64xf32, #tpu.memory_space<vmem_shared>>) target(%arg9 : memref<128x64xf32, #tpu.memory_space<vmem>>) target_semaphore(%run_scoped3A_101 : memref<!tpu.dma_semaphore, #tpu.memory_space<semaphore_mem>>)
      %dma_wait3A = arith.constant 0 : i32
      %dma_wait3A_106 = tpu.memref_slice %arg12[%add3A_41, %dma_wait3A] : memref<10240x64xf32, #tpu.memory_space<vmem_shared>> -> memref<128x64xf32, #tpu.memory_space<vmem_shared>>
      %dma_wait3A_107 = arith.constant 0 : i32
      %dma_wait3A_108 = tpu.memref_slice %arg12[%add3A_41, %dma_wait3A_107] : memref<10240x64xf32, #tpu.memory_space<vmem_shared>> -> memref<128x64xf32, #tpu.memory_space<vmem_shared>>
      tpu.wait_dma2 semaphore(%run_scoped3A_101 : memref<!tpu.dma_semaphore, #tpu.memory_space<semaphore_mem>>) src(%dma_wait3A_108 : memref<128x64xf32, #tpu.memory_space<vmem_shared>>) dst(%arg9 : memref<128x64xf32, #tpu.memory_space<vmem>>)
      tpu.yield
    }) : () -> ()
    %run_scoped3A = arith.constant 0 : i32
    "tpu.region"() ({
      %run_scoped3A_101 = tpu.sem_alloc : memref<!tpu.dma_semaphore, #tpu.memory_space<semaphore_mem>>
      %dma_start3A_102 = arith.constant 0 : i32
      %dma_start3A_103 = tpu.memref_slice %arg5[%run_scoped3A, %arg0, %add3A_41, %dma_start3A_102] : memref<2x2x10240x64xf32, #tpu.memory_space<hbm>> -> memref<1x1x128x64xf32, #tpu.memory_space<hbm>>
      %dma_start3A_104 = tpu.memref_squeeze %dma_start3A_103 : memref<1x1x128x64xf32, #tpu.memory_space<hbm>> -> memref<128x64xf32, #tpu.memory_space<hbm>>
      %dma_start3A_105 = arith.constant 0 : i32
      %dma_start3A_106 = tpu.memref_slice %arg5[%run_scoped3A, %arg0, %add3A_41, %dma_start3A_105] : memref<2x2x10240x64xf32, #tpu.memory_space<hbm>> -> memref<1x1x128x64xf32, #tpu.memory_space<hbm>>
      %dma_start3A_107 = tpu.memref_squeeze %dma_start3A_106 : memref<1x1x128x64xf32, #tpu.memory_space<hbm>> -> memref<128x64xf32, #tpu.memory_space<hbm>>
      tpu.enqueue_dma source(%arg9 : memref<128x64xf32, #tpu.memory_space<vmem>>) target(%dma_start3A_107 : memref<128x64xf32, #tpu.memory_space<hbm>>) target_semaphore(%run_scoped3A_101 : memref<!tpu.dma_semaphore, #tpu.memory_space<semaphore_mem>>)
      %dma_wait3A = arith.constant 0 : i32
      %dma_wait3A_108 = tpu.memref_slice %arg5[%run_scoped3A, %arg0, %add3A_41, %dma_wait3A] : memref<2x2x10240x64xf32, #tpu.memory_space<hbm>> -> memref<1x1x128x64xf32, #tpu.memory_space<hbm>>
      %dma_wait3A_109 = tpu.memref_squeeze %dma_wait3A_108 : memref<1x1x128x64xf32, #tpu.memory_space<hbm>> -> memref<128x64xf32, #tpu.memory_space<hbm>>
      %dma_wait3A_110 = arith.constant 0 : i32
      %dma_wait3A_111 = tpu.memref_slice %arg5[%run_scoped3A, %arg0, %add3A_41, %dma_wait3A_110] : memref<2x2x10240x64xf32, #tpu.memory_space<hbm>> -> memref<1x1x128x64xf32, #tpu.memory_space<hbm>>
      %dma_wait3A_112 = tpu.memref_squeeze %dma_wait3A_111 : memref<1x1x128x64xf32, #tpu.memory_space<hbm>> -> memref<128x64xf32, #tpu.memory_space<hbm>>
      tpu.wait_dma2 semaphore(%run_scoped3A_101 : memref<!tpu.dma_semaphore, #tpu.memory_space<semaphore_mem>>) src(%arg9 : memref<128x64xf32, #tpu.memory_space<vmem>>) dst(%dma_wait3A_112 : memref<128x64xf32, #tpu.memory_space<hbm>>)
      tpu.yield
    }) : () -> ()
    "tpu.region"() ({
      %run_scoped3A_101 = tpu.sem_alloc : memref<!tpu.dma_semaphore, #tpu.memory_space<semaphore_mem>>
      %dma_start3A_102 = arith.constant 0 : i32
      %dma_start3A_103 = tpu.memref_slice %arg17[%add3A_41, %dma_start3A_102] : memref<10240x16xf32, #tpu.memory_space<vmem_shared>> -> memref<128x16xf32, #tpu.memory_space<vmem_shared>>
      %dma_start3A_104 = arith.constant 0 : i32
      %dma_start3A_105 = tpu.memref_slice %arg17[%add3A_41, %dma_start3A_104] : memref<10240x16xf32, #tpu.memory_space<vmem_shared>> -> memref<128x16xf32, #tpu.memory_space<vmem_shared>>
      tpu.enqueue_dma source(%dma_start3A_105 : memref<128x16xf32, #tpu.memory_space<vmem_shared>>) target(%arg16 : memref<128x16xf32, #tpu.memory_space<vmem>>) target_semaphore(%run_scoped3A_101 : memref<!tpu.dma_semaphore, #tpu.memory_space<semaphore_mem>>)
      %dma_wait3A = arith.constant 0 : i32
      %dma_wait3A_106 = tpu.memref_slice %arg17[%add3A_41, %dma_wait3A] : memref<10240x16xf32, #tpu.memory_space<vmem_shared>> -> memref<128x16xf32, #tpu.memory_space<vmem_shared>>
      %dma_wait3A_107 = arith.constant 0 : i32
      %dma_wait3A_108 = tpu.memref_slice %arg17[%add3A_41, %dma_wait3A_107] : memref<10240x16xf32, #tpu.memory_space<vmem_shared>> -> memref<128x16xf32, #tpu.memory_space<vmem_shared>>
      tpu.wait_dma2 semaphore(%run_scoped3A_101 : memref<!tpu.dma_semaphore, #tpu.memory_space<semaphore_mem>>) src(%dma_wait3A_108 : memref<128x16xf32, #tpu.memory_space<vmem_shared>>) dst(%arg16 : memref<128x16xf32, #tpu.memory_space<vmem>>)
      tpu.yield
    }) : () -> ()
    "tpu.region"() ({
      %run_scoped3A_101 = tpu.sem_alloc : memref<!tpu.dma_semaphore, #tpu.memory_space<semaphore_mem>>
      %dma_start3A_102 = arith.constant 0 : i32
      %dma_start3A_103 = tpu.memref_slice %arg6[%arg0, %add3A_41, %dma_start3A_102] : memref<2x10240x16xf32, #tpu.memory_space<hbm>> -> memref<1x128x16xf32, #tpu.memory_space<hbm>>
      %dma_start3A_104 = tpu.memref_squeeze %dma_start3A_103 : memref<1x128x16xf32, #tpu.memory_space<hbm>> -> memref<128x16xf32, #tpu.memory_space<hbm>>
      %dma_start3A_105 = arith.constant 0 : i32
      %dma_start3A_106 = tpu.memref_slice %arg6[%arg0, %add3A_41, %dma_start3A_105] : memref<2x10240x16xf32, #tpu.memory_space<hbm>> -> memref<1x128x16xf32, #tpu.memory_space<hbm>>
      %dma_start3A_107 = tpu.memref_squeeze %dma_start3A_106 : memref<1x128x16xf32, #tpu.memory_space<hbm>> -> memref<128x16xf32, #tpu.memory_space<hbm>>
      tpu.enqueue_dma source(%arg16 : memref<128x16xf32, #tpu.memory_space<vmem>>) target(%dma_start3A_107 : memref<128x16xf32, #tpu.memory_space<hbm>>) target_semaphore(%run_scoped3A_101 : memref<!tpu.dma_semaphore, #tpu.memory_space<semaphore_mem>>)
      %dma_wait3A = arith.constant 0 : i32
      %dma_wait3A_108 = tpu.memref_slice %arg6[%arg0, %add3A_41, %dma_wait3A] : memref<2x10240x16xf32, #tpu.memory_space<hbm>> -> memref<1x128x16xf32, #tpu.memory_space<hbm>>
      %dma_wait3A_109 = tpu.memref_squeeze %dma_wait3A_108 : memref<1x128x16xf32, #tpu.memory_space<hbm>> -> memref<128x16xf32, #tpu.memory_space<hbm>>
      %dma_wait3A_110 = arith.constant 0 : i32
      %dma_wait3A_111 = tpu.memref_slice %arg6[%arg0, %add3A_41, %dma_wait3A_110] : memref<2x10240x16xf32, #tpu.memory_space<hbm>> -> memref<1x128x16xf32, #tpu.memory_space<hbm>>
      %dma_wait3A_112 = tpu.memref_squeeze %dma_wait3A_111 : memref<1x128x16xf32, #tpu.memory_space<hbm>> -> memref<128x16xf32, #tpu.memory_space<hbm>>
      tpu.wait_dma2 semaphore(%run_scoped3A_101 : memref<!tpu.dma_semaphore, #tpu.memory_space<semaphore_mem>>) src(%arg16 : memref<128x16xf32, #tpu.memory_space<vmem>>) dst(%dma_wait3A_112 : memref<128x16xf32, #tpu.memory_space<hbm>>)
      tpu.yield
    }) : () -> ()
    %add3A_42 = arith.constant 128 : i32
    %add3A_43 = arith.addi %mul3A_0, %add3A_42 : i32
    "tpu.region"() ({
      %run_scoped3A_101 = tpu.sem_alloc : memref<!tpu.dma_semaphore, #tpu.memory_space<semaphore_mem>>
      %dma_start3A_102 = arith.constant 0 : i32
      %dma_start3A_103 = tpu.memref_slice %arg12[%add3A_43, %dma_start3A_102] : memref<10240x64xf32, #tpu.memory_space<vmem_shared>> -> memref<128x64xf32, #tpu.memory_space<vmem_shared>>
      %dma_start3A_104 = arith.constant 0 : i32
      %dma_start3A_105 = tpu.memref_slice %arg12[%add3A_43, %dma_start3A_104] : memref<10240x64xf32, #tpu.memory_space<vmem_shared>> -> memref<128x64xf32, #tpu.memory_space<vmem_shared>>
      tpu.enqueue_dma source(%dma_start3A_105 : memref<128x64xf32, #tpu.memory_space<vmem_shared>>) target(%arg9 : memref<128x64xf32, #tpu.memory_space<vmem>>) target_semaphore(%run_scoped3A_101 : memref<!tpu.dma_semaphore, #tpu.memory_space<semaphore_mem>>)
      %dma_wait3A = arith.constant 0 : i32
      %dma_wait3A_106 = tpu.memref_slice %arg12[%add3A_43, %dma_wait3A] : memref<10240x64xf32, #tpu.memory_space<vmem_shared>> -> memref<128x64xf32, #tpu.memory_space<vmem_shared>>
      %dma_wait3A_107 = arith.constant 0 : i32
      %dma_wait3A_108 = tpu.memref_slice %arg12[%add3A_43, %dma_wait3A_107] : memref<10240x64xf32, #tpu.memory_space<vmem_shared>> -> memref<128x64xf32, #tpu.memory_space<vmem_shared>>
      tpu.wait_dma2 semaphore(%run_scoped3A_101 : memref<!tpu.dma_semaphore, #tpu.memory_space<semaphore_mem>>) src(%dma_wait3A_108 : memref<128x64xf32, #tpu.memory_space<vmem_shared>>) dst(%arg9 : memref<128x64xf32, #tpu.memory_space<vmem>>)
      tpu.yield
    }) : () -> ()
    %run_scoped3A_44 = arith.constant 0 : i32
    "tpu.region"() ({
      %run_scoped3A_101 = tpu.sem_alloc : memref<!tpu.dma_semaphore, #tpu.memory_space<semaphore_mem>>
      %dma_start3A_102 = arith.constant 0 : i32
      %dma_start3A_103 = tpu.memref_slice %arg5[%run_scoped3A_44, %arg0, %add3A_43, %dma_start3A_102] : memref<2x2x10240x64xf32, #tpu.memory_space<hbm>> -> memref<1x1x128x64xf32, #tpu.memory_space<hbm>>
      %dma_start3A_104 = tpu.memref_squeeze %dma_start3A_103 : memref<1x1x128x64xf32, #tpu.memory_space<hbm>> -> memref<128x64xf32, #tpu.memory_space<hbm>>
      %dma_start3A_105 = arith.constant 0 : i32
      %dma_start3A_106 = tpu.memref_slice %arg5[%run_scoped3A_44, %arg0, %add3A_43, %dma_start3A_105] : memref<2x2x10240x64xf32, #tpu.memory_space<hbm>> -> memref<1x1x128x64xf32, #tpu.memory_space<hbm>>
      %dma_start3A_107 = tpu.memref_squeeze %dma_start3A_106 : memref<1x1x128x64xf32, #tpu.memory_space<hbm>> -> memref<128x64xf32, #tpu.memory_space<hbm>>
      tpu.enqueue_dma source(%arg9 : memref<128x64xf32, #tpu.memory_space<vmem>>) target(%dma_start3A_107 : memref<128x64xf32, #tpu.memory_space<hbm>>) target_semaphore(%run_scoped3A_101 : memref<!tpu.dma_semaphore, #tpu.memory_space<semaphore_mem>>)
      %dma_wait3A = arith.constant 0 : i32
      %dma_wait3A_108 = tpu.memref_slice %arg5[%run_scoped3A_44, %arg0, %add3A_43, %dma_wait3A] : memref<2x2x10240x64xf32, #tpu.memory_space<hbm>> -> memref<1x1x128x64xf32, #tpu.memory_space<hbm>>
      %dma_wait3A_109 = tpu.memref_squeeze %dma_wait3A_108 : memref<1x1x128x64xf32, #tpu.memory_space<hbm>> -> memref<128x64xf32, #tpu.memory_space<hbm>>
      %dma_wait3A_110 = arith.constant 0 : i32
      %dma_wait3A_111 = tpu.memref_slice %arg5[%run_scoped3A_44, %arg0, %add3A_43, %dma_wait3A_110] : memref<2x2x10240x64xf32, #tpu.memory_space<hbm>> -> memref<1x1x128x64xf32, #tpu.memory_space<hbm>>
      %dma_wait3A_112 = tpu.memref_squeeze %dma_wait3A_111 : memref<1x1x128x64xf32, #tpu.memory_space<hbm>> -> memref<128x64xf32, #tpu.memory_space<hbm>>
      tpu.wait_dma2 semaphore(%run_scoped3A_101 : memref<!tpu.dma_semaphore, #tpu.memory_space<semaphore_mem>>) src(%arg9 : memref<128x64xf32, #tpu.memory_space<vmem>>) dst(%dma_wait3A_112 : memref<128x64xf32, #tpu.memory_space<hbm>>)
      tpu.yield
    }) : () -> ()
    "tpu.region"() ({
      %run_scoped3A_101 = tpu.sem_alloc : memref<!tpu.dma_semaphore, #tpu.memory_space<semaphore_mem>>
      %dma_start3A_102 = arith.constant 0 : i32
      %dma_start3A_103 = tpu.memref_slice %arg17[%add3A_43, %dma_start3A_102] : memref<10240x16xf32, #tpu.memory_space<vmem_shared>> -> memref<128x16xf32, #tpu.memory_space<vmem_shared>>
      %dma_start3A_104 = arith.constant 0 : i32
      %dma_start3A_105 = tpu.memref_slice %arg17[%add3A_43, %dma_start3A_104] : memref<10240x16xf32, #tpu.memory_space<vmem_shared>> -> memref<128x16xf32, #tpu.memory_space<vmem_shared>>
      tpu.enqueue_dma source(%dma_start3A_105 : memref<128x16xf32, #tpu.memory_space<vmem_shared>>) target(%arg16 : memref<128x16xf32, #tpu.memory_space<vmem>>) target_semaphore(%run_scoped3A_101 : memref<!tpu.dma_semaphore, #tpu.memory_space<semaphore_mem>>)
      %dma_wait3A = arith.constant 0 : i32
      %dma_wait3A_106 = tpu.memref_slice %arg17[%add3A_43, %dma_wait3A] : memref<10240x16xf32, #tpu.memory_space<vmem_shared>> -> memref<128x16xf32, #tpu.memory_space<vmem_shared>>
      %dma_wait3A_107 = arith.constant 0 : i32
      %dma_wait3A_108 = tpu.memref_slice %arg17[%add3A_43, %dma_wait3A_107] : memref<10240x16xf32, #tpu.memory_space<vmem_shared>> -> memref<128x16xf32, #tpu.memory_space<vmem_shared>>
      tpu.wait_dma2 semaphore(%run_scoped3A_101 : memref<!tpu.dma_semaphore, #tpu.memory_space<semaphore_mem>>) src(%dma_wait3A_108 : memref<128x16xf32, #tpu.memory_space<vmem_shared>>) dst(%arg16 : memref<128x16xf32, #tpu.memory_space<vmem>>)
      tpu.yield
    }) : () -> ()
    "tpu.region"() ({
      %run_scoped3A_101 = tpu.sem_alloc : memref<!tpu.dma_semaphore, #tpu.memory_space<semaphore_mem>>
      %dma_start3A_102 = arith.constant 0 : i32
      %dma_start3A_103 = tpu.memref_slice %arg6[%arg0, %add3A_43, %dma_start3A_102] : memref<2x10240x16xf32, #tpu.memory_space<hbm>> -> memref<1x128x16xf32, #tpu.memory_space<hbm>>
      %dma_start3A_104 = tpu.memref_squeeze %dma_start3A_103 : memref<1x128x16xf32, #tpu.memory_space<hbm>> -> memref<128x16xf32, #tpu.memory_space<hbm>>
      %dma_start3A_105 = arith.constant 0 : i32
      %dma_start3A_106 = tpu.memref_slice %arg6[%arg0, %add3A_43, %dma_start3A_105] : memref<2x10240x16xf32, #tpu.memory_space<hbm>> -> memref<1x128x16xf32, #tpu.memory_space<hbm>>
      %dma_start3A_107 = tpu.memref_squeeze %dma_start3A_106 : memref<1x128x16xf32, #tpu.memory_space<hbm>> -> memref<128x16xf32, #tpu.memory_space<hbm>>
      tpu.enqueue_dma source(%arg16 : memref<128x16xf32, #tpu.memory_space<vmem>>) target(%dma_start3A_107 : memref<128x16xf32, #tpu.memory_space<hbm>>) target_semaphore(%run_scoped3A_101 : memref<!tpu.dma_semaphore, #tpu.memory_space<semaphore_mem>>)
      %dma_wait3A = arith.constant 0 : i32
      %dma_wait3A_108 = tpu.memref_slice %arg6[%arg0, %add3A_43, %dma_wait3A] : memref<2x10240x16xf32, #tpu.memory_space<hbm>> -> memref<1x128x16xf32, #tpu.memory_space<hbm>>
      %dma_wait3A_109 = tpu.memref_squeeze %dma_wait3A_108 : memref<1x128x16xf32, #tpu.memory_space<hbm>> -> memref<128x16xf32, #tpu.memory_space<hbm>>
      %dma_wait3A_110 = arith.constant 0 : i32
      %dma_wait3A_111 = tpu.memref_slice %arg6[%arg0, %add3A_43, %dma_wait3A_110] : memref<2x10240x16xf32, #tpu.memory_space<hbm>> -> memref<1x128x16xf32, #tpu.memory_space<hbm>>
      %dma_wait3A_112 = tpu.memref_squeeze %dma_wait3A_111 : memref<1x128x16xf32, #tpu.memory_space<hbm>> -> memref<128x16xf32, #tpu.memory_space<hbm>>
      tpu.wait_dma2 semaphore(%run_scoped3A_101 : memref<!tpu.dma_semaphore, #tpu.memory_space<semaphore_mem>>) src(%arg16 : memref<128x16xf32, #tpu.memory_space<vmem>>) dst(%dma_wait3A_112 : memref<128x16xf32, #tpu.memory_space<hbm>>)
      tpu.yield
    }) : () -> ()
    %add3A_45 = arith.constant 256 : i32
    %add3A_46 = arith.addi %mul3A_0, %add3A_45 : i32
    "tpu.region"() ({
      %run_scoped3A_101 = tpu.sem_alloc : memref<!tpu.dma_semaphore, #tpu.memory_space<semaphore_mem>>
      %dma_start3A_102 = arith.constant 0 : i32
      %dma_start3A_103 = tpu.memref_slice %arg12[%add3A_46, %dma_start3A_102] : memref<10240x64xf32, #tpu.memory_space<vmem_shared>> -> memref<128x64xf32, #tpu.memory_space<vmem_shared>>
      %dma_start3A_104 = arith.constant 0 : i32
      %dma_start3A_105 = tpu.memref_slice %arg12[%add3A_46, %dma_start3A_104] : memref<10240x64xf32, #tpu.memory_space<vmem_shared>> -> memref<128x64xf32, #tpu.memory_space<vmem_shared>>
      tpu.enqueue_dma source(%dma_start3A_105 : memref<128x64xf32, #tpu.memory_space<vmem_shared>>) target(%arg9 : memref<128x64xf32, #tpu.memory_space<vmem>>) target_semaphore(%run_scoped3A_101 : memref<!tpu.dma_semaphore, #tpu.memory_space<semaphore_mem>>)
      %dma_wait3A = arith.constant 0 : i32
      %dma_wait3A_106 = tpu.memref_slice %arg12[%add3A_46, %dma_wait3A] : memref<10240x64xf32, #tpu.memory_space<vmem_shared>> -> memref<128x64xf32, #tpu.memory_space<vmem_shared>>
      %dma_wait3A_107 = arith.constant 0 : i32
      %dma_wait3A_108 = tpu.memref_slice %arg12[%add3A_46, %dma_wait3A_107] : memref<10240x64xf32, #tpu.memory_space<vmem_shared>> -> memref<128x64xf32, #tpu.memory_space<vmem_shared>>
      tpu.wait_dma2 semaphore(%run_scoped3A_101 : memref<!tpu.dma_semaphore, #tpu.memory_space<semaphore_mem>>) src(%dma_wait3A_108 : memref<128x64xf32, #tpu.memory_space<vmem_shared>>) dst(%arg9 : memref<128x64xf32, #tpu.memory_space<vmem>>)
      tpu.yield
    }) : () -> ()
    %run_scoped3A_47 = arith.constant 0 : i32
    "tpu.region"() ({
      %run_scoped3A_101 = tpu.sem_alloc : memref<!tpu.dma_semaphore, #tpu.memory_space<semaphore_mem>>
      %dma_start3A_102 = arith.constant 0 : i32
      %dma_start3A_103 = tpu.memref_slice %arg5[%run_scoped3A_47, %arg0, %add3A_46, %dma_start3A_102] : memref<2x2x10240x64xf32, #tpu.memory_space<hbm>> -> memref<1x1x128x64xf32, #tpu.memory_space<hbm>>
      %dma_start3A_104 = tpu.memref_squeeze %dma_start3A_103 : memref<1x1x128x64xf32, #tpu.memory_space<hbm>> -> memref<128x64xf32, #tpu.memory_space<hbm>>
      %dma_start3A_105 = arith.constant 0 : i32
      %dma_start3A_106 = tpu.memref_slice %arg5[%run_scoped3A_47, %arg0, %add3A_46, %dma_start3A_105] : memref<2x2x10240x64xf32, #tpu.memory_space<hbm>> -> memref<1x1x128x64xf32, #tpu.memory_space<hbm>>
      %dma_start3A_107 = tpu.memref_squeeze %dma_start3A_106 : memref<1x1x128x64xf32, #tpu.memory_space<hbm>> -> memref<128x64xf32, #tpu.memory_space<hbm>>
      tpu.enqueue_dma source(%arg9 : memref<128x64xf32, #tpu.memory_space<vmem>>) target(%dma_start3A_107 : memref<128x64xf32, #tpu.memory_space<hbm>>) target_semaphore(%run_scoped3A_101 : memref<!tpu.dma_semaphore, #tpu.memory_space<semaphore_mem>>)
      %dma_wait3A = arith.constant 0 : i32
      %dma_wait3A_108 = tpu.memref_slice %arg5[%run_scoped3A_47, %arg0, %add3A_46, %dma_wait3A] : memref<2x2x10240x64xf32, #tpu.memory_space<hbm>> -> memref<1x1x128x64xf32, #tpu.memory_space<hbm>>
      %dma_wait3A_109 = tpu.memref_squeeze %dma_wait3A_108 : memref<1x1x128x64xf32, #tpu.memory_space<hbm>> -> memref<128x64xf32, #tpu.memory_space<hbm>>
      %dma_wait3A_110 = arith.constant 0 : i32
      %dma_wait3A_111 = tpu.memref_slice %arg5[%run_scoped3A_47, %arg0, %add3A_46, %dma_wait3A_110] : memref<2x2x10240x64xf32, #tpu.memory_space<hbm>> -> memref<1x1x128x64xf32, #tpu.memory_space<hbm>>
      %dma_wait3A_112 = tpu.memref_squeeze %dma_wait3A_111 : memref<1x1x128x64xf32, #tpu.memory_space<hbm>> -> memref<128x64xf32, #tpu.memory_space<hbm>>
      tpu.wait_dma2 semaphore(%run_scoped3A_101 : memref<!tpu.dma_semaphore, #tpu.memory_space<semaphore_mem>>) src(%arg9 : memref<128x64xf32, #tpu.memory_space<vmem>>) dst(%dma_wait3A_112 : memref<128x64xf32, #tpu.memory_space<hbm>>)
      tpu.yield
    }) : () -> ()
    "tpu.region"() ({
      %run_scoped3A_101 = tpu.sem_alloc : memref<!tpu.dma_semaphore, #tpu.memory_space<semaphore_mem>>
      %dma_start3A_102 = arith.constant 0 : i32
      %dma_start3A_103 = tpu.memref_slice %arg17[%add3A_46, %dma_start3A_102] : memref<10240x16xf32, #tpu.memory_space<vmem_shared>> -> memref<128x16xf32, #tpu.memory_space<vmem_shared>>
      %dma_start3A_104 = arith.constant 0 : i32
      %dma_start3A_105 = tpu.memref_slice %arg17[%add3A_46, %dma_start3A_104] : memref<10240x16xf32, #tpu.memory_space<vmem_shared>> -> memref<128x16xf32, #tpu.memory_space<vmem_shared>>
      tpu.enqueue_dma source(%dma_start3A_105 : memref<128x16xf32, #tpu.memory_space<vmem_shared>>) target(%arg16 : memref<128x16xf32, #tpu.memory_space<vmem>>) target_semaphore(%run_scoped3A_101 : memref<!tpu.dma_semaphore, #tpu.memory_space<semaphore_mem>>)
      %dma_wait3A = arith.constant 0 : i32
      %dma_wait3A_106 = tpu.memref_slice %arg17[%add3A_46, %dma_wait3A] : memref<10240x16xf32, #tpu.memory_space<vmem_shared>> -> memref<128x16xf32, #tpu.memory_space<vmem_shared>>
      %dma_wait3A_107 = arith.constant 0 : i32
      %dma_wait3A_108 = tpu.memref_slice %arg17[%add3A_46, %dma_wait3A_107] : memref<10240x16xf32, #tpu.memory_space<vmem_shared>> -> memref<128x16xf32, #tpu.memory_space<vmem_shared>>
      tpu.wait_dma2 semaphore(%run_scoped3A_101 : memref<!tpu.dma_semaphore, #tpu.memory_space<semaphore_mem>>) src(%dma_wait3A_108 : memref<128x16xf32, #tpu.memory_space<vmem_shared>>) dst(%arg16 : memref<128x16xf32, #tpu.memory_space<vmem>>)
      tpu.yield
    }) : () -> ()
    "tpu.region"() ({
      %run_scoped3A_101 = tpu.sem_alloc : memref<!tpu.dma_semaphore, #tpu.memory_space<semaphore_mem>>
      %dma_start3A_102 = arith.constant 0 : i32
      %dma_start3A_103 = tpu.memref_slice %arg6[%arg0, %add3A_46, %dma_start3A_102] : memref<2x10240x16xf32, #tpu.memory_space<hbm>> -> memref<1x128x16xf32, #tpu.memory_space<hbm>>
      %dma_start3A_104 = tpu.memref_squeeze %dma_start3A_103 : memref<1x128x16xf32, #tpu.memory_space<hbm>> -> memref<128x16xf32, #tpu.memory_space<hbm>>
      %dma_start3A_105 = arith.constant 0 : i32
      %dma_start3A_106 = tpu.memref_slice %arg6[%arg0, %add3A_46, %dma_start3A_105] : memref<2x10240x16xf32, #tpu.memory_space<hbm>> -> memref<1x128x16xf32, #tpu.memory_space<hbm>>
      %dma_start3A_107 = tpu.memref_squeeze %dma_start3A_106 : memref<1x128x16xf32, #tpu.memory_space<hbm>> -> memref<128x16xf32, #tpu.memory_space<hbm>>
      tpu.enqueue_dma source(%arg16 : memref<128x16xf32, #tpu.memory_space<vmem>>) target(%dma_start3A_107 : memref<128x16xf32, #tpu.memory_space<hbm>>) target_semaphore(%run_scoped3A_101 : memref<!tpu.dma_semaphore, #tpu.memory_space<semaphore_mem>>)
      %dma_wait3A = arith.constant 0 : i32
      %dma_wait3A_108 = tpu.memref_slice %arg6[%arg0, %add3A_46, %dma_wait3A] : memref<2x10240x16xf32, #tpu.memory_space<hbm>> -> memref<1x128x16xf32, #tpu.memory_space<hbm>>
      %dma_wait3A_109 = tpu.memref_squeeze %dma_wait3A_108 : memref<1x128x16xf32, #tpu.memory_space<hbm>> -> memref<128x16xf32, #tpu.memory_space<hbm>>
      %dma_wait3A_110 = arith.constant 0 : i32
      %dma_wait3A_111 = tpu.memref_slice %arg6[%arg0, %add3A_46, %dma_wait3A_110] : memref<2x10240x16xf32, #tpu.memory_space<hbm>> -> memref<1x128x16xf32, #tpu.memory_space<hbm>>
      %dma_wait3A_112 = tpu.memref_squeeze %dma_wait3A_111 : memref<1x128x16xf32, #tpu.memory_space<hbm>> -> memref<128x16xf32, #tpu.memory_space<hbm>>
      tpu.wait_dma2 semaphore(%run_scoped3A_101 : memref<!tpu.dma_semaphore, #tpu.memory_space<semaphore_mem>>) src(%arg16 : memref<128x16xf32, #tpu.memory_space<vmem>>) dst(%dma_wait3A_112 : memref<128x16xf32, #tpu.memory_space<hbm>>)
      tpu.yield
    }) : () -> ()
    %add3A_48 = arith.constant 384 : i32
    %add3A_49 = arith.addi %mul3A_0, %add3A_48 : i32
    "tpu.region"() ({
      %run_scoped3A_101 = tpu.sem_alloc : memref<!tpu.dma_semaphore, #tpu.memory_space<semaphore_mem>>
      %dma_start3A_102 = arith.constant 0 : i32
      %dma_start3A_103 = tpu.memref_slice %arg12[%add3A_49, %dma_start3A_102] : memref<10240x64xf32, #tpu.memory_space<vmem_shared>> -> memref<128x64xf32, #tpu.memory_space<vmem_shared>>
      %dma_start3A_104 = arith.constant 0 : i32
      %dma_start3A_105 = tpu.memref_slice %arg12[%add3A_49, %dma_start3A_104] : memref<10240x64xf32, #tpu.memory_space<vmem_shared>> -> memref<128x64xf32, #tpu.memory_space<vmem_shared>>
      tpu.enqueue_dma source(%dma_start3A_105 : memref<128x64xf32, #tpu.memory_space<vmem_shared>>) target(%arg9 : memref<128x64xf32, #tpu.memory_space<vmem>>) target_semaphore(%run_scoped3A_101 : memref<!tpu.dma_semaphore, #tpu.memory_space<semaphore_mem>>)
      %dma_wait3A = arith.constant 0 : i32
      %dma_wait3A_106 = tpu.memref_slice %arg12[%add3A_49, %dma_wait3A] : memref<10240x64xf32, #tpu.memory_space<vmem_shared>> -> memref<128x64xf32, #tpu.memory_space<vmem_shared>>
      %dma_wait3A_107 = arith.constant 0 : i32
      %dma_wait3A_108 = tpu.memref_slice %arg12[%add3A_49, %dma_wait3A_107] : memref<10240x64xf32, #tpu.memory_space<vmem_shared>> -> memref<128x64xf32, #tpu.memory_space<vmem_shared>>
      tpu.wait_dma2 semaphore(%run_scoped3A_101 : memref<!tpu.dma_semaphore, #tpu.memory_space<semaphore_mem>>) src(%dma_wait3A_108 : memref<128x64xf32, #tpu.memory_space<vmem_shared>>) dst(%arg9 : memref<128x64xf32, #tpu.memory_space<vmem>>)
      tpu.yield
    }) : () -> ()
    %run_scoped3A_50 = arith.constant 0 : i32
    "tpu.region"() ({
      %run_scoped3A_101 = tpu.sem_alloc : memref<!tpu.dma_semaphore, #tpu.memory_space<semaphore_mem>>
      %dma_start3A_102 = arith.constant 0 : i32
      %dma_start3A_103 = tpu.memref_slice %arg5[%run_scoped3A_50, %arg0, %add3A_49, %dma_start3A_102] : memref<2x2x10240x64xf32, #tpu.memory_space<hbm>> -> memref<1x1x128x64xf32, #tpu.memory_space<hbm>>
      %dma_start3A_104 = tpu.memref_squeeze %dma_start3A_103 : memref<1x1x128x64xf32, #tpu.memory_space<hbm>> -> memref<128x64xf32, #tpu.memory_space<hbm>>
      %dma_start3A_105 = arith.constant 0 : i32
      %dma_start3A_106 = tpu.memref_slice %arg5[%run_scoped3A_50, %arg0, %add3A_49, %dma_start3A_105] : memref<2x2x10240x64xf32, #tpu.memory_space<hbm>> -> memref<1x1x128x64xf32, #tpu.memory_space<hbm>>
      %dma_start3A_107 = tpu.memref_squeeze %dma_start3A_106 : memref<1x1x128x64xf32, #tpu.memory_space<hbm>> -> memref<128x64xf32, #tpu.memory_space<hbm>>
      tpu.enqueue_dma source(%arg9 : memref<128x64xf32, #tpu.memory_space<vmem>>) target(%dma_start3A_107 : memref<128x64xf32, #tpu.memory_space<hbm>>) target_semaphore(%run_scoped3A_101 : memref<!tpu.dma_semaphore, #tpu.memory_space<semaphore_mem>>)
      %dma_wait3A = arith.constant 0 : i32
      %dma_wait3A_108 = tpu.memref_slice %arg5[%run_scoped3A_50, %arg0, %add3A_49, %dma_wait3A] : memref<2x2x10240x64xf32, #tpu.memory_space<hbm>> -> memref<1x1x128x64xf32, #tpu.memory_space<hbm>>
      %dma_wait3A_109 = tpu.memref_squeeze %dma_wait3A_108 : memref<1x1x128x64xf32, #tpu.memory_space<hbm>> -> memref<128x64xf32, #tpu.memory_space<hbm>>
      %dma_wait3A_110 = arith.constant 0 : i32
      %dma_wait3A_111 = tpu.memref_slice %arg5[%run_scoped3A_50, %arg0, %add3A_49, %dma_wait3A_110] : memref<2x2x10240x64xf32, #tpu.memory_space<hbm>> -> memref<1x1x128x64xf32, #tpu.memory_space<hbm>>
      %dma_wait3A_112 = tpu.memref_squeeze %dma_wait3A_111 : memref<1x1x128x64xf32, #tpu.memory_space<hbm>> -> memref<128x64xf32, #tpu.memory_space<hbm>>
      tpu.wait_dma2 semaphore(%run_scoped3A_101 : memref<!tpu.dma_semaphore, #tpu.memory_space<semaphore_mem>>) src(%arg9 : memref<128x64xf32, #tpu.memory_space<vmem>>) dst(%dma_wait3A_112 : memref<128x64xf32, #tpu.memory_space<hbm>>)
      tpu.yield
    }) : () -> ()
    "tpu.region"() ({
      %run_scoped3A_101 = tpu.sem_alloc : memref<!tpu.dma_semaphore, #tpu.memory_space<semaphore_mem>>
      %dma_start3A_102 = arith.constant 0 : i32
      %dma_start3A_103 = tpu.memref_slice %arg17[%add3A_49, %dma_start3A_102] : memref<10240x16xf32, #tpu.memory_space<vmem_shared>> -> memref<128x16xf32, #tpu.memory_space<vmem_shared>>
      %dma_start3A_104 = arith.constant 0 : i32
      %dma_start3A_105 = tpu.memref_slice %arg17[%add3A_49, %dma_start3A_104] : memref<10240x16xf32, #tpu.memory_space<vmem_shared>> -> memref<128x16xf32, #tpu.memory_space<vmem_shared>>
      tpu.enqueue_dma source(%dma_start3A_105 : memref<128x16xf32, #tpu.memory_space<vmem_shared>>) target(%arg16 : memref<128x16xf32, #tpu.memory_space<vmem>>) target_semaphore(%run_scoped3A_101 : memref<!tpu.dma_semaphore, #tpu.memory_space<semaphore_mem>>)
      %dma_wait3A = arith.constant 0 : i32
      %dma_wait3A_106 = tpu.memref_slice %arg17[%add3A_49, %dma_wait3A] : memref<10240x16xf32, #tpu.memory_space<vmem_shared>> -> memref<128x16xf32, #tpu.memory_space<vmem_shared>>
      %dma_wait3A_107 = arith.constant 0 : i32
      %dma_wait3A_108 = tpu.memref_slice %arg17[%add3A_49, %dma_wait3A_107] : memref<10240x16xf32, #tpu.memory_space<vmem_shared>> -> memref<128x16xf32, #tpu.memory_space<vmem_shared>>
      tpu.wait_dma2 semaphore(%run_scoped3A_101 : memref<!tpu.dma_semaphore, #tpu.memory_space<semaphore_mem>>) src(%dma_wait3A_108 : memref<128x16xf32, #tpu.memory_space<vmem_shared>>) dst(%arg16 : memref<128x16xf32, #tpu.memory_space<vmem>>)
      tpu.yield
    }) : () -> ()
    "tpu.region"() ({
      %run_scoped3A_101 = tpu.sem_alloc : memref<!tpu.dma_semaphore, #tpu.memory_space<semaphore_mem>>
      %dma_start3A_102 = arith.constant 0 : i32
      %dma_start3A_103 = tpu.memref_slice %arg6[%arg0, %add3A_49, %dma_start3A_102] : memref<2x10240x16xf32, #tpu.memory_space<hbm>> -> memref<1x128x16xf32, #tpu.memory_space<hbm>>
      %dma_start3A_104 = tpu.memref_squeeze %dma_start3A_103 : memref<1x128x16xf32, #tpu.memory_space<hbm>> -> memref<128x16xf32, #tpu.memory_space<hbm>>
      %dma_start3A_105 = arith.constant 0 : i32
      %dma_start3A_106 = tpu.memref_slice %arg6[%arg0, %add3A_49, %dma_start3A_105] : memref<2x10240x16xf32, #tpu.memory_space<hbm>> -> memref<1x128x16xf32, #tpu.memory_space<hbm>>
      %dma_start3A_107 = tpu.memref_squeeze %dma_start3A_106 : memref<1x128x16xf32, #tpu.memory_space<hbm>> -> memref<128x16xf32, #tpu.memory_space<hbm>>
      tpu.enqueue_dma source(%arg16 : memref<128x16xf32, #tpu.memory_space<vmem>>) target(%dma_start3A_107 : memref<128x16xf32, #tpu.memory_space<hbm>>) target_semaphore(%run_scoped3A_101 : memref<!tpu.dma_semaphore, #tpu.memory_space<semaphore_mem>>)
      %dma_wait3A = arith.constant 0 : i32
      %dma_wait3A_108 = tpu.memref_slice %arg6[%arg0, %add3A_49, %dma_wait3A] : memref<2x10240x16xf32, #tpu.memory_space<hbm>> -> memref<1x128x16xf32, #tpu.memory_space<hbm>>
      %dma_wait3A_109 = tpu.memref_squeeze %dma_wait3A_108 : memref<1x128x16xf32, #tpu.memory_space<hbm>> -> memref<128x16xf32, #tpu.memory_space<hbm>>
      %dma_wait3A_110 = arith.constant 0 : i32
      %dma_wait3A_111 = tpu.memref_slice %arg6[%arg0, %add3A_49, %dma_wait3A_110] : memref<2x10240x16xf32, #tpu.memory_space<hbm>> -> memref<1x128x16xf32, #tpu.memory_space<hbm>>
      %dma_wait3A_112 = tpu.memref_squeeze %dma_wait3A_111 : memref<1x128x16xf32, #tpu.memory_space<hbm>> -> memref<128x16xf32, #tpu.memory_space<hbm>>
      tpu.wait_dma2 semaphore(%run_scoped3A_101 : memref<!tpu.dma_semaphore, #tpu.memory_space<semaphore_mem>>) src(%arg16 : memref<128x16xf32, #tpu.memory_space<vmem>>) dst(%dma_wait3A_112 : memref<128x16xf32, #tpu.memory_space<hbm>>)
      tpu.yield
    }) : () -> ()
    %add3A_51 = arith.constant 512 : i32
    %add3A_52 = arith.addi %mul3A_0, %add3A_51 : i32
    "tpu.region"() ({
      %run_scoped3A_101 = tpu.sem_alloc : memref<!tpu.dma_semaphore, #tpu.memory_space<semaphore_mem>>
      %dma_start3A_102 = arith.constant 0 : i32
      %dma_start3A_103 = tpu.memref_slice %arg12[%add3A_52, %dma_start3A_102] : memref<10240x64xf32, #tpu.memory_space<vmem_shared>> -> memref<128x64xf32, #tpu.memory_space<vmem_shared>>
      %dma_start3A_104 = arith.constant 0 : i32
      %dma_start3A_105 = tpu.memref_slice %arg12[%add3A_52, %dma_start3A_104] : memref<10240x64xf32, #tpu.memory_space<vmem_shared>> -> memref<128x64xf32, #tpu.memory_space<vmem_shared>>
      tpu.enqueue_dma source(%dma_start3A_105 : memref<128x64xf32, #tpu.memory_space<vmem_shared>>) target(%arg9 : memref<128x64xf32, #tpu.memory_space<vmem>>) target_semaphore(%run_scoped3A_101 : memref<!tpu.dma_semaphore, #tpu.memory_space<semaphore_mem>>)
      %dma_wait3A = arith.constant 0 : i32
      %dma_wait3A_106 = tpu.memref_slice %arg12[%add3A_52, %dma_wait3A] : memref<10240x64xf32, #tpu.memory_space<vmem_shared>> -> memref<128x64xf32, #tpu.memory_space<vmem_shared>>
      %dma_wait3A_107 = arith.constant 0 : i32
      %dma_wait3A_108 = tpu.memref_slice %arg12[%add3A_52, %dma_wait3A_107] : memref<10240x64xf32, #tpu.memory_space<vmem_shared>> -> memref<128x64xf32, #tpu.memory_space<vmem_shared>>
      tpu.wait_dma2 semaphore(%run_scoped3A_101 : memref<!tpu.dma_semaphore, #tpu.memory_space<semaphore_mem>>) src(%dma_wait3A_108 : memref<128x64xf32, #tpu.memory_space<vmem_shared>>) dst(%arg9 : memref<128x64xf32, #tpu.memory_space<vmem>>)
      tpu.yield
    }) : () -> ()
    %run_scoped3A_53 = arith.constant 0 : i32
    "tpu.region"() ({
      %run_scoped3A_101 = tpu.sem_alloc : memref<!tpu.dma_semaphore, #tpu.memory_space<semaphore_mem>>
      %dma_start3A_102 = arith.constant 0 : i32
      %dma_start3A_103 = tpu.memref_slice %arg5[%run_scoped3A_53, %arg0, %add3A_52, %dma_start3A_102] : memref<2x2x10240x64xf32, #tpu.memory_space<hbm>> -> memref<1x1x128x64xf32, #tpu.memory_space<hbm>>
      %dma_start3A_104 = tpu.memref_squeeze %dma_start3A_103 : memref<1x1x128x64xf32, #tpu.memory_space<hbm>> -> memref<128x64xf32, #tpu.memory_space<hbm>>
      %dma_start3A_105 = arith.constant 0 : i32
      %dma_start3A_106 = tpu.memref_slice %arg5[%run_scoped3A_53, %arg0, %add3A_52, %dma_start3A_105] : memref<2x2x10240x64xf32, #tpu.memory_space<hbm>> -> memref<1x1x128x64xf32, #tpu.memory_space<hbm>>
      %dma_start3A_107 = tpu.memref_squeeze %dma_start3A_106 : memref<1x1x128x64xf32, #tpu.memory_space<hbm>> -> memref<128x64xf32, #tpu.memory_space<hbm>>
      tpu.enqueue_dma source(%arg9 : memref<128x64xf32, #tpu.memory_space<vmem>>) target(%dma_start3A_107 : memref<128x64xf32, #tpu.memory_space<hbm>>) target_semaphore(%run_scoped3A_101 : memref<!tpu.dma_semaphore, #tpu.memory_space<semaphore_mem>>)
      %dma_wait3A = arith.constant 0 : i32
      %dma_wait3A_108 = tpu.memref_slice %arg5[%run_scoped3A_53, %arg0, %add3A_52, %dma_wait3A] : memref<2x2x10240x64xf32, #tpu.memory_space<hbm>> -> memref<1x1x128x64xf32, #tpu.memory_space<hbm>>
      %dma_wait3A_109 = tpu.memref_squeeze %dma_wait3A_108 : memref<1x1x128x64xf32, #tpu.memory_space<hbm>> -> memref<128x64xf32, #tpu.memory_space<hbm>>
      %dma_wait3A_110 = arith.constant 0 : i32
      %dma_wait3A_111 = tpu.memref_slice %arg5[%run_scoped3A_53, %arg0, %add3A_52, %dma_wait3A_110] : memref<2x2x10240x64xf32, #tpu.memory_space<hbm>> -> memref<1x1x128x64xf32, #tpu.memory_space<hbm>>
      %dma_wait3A_112 = tpu.memref_squeeze %dma_wait3A_111 : memref<1x1x128x64xf32, #tpu.memory_space<hbm>> -> memref<128x64xf32, #tpu.memory_space<hbm>>
      tpu.wait_dma2 semaphore(%run_scoped3A_101 : memref<!tpu.dma_semaphore, #tpu.memory_space<semaphore_mem>>) src(%arg9 : memref<128x64xf32, #tpu.memory_space<vmem>>) dst(%dma_wait3A_112 : memref<128x64xf32, #tpu.memory_space<hbm>>)
      tpu.yield
    }) : () -> ()
    "tpu.region"() ({
      %run_scoped3A_101 = tpu.sem_alloc : memref<!tpu.dma_semaphore, #tpu.memory_space<semaphore_mem>>
      %dma_start3A_102 = arith.constant 0 : i32
      %dma_start3A_103 = tpu.memref_slice %arg17[%add3A_52, %dma_start3A_102] : memref<10240x16xf32, #tpu.memory_space<vmem_shared>> -> memref<128x16xf32, #tpu.memory_space<vmem_shared>>
      %dma_start3A_104 = arith.constant 0 : i32
      %dma_start3A_105 = tpu.memref_slice %arg17[%add3A_52, %dma_start3A_104] : memref<10240x16xf32, #tpu.memory_space<vmem_shared>> -> memref<128x16xf32, #tpu.memory_space<vmem_shared>>
      tpu.enqueue_dma source(%dma_start3A_105 : memref<128x16xf32, #tpu.memory_space<vmem_shared>>) target(%arg16 : memref<128x16xf32, #tpu.memory_space<vmem>>) target_semaphore(%run_scoped3A_101 : memref<!tpu.dma_semaphore, #tpu.memory_space<semaphore_mem>>)
      %dma_wait3A = arith.constant 0 : i32
      %dma_wait3A_106 = tpu.memref_slice %arg17[%add3A_52, %dma_wait3A] : memref<10240x16xf32, #tpu.memory_space<vmem_shared>> -> memref<128x16xf32, #tpu.memory_space<vmem_shared>>
      %dma_wait3A_107 = arith.constant 0 : i32
      %dma_wait3A_108 = tpu.memref_slice %arg17[%add3A_52, %dma_wait3A_107] : memref<10240x16xf32, #tpu.memory_space<vmem_shared>> -> memref<128x16xf32, #tpu.memory_space<vmem_shared>>
      tpu.wait_dma2 semaphore(%run_scoped3A_101 : memref<!tpu.dma_semaphore, #tpu.memory_space<semaphore_mem>>) src(%dma_wait3A_108 : memref<128x16xf32, #tpu.memory_space<vmem_shared>>) dst(%arg16 : memref<128x16xf32, #tpu.memory_space<vmem>>)
      tpu.yield
    }) : () -> ()
    "tpu.region"() ({
      %run_scoped3A_101 = tpu.sem_alloc : memref<!tpu.dma_semaphore, #tpu.memory_space<semaphore_mem>>
      %dma_start3A_102 = arith.constant 0 : i32
      %dma_start3A_103 = tpu.memref_slice %arg6[%arg0, %add3A_52, %dma_start3A_102] : memref<2x10240x16xf32, #tpu.memory_space<hbm>> -> memref<1x128x16xf32, #tpu.memory_space<hbm>>
      %dma_start3A_104 = tpu.memref_squeeze %dma_start3A_103 : memref<1x128x16xf32, #tpu.memory_space<hbm>> -> memref<128x16xf32, #tpu.memory_space<hbm>>
      %dma_start3A_105 = arith.constant 0 : i32
      %dma_start3A_106 = tpu.memref_slice %arg6[%arg0, %add3A_52, %dma_start3A_105] : memref<2x10240x16xf32, #tpu.memory_space<hbm>> -> memref<1x128x16xf32, #tpu.memory_space<hbm>>
      %dma_start3A_107 = tpu.memref_squeeze %dma_start3A_106 : memref<1x128x16xf32, #tpu.memory_space<hbm>> -> memref<128x16xf32, #tpu.memory_space<hbm>>
      tpu.enqueue_dma source(%arg16 : memref<128x16xf32, #tpu.memory_space<vmem>>) target(%dma_start3A_107 : memref<128x16xf32, #tpu.memory_space<hbm>>) target_semaphore(%run_scoped3A_101 : memref<!tpu.dma_semaphore, #tpu.memory_space<semaphore_mem>>)
      %dma_wait3A = arith.constant 0 : i32
      %dma_wait3A_108 = tpu.memref_slice %arg6[%arg0, %add3A_52, %dma_wait3A] : memref<2x10240x16xf32, #tpu.memory_space<hbm>> -> memref<1x128x16xf32, #tpu.memory_space<hbm>>
      %dma_wait3A_109 = tpu.memref_squeeze %dma_wait3A_108 : memref<1x128x16xf32, #tpu.memory_space<hbm>> -> memref<128x16xf32, #tpu.memory_space<hbm>>
      %dma_wait3A_110 = arith.constant 0 : i32
      %dma_wait3A_111 = tpu.memref_slice %arg6[%arg0, %add3A_52, %dma_wait3A_110] : memref<2x10240x16xf32, #tpu.memory_space<hbm>> -> memref<1x128x16xf32, #tpu.memory_space<hbm>>
      %dma_wait3A_112 = tpu.memref_squeeze %dma_wait3A_111 : memref<1x128x16xf32, #tpu.memory_space<hbm>> -> memref<128x16xf32, #tpu.memory_space<hbm>>
      tpu.wait_dma2 semaphore(%run_scoped3A_101 : memref<!tpu.dma_semaphore, #tpu.memory_space<semaphore_mem>>) src(%arg16 : memref<128x16xf32, #tpu.memory_space<vmem>>) dst(%dma_wait3A_112 : memref<128x16xf32, #tpu.memory_space<hbm>>)
      tpu.yield
    }) : () -> ()
    %add3A_54 = arith.constant 0 : i32
    %add3A_55 = arith.addi %mul3A_0, %add3A_54 : i32
    "tpu.region"() ({
      %run_scoped3A_101 = tpu.sem_alloc : memref<!tpu.dma_semaphore, #tpu.memory_space<semaphore_mem>>
      %dma_start3A_102 = arith.constant 0 : i32
      %dma_start3A_103 = tpu.memref_slice %arg12[%add3A_55, %dma_start3A_102] : memref<10240x64xf32, #tpu.memory_space<vmem_shared>> -> memref<128x64xf32, #tpu.memory_space<vmem_shared>>
      %dma_start3A_104 = arith.constant 0 : i32
      %dma_start3A_105 = tpu.memref_slice %arg12[%add3A_55, %dma_start3A_104] : memref<10240x64xf32, #tpu.memory_space<vmem_shared>> -> memref<128x64xf32, #tpu.memory_space<vmem_shared>>
      tpu.enqueue_dma source(%arg11 : memref<128x64xf32, #tpu.memory_space<vmem>>) target(%dma_start3A_105 : memref<128x64xf32, #tpu.memory_space<vmem_shared>>) target_semaphore(%run_scoped3A_101 : memref<!tpu.dma_semaphore, #tpu.memory_space<semaphore_mem>>)
      %dma_wait3A = arith.constant 0 : i32
      %dma_wait3A_106 = tpu.memref_slice %arg12[%add3A_55, %dma_wait3A] : memref<10240x64xf32, #tpu.memory_space<vmem_shared>> -> memref<128x64xf32, #tpu.memory_space<vmem_shared>>
      %dma_wait3A_107 = arith.constant 0 : i32
      %dma_wait3A_108 = tpu.memref_slice %arg12[%add3A_55, %dma_wait3A_107] : memref<10240x64xf32, #tpu.memory_space<vmem_shared>> -> memref<128x64xf32, #tpu.memory_space<vmem_shared>>
      tpu.wait_dma2 semaphore(%run_scoped3A_101 : memref<!tpu.dma_semaphore, #tpu.memory_space<semaphore_mem>>) src(%arg11 : memref<128x64xf32, #tpu.memory_space<vmem>>) dst(%dma_wait3A_108 : memref<128x64xf32, #tpu.memory_space<vmem_shared>>)
      tpu.yield
    }) : () -> ()
    %add3A_56 = arith.constant 128 : i32
    %add3A_57 = arith.addi %mul3A_0, %add3A_56 : i32
    "tpu.region"() ({
      %run_scoped3A_101 = tpu.sem_alloc : memref<!tpu.dma_semaphore, #tpu.memory_space<semaphore_mem>>
      %dma_start3A_102 = arith.constant 0 : i32
      %dma_start3A_103 = tpu.memref_slice %arg12[%add3A_57, %dma_start3A_102] : memref<10240x64xf32, #tpu.memory_space<vmem_shared>> -> memref<128x64xf32, #tpu.memory_space<vmem_shared>>
      %dma_start3A_104 = arith.constant 0 : i32
      %dma_start3A_105 = tpu.memref_slice %arg12[%add3A_57, %dma_start3A_104] : memref<10240x64xf32, #tpu.memory_space<vmem_shared>> -> memref<128x64xf32, #tpu.memory_space<vmem_shared>>
      tpu.enqueue_dma source(%arg11 : memref<128x64xf32, #tpu.memory_space<vmem>>) target(%dma_start3A_105 : memref<128x64xf32, #tpu.memory_space<vmem_shared>>) target_semaphore(%run_scoped3A_101 : memref<!tpu.dma_semaphore, #tpu.memory_space<semaphore_mem>>)
      %dma_wait3A = arith.constant 0 : i32
      %dma_wait3A_106 = tpu.memref_slice %arg12[%add3A_57, %dma_wait3A] : memref<10240x64xf32, #tpu.memory_space<vmem_shared>> -> memref<128x64xf32, #tpu.memory_space<vmem_shared>>
      %dma_wait3A_107 = arith.constant 0 : i32
      %dma_wait3A_108 = tpu.memref_slice %arg12[%add3A_57, %dma_wait3A_107] : memref<10240x64xf32, #tpu.memory_space<vmem_shared>> -> memref<128x64xf32, #tpu.memory_space<vmem_shared>>
      tpu.wait_dma2 semaphore(%run_scoped3A_101 : memref<!tpu.dma_semaphore, #tpu.memory_space<semaphore_mem>>) src(%arg11 : memref<128x64xf32, #tpu.memory_space<vmem>>) dst(%dma_wait3A_108 : memref<128x64xf32, #tpu.memory_space<vmem_shared>>)
      tpu.yield
    }) : () -> ()
    %add3A_58 = arith.constant 256 : i32
    %add3A_59 = arith.addi %mul3A_0, %add3A_58 : i32
    "tpu.region"() ({
      %run_scoped3A_101 = tpu.sem_alloc : memref<!tpu.dma_semaphore, #tpu.memory_space<semaphore_mem>>
      %dma_start3A_102 = arith.constant 0 : i32
      %dma_start3A_103 = tpu.memref_slice %arg12[%add3A_59, %dma_start3A_102] : memref<10240x64xf32, #tpu.memory_space<vmem_shared>> -> memref<128x64xf32, #tpu.memory_space<vmem_shared>>
      %dma_start3A_104 = arith.constant 0 : i32
      %dma_start3A_105 = tpu.memref_slice %arg12[%add3A_59, %dma_start3A_104] : memref<10240x64xf32, #tpu.memory_space<vmem_shared>> -> memref<128x64xf32, #tpu.memory_space<vmem_shared>>
      tpu.enqueue_dma source(%arg11 : memref<128x64xf32, #tpu.memory_space<vmem>>) target(%dma_start3A_105 : memref<128x64xf32, #tpu.memory_space<vmem_shared>>) target_semaphore(%run_scoped3A_101 : memref<!tpu.dma_semaphore, #tpu.memory_space<semaphore_mem>>)
      %dma_wait3A = arith.constant 0 : i32
      %dma_wait3A_106 = tpu.memref_slice %arg12[%add3A_59, %dma_wait3A] : memref<10240x64xf32, #tpu.memory_space<vmem_shared>> -> memref<128x64xf32, #tpu.memory_space<vmem_shared>>
      %dma_wait3A_107 = arith.constant 0 : i32
      %dma_wait3A_108 = tpu.memref_slice %arg12[%add3A_59, %dma_wait3A_107] : memref<10240x64xf32, #tpu.memory_space<vmem_shared>> -> memref<128x64xf32, #tpu.memory_space<vmem_shared>>
      tpu.wait_dma2 semaphore(%run_scoped3A_101 : memref<!tpu.dma_semaphore, #tpu.memory_space<semaphore_mem>>) src(%arg11 : memref<128x64xf32, #tpu.memory_space<vmem>>) dst(%dma_wait3A_108 : memref<128x64xf32, #tpu.memory_space<vmem_shared>>)
      tpu.yield
    }) : () -> ()
    %add3A_60 = arith.constant 384 : i32
    %add3A_61 = arith.addi %mul3A_0, %add3A_60 : i32
    "tpu.region"() ({
      %run_scoped3A_101 = tpu.sem_alloc : memref<!tpu.dma_semaphore, #tpu.memory_space<semaphore_mem>>
      %dma_start3A_102 = arith.constant 0 : i32
      %dma_start3A_103 = tpu.memref_slice %arg12[%add3A_61, %dma_start3A_102] : memref<10240x64xf32, #tpu.memory_space<vmem_shared>> -> memref<128x64xf32, #tpu.memory_space<vmem_shared>>
      %dma_start3A_104 = arith.constant 0 : i32
      %dma_start3A_105 = tpu.memref_slice %arg12[%add3A_61, %dma_start3A_104] : memref<10240x64xf32, #tpu.memory_space<vmem_shared>> -> memref<128x64xf32, #tpu.memory_space<vmem_shared>>
      tpu.enqueue_dma source(%arg11 : memref<128x64xf32, #tpu.memory_space<vmem>>) target(%dma_start3A_105 : memref<128x64xf32, #tpu.memory_space<vmem_shared>>) target_semaphore(%run_scoped3A_101 : memref<!tpu.dma_semaphore, #tpu.memory_space<semaphore_mem>>)
      %dma_wait3A = arith.constant 0 : i32
      %dma_wait3A_106 = tpu.memref_slice %arg12[%add3A_61, %dma_wait3A] : memref<10240x64xf32, #tpu.memory_space<vmem_shared>> -> memref<128x64xf32, #tpu.memory_space<vmem_shared>>
      %dma_wait3A_107 = arith.constant 0 : i32
      %dma_wait3A_108 = tpu.memref_slice %arg12[%add3A_61, %dma_wait3A_107] : memref<10240x64xf32, #tpu.memory_space<vmem_shared>> -> memref<128x64xf32, #tpu.memory_space<vmem_shared>>
      tpu.wait_dma2 semaphore(%run_scoped3A_101 : memref<!tpu.dma_semaphore, #tpu.memory_space<semaphore_mem>>) src(%arg11 : memref<128x64xf32, #tpu.memory_space<vmem>>) dst(%dma_wait3A_108 : memref<128x64xf32, #tpu.memory_space<vmem_shared>>)
      tpu.yield
    }) : () -> ()
    %add3A_62 = arith.constant 512 : i32
    %add3A_63 = arith.addi %mul3A_0, %add3A_62 : i32
    "tpu.region"() ({
      %run_scoped3A_101 = tpu.sem_alloc : memref<!tpu.dma_semaphore, #tpu.memory_space<semaphore_mem>>
      %dma_start3A_102 = arith.constant 0 : i32
      %dma_start3A_103 = tpu.memref_slice %arg12[%add3A_63, %dma_start3A_102] : memref<10240x64xf32, #tpu.memory_space<vmem_shared>> -> memref<128x64xf32, #tpu.memory_space<vmem_shared>>
      %dma_start3A_104 = arith.constant 0 : i32
      %dma_start3A_105 = tpu.memref_slice %arg12[%add3A_63, %dma_start3A_104] : memref<10240x64xf32, #tpu.memory_space<vmem_shared>> -> memref<128x64xf32, #tpu.memory_space<vmem_shared>>
      tpu.enqueue_dma source(%arg11 : memref<128x64xf32, #tpu.memory_space<vmem>>) target(%dma_start3A_105 : memref<128x64xf32, #tpu.memory_space<vmem_shared>>) target_semaphore(%run_scoped3A_101 : memref<!tpu.dma_semaphore, #tpu.memory_space<semaphore_mem>>)
      %dma_wait3A = arith.constant 0 : i32
      %dma_wait3A_106 = tpu.memref_slice %arg12[%add3A_63, %dma_wait3A] : memref<10240x64xf32, #tpu.memory_space<vmem_shared>> -> memref<128x64xf32, #tpu.memory_space<vmem_shared>>
      %dma_wait3A_107 = arith.constant 0 : i32
      %dma_wait3A_108 = tpu.memref_slice %arg12[%add3A_63, %dma_wait3A_107] : memref<10240x64xf32, #tpu.memory_space<vmem_shared>> -> memref<128x64xf32, #tpu.memory_space<vmem_shared>>
      tpu.wait_dma2 semaphore(%run_scoped3A_101 : memref<!tpu.dma_semaphore, #tpu.memory_space<semaphore_mem>>) src(%arg11 : memref<128x64xf32, #tpu.memory_space<vmem>>) dst(%dma_wait3A_108 : memref<128x64xf32, #tpu.memory_space<vmem_shared>>)
      tpu.yield
    }) : () -> ()
    %barrier3A_64 = arith.constant 0 : index
    tpu.barrier barrier_id(%barrier3A_64)
    %dma_start3A_65 = arith.constant 0 : i32
    %dma_start3A_66 = arith.constant 0 : i32
    %dma_start3A_67 = tpu.memref_slice %arg7[%dma_start3A_65, %dma_start3A_66] : memref<160x128xi32, #tpu.memory_space<vmem>> -> memref<1x128xi32, #tpu.memory_space<vmem>>
    %dma_start3A_68 = tpu.memref_squeeze %dma_start3A_67 : memref<1x128xi32, #tpu.memory_space<vmem>> -> memref<128xi32, #tpu.memory_space<vmem>>
    %dma_start3A_69 = arith.constant 0 : i32
    %dma_start3A_70 = arith.constant 0 : i32
    %dma_start3A_71 = tpu.memref_slice %arg3[%dma_start3A_69, %dma_start3A_70] : memref<10240x64xf32, #tpu.memory_space<hbm>> -> memref<10240x64xf32, #tpu.memory_space<hbm>>
    tpu.enqueue_indirect_dma source(%dma_start3A_71 : memref<10240x64xf32, #tpu.memory_space<hbm>>) target(%arg9 : memref<128x64xf32, #tpu.memory_space<vmem>>) offsets(%dma_start3A_68 : memref<128xi32, #tpu.memory_space<vmem>>) semaphore(%arg13 : memref<!tpu.dma_semaphore, #tpu.memory_space<semaphore_mem>>)
    %dma_start3A_72 = arith.constant 1 : i32
    %dma_start3A_73 = arith.constant 0 : i32
    %dma_start3A_74 = tpu.memref_slice %arg7[%dma_start3A_72, %dma_start3A_73] : memref<160x128xi32, #tpu.memory_space<vmem>> -> memref<1x128xi32, #tpu.memory_space<vmem>>
    %dma_start3A_75 = tpu.memref_squeeze %dma_start3A_74 : memref<1x128xi32, #tpu.memory_space<vmem>> -> memref<128xi32, #tpu.memory_space<vmem>>
    %dma_start3A_76 = arith.constant 0 : i32
    %dma_start3A_77 = arith.constant 0 : i32
    %dma_start3A_78 = tpu.memref_slice %arg3[%dma_start3A_76, %dma_start3A_77] : memref<10240x64xf32, #tpu.memory_space<hbm>> -> memref<10240x64xf32, #tpu.memory_space<hbm>>
    tpu.enqueue_indirect_dma source(%dma_start3A_78 : memref<10240x64xf32, #tpu.memory_space<hbm>>) target(%arg10 : memref<128x64xf32, #tpu.memory_space<vmem>>) offsets(%dma_start3A_75 : memref<128xi32, #tpu.memory_space<vmem>>) semaphore(%arg14 : memref<!tpu.dma_semaphore, #tpu.memory_space<semaphore_mem>>)
    %scan3A_79 = arith.constant 0 : i32
    %scan3A_80 = arith.constant 0 : i32
    %scan3A_81 = arith.constant 80 : i32
    %scan3A_82 = arith.addi %scan3A_80, %scan3A_81 : i32
    %scan3A_83 = arith.constant 1 : i32
    scf.for %scan3A_101 = %scan3A_80 to %scan3A_82 step %scan3A_83  : i32 {
      %mul3A_102 = arith.constant 2 : i32
      %mul3A_103 = arith.muli %mul3A_102, %scan3A_101 : i32
      %add3A_104 = arith.constant 0 : i32
      %add3A_105 = arith.addi %mul3A_103, %add3A_104 : i32
      %dma_wait3A = arith.constant 0 : i32
      %dma_wait3A_106 = arith.constant 0 : i32
      %dma_wait3A_107 = tpu.memref_slice %arg3[%dma_wait3A, %dma_wait3A_106] : memref<10240x64xf32, #tpu.memory_space<hbm>> -> memref<128x64xf32, #tpu.memory_space<hbm>>
      %dma_wait3A_108 = arith.constant 0 : i32
      %dma_wait3A_109 = arith.constant 0 : i32
      %dma_wait3A_110 = tpu.memref_slice %arg3[%dma_wait3A_108, %dma_wait3A_109] : memref<10240x64xf32, #tpu.memory_space<hbm>> -> memref<128x64xf32, #tpu.memory_space<hbm>>
      tpu.wait_dma2 semaphore(%arg13 : memref<!tpu.dma_semaphore, #tpu.memory_space<semaphore_mem>>) src(%dma_wait3A_110 : memref<128x64xf32, #tpu.memory_space<hbm>>) dst(%arg9 : memref<128x64xf32, #tpu.memory_space<vmem>>)
      "tpu.region"() ({
        %run_scoped3A_132 = tpu.sem_alloc : memref<!tpu.dma_semaphore, #tpu.memory_space<semaphore_mem>>
        %dma_start3A_133 = arith.constant 0 : i32
        %dma_start3A_134 = tpu.memref_slice %arg8[%add3A_105, %dma_start3A_133] : memref<160x128xi32, #tpu.memory_space<vmem>> -> memref<1x128xi32, #tpu.memory_space<vmem>>
        %dma_start3A_135 = tpu.memref_squeeze %dma_start3A_134 : memref<1x128xi32, #tpu.memory_space<vmem>> -> memref<128xi32, #tpu.memory_space<vmem>>
        %dma_start3A_136 = arith.constant 0 : i32
        %dma_start3A_137 = arith.constant 0 : i32
        %dma_start3A_138 = tpu.memref_slice %arg12[%dma_start3A_136, %dma_start3A_137] : memref<10240x64xf32, #tpu.memory_space<vmem_shared>> -> memref<10240x64xf32, #tpu.memory_space<vmem_shared>>
        tpu.enqueue_indirect_dma source(%arg9 : memref<128x64xf32, #tpu.memory_space<vmem>>) target(%dma_start3A_138 : memref<10240x64xf32, #tpu.memory_space<vmem_shared>>) offsets(%dma_start3A_135 : memref<128xi32, #tpu.memory_space<vmem>>) semaphore(%run_scoped3A_132 : memref<!tpu.dma_semaphore, #tpu.memory_space<semaphore_mem>>) {add = true}
        %dma_wait3A_139 = arith.constant 0 : i32
        %dma_wait3A_140 = tpu.memref_slice %arg8[%add3A_105, %dma_wait3A_139] : memref<160x128xi32, #tpu.memory_space<vmem>> -> memref<1x128xi32, #tpu.memory_space<vmem>>
        %dma_wait3A_141 = tpu.memref_squeeze %dma_wait3A_140 : memref<1x128xi32, #tpu.memory_space<vmem>> -> memref<128xi32, #tpu.memory_space<vmem>>
        %dma_wait3A_142 = arith.constant 0 : i32
        %dma_wait3A_143 = arith.constant 0 : i32
        %dma_wait3A_144 = tpu.memref_slice %arg12[%dma_wait3A_142, %dma_wait3A_143] : memref<10240x64xf32, #tpu.memory_space<vmem_shared>> -> memref<10240x64xf32, #tpu.memory_space<vmem_shared>>
        tpu.wait_indirect_dma semaphore(%run_scoped3A_132 : memref<!tpu.dma_semaphore, #tpu.memory_space<semaphore_mem>>) src(%arg9 : memref<128x64xf32, #tpu.memory_space<vmem>>) dst(%dma_wait3A_144 : memref<10240x64xf32, #tpu.memory_space<vmem_shared>>)
        tpu.yield
      }) : () -> ()
      %add3A_111 = arith.constant 2 : i32
      %add3A_112 = arith.addi %add3A_105, %add3A_111 : i32
      %lt3A = arith.constant 160 : i32
      %lt3A_113 = arith.cmpi slt, %add3A_112, %lt3A : i32
      %convert_element_type3A = arith.extui %lt3A_113 : i1 to i32
      %cond3A = arith.constant 0 : i32
      %cond3A_114 = arith.cmpi ne, %convert_element_type3A, %cond3A : i32
      scf.if %cond3A_114 {
        %add3A_132 = arith.constant 2 : i32
        %add3A_133 = arith.addi %add3A_105, %add3A_132 : i32
        %dma_start3A_134 = arith.constant 0 : i32
        %dma_start3A_135 = tpu.memref_slice %arg7[%add3A_133, %dma_start3A_134] : memref<160x128xi32, #tpu.memory_space<vmem>> -> memref<1x128xi32, #tpu.memory_space<vmem>>
        %dma_start3A_136 = tpu.memref_squeeze %dma_start3A_135 : memref<1x128xi32, #tpu.memory_space<vmem>> -> memref<128xi32, #tpu.memory_space<vmem>>
        %dma_start3A_137 = arith.constant 0 : i32
        %dma_start3A_138 = arith.constant 0 : i32
        %dma_start3A_139 = tpu.memref_slice %arg3[%dma_start3A_137, %dma_start3A_138] : memref<10240x64xf32, #tpu.memory_space<hbm>> -> memref<10240x64xf32, #tpu.memory_space<hbm>>
        tpu.enqueue_indirect_dma source(%dma_start3A_139 : memref<10240x64xf32, #tpu.memory_space<hbm>>) target(%arg9 : memref<128x64xf32, #tpu.memory_space<vmem>>) offsets(%dma_start3A_136 : memref<128xi32, #tpu.memory_space<vmem>>) semaphore(%arg13 : memref<!tpu.dma_semaphore, #tpu.memory_space<semaphore_mem>>)
      } else {
      }
      %mul3A_115 = arith.constant 2 : i32
      %mul3A_116 = arith.muli %mul3A_115, %scan3A_101 : i32
      %add3A_117 = arith.constant 1 : i32
      %add3A_118 = arith.addi %mul3A_116, %add3A_117 : i32
      %dma_wait3A_119 = arith.constant 0 : i32
      %dma_wait3A_120 = arith.constant 0 : i32
      %dma_wait3A_121 = tpu.memref_slice %arg3[%dma_wait3A_119, %dma_wait3A_120] : memref<10240x64xf32, #tpu.memory_space<hbm>> -> memref<128x64xf32, #tpu.memory_space<hbm>>
      %dma_wait3A_122 = arith.constant 0 : i32
      %dma_wait3A_123 = arith.constant 0 : i32
      %dma_wait3A_124 = tpu.memref_slice %arg3[%dma_wait3A_122, %dma_wait3A_123] : memref<10240x64xf32, #tpu.memory_space<hbm>> -> memref<128x64xf32, #tpu.memory_space<hbm>>
      tpu.wait_dma2 semaphore(%arg14 : memref<!tpu.dma_semaphore, #tpu.memory_space<semaphore_mem>>) src(%dma_wait3A_124 : memref<128x64xf32, #tpu.memory_space<hbm>>) dst(%arg10 : memref<128x64xf32, #tpu.memory_space<vmem>>)
      "tpu.region"() ({
        %run_scoped3A_132 = tpu.sem_alloc : memref<!tpu.dma_semaphore, #tpu.memory_space<semaphore_mem>>
        %dma_start3A_133 = arith.constant 0 : i32
        %dma_start3A_134 = tpu.memref_slice %arg8[%add3A_118, %dma_start3A_133] : memref<160x128xi32, #tpu.memory_space<vmem>> -> memref<1x128xi32, #tpu.memory_space<vmem>>
        %dma_start3A_135 = tpu.memref_squeeze %dma_start3A_134 : memref<1x128xi32, #tpu.memory_space<vmem>> -> memref<128xi32, #tpu.memory_space<vmem>>
        %dma_start3A_136 = arith.constant 0 : i32
        %dma_start3A_137 = arith.constant 0 : i32
        %dma_start3A_138 = tpu.memref_slice %arg12[%dma_start3A_136, %dma_start3A_137] : memref<10240x64xf32, #tpu.memory_space<vmem_shared>> -> memref<10240x64xf32, #tpu.memory_space<vmem_shared>>
        tpu.enqueue_indirect_dma source(%arg10 : memref<128x64xf32, #tpu.memory_space<vmem>>) target(%dma_start3A_138 : memref<10240x64xf32, #tpu.memory_space<vmem_shared>>) offsets(%dma_start3A_135 : memref<128xi32, #tpu.memory_space<vmem>>) semaphore(%run_scoped3A_132 : memref<!tpu.dma_semaphore, #tpu.memory_space<semaphore_mem>>) {add = true}
        %dma_wait3A_139 = arith.constant 0 : i32
        %dma_wait3A_140 = tpu.memref_slice %arg8[%add3A_118, %dma_wait3A_139] : memref<160x128xi32, #tpu.memory_space<vmem>> -> memref<1x128xi32, #tpu.memory_space<vmem>>
        %dma_wait3A_141 = tpu.memref_squeeze %dma_wait3A_140 : memref<1x128xi32, #tpu.memory_space<vmem>> -> memref<128xi32, #tpu.memory_space<vmem>>
        %dma_wait3A_142 = arith.constant 0 : i32
        %dma_wait3A_143 = arith.constant 0 : i32
        %dma_wait3A_144 = tpu.memref_slice %arg12[%dma_wait3A_142, %dma_wait3A_143] : memref<10240x64xf32, #tpu.memory_space<vmem_shared>> -> memref<10240x64xf32, #tpu.memory_space<vmem_shared>>
        tpu.wait_indirect_dma semaphore(%run_scoped3A_132 : memref<!tpu.dma_semaphore, #tpu.memory_space<semaphore_mem>>) src(%arg10 : memref<128x64xf32, #tpu.memory_space<vmem>>) dst(%dma_wait3A_144 : memref<10240x64xf32, #tpu.memory_space<vmem_shared>>)
        tpu.yield
      }) : () -> ()
      %add3A_125 = arith.constant 2 : i32
      %add3A_126 = arith.addi %add3A_118, %add3A_125 : i32
      %lt3A_127 = arith.constant 160 : i32
      %lt3A_128 = arith.cmpi slt, %add3A_126, %lt3A_127 : i32
      %convert_element_type3A_129 = arith.extui %lt3A_128 : i1 to i32
      %cond3A_130 = arith.constant 0 : i32
      %cond3A_131 = arith.cmpi ne, %convert_element_type3A_129, %cond3A_130 : i32
      scf.if %cond3A_131 {
        %add3A_132 = arith.constant 2 : i32
        %add3A_133 = arith.addi %add3A_118, %add3A_132 : i32
        %dma_start3A_134 = arith.constant 0 : i32
        %dma_start3A_135 = tpu.memref_slice %arg7[%add3A_133, %dma_start3A_134] : memref<160x128xi32, #tpu.memory_space<vmem>> -> memref<1x128xi32, #tpu.memory_space<vmem>>
        %dma_start3A_136 = tpu.memref_squeeze %dma_start3A_135 : memref<1x128xi32, #tpu.memory_space<vmem>> -> memref<128xi32, #tpu.memory_space<vmem>>
        %dma_start3A_137 = arith.constant 0 : i32
        %dma_start3A_138 = arith.constant 0 : i32
        %dma_start3A_139 = tpu.memref_slice %arg3[%dma_start3A_137, %dma_start3A_138] : memref<10240x64xf32, #tpu.memory_space<hbm>> -> memref<10240x64xf32, #tpu.memory_space<hbm>>
        tpu.enqueue_indirect_dma source(%dma_start3A_139 : memref<10240x64xf32, #tpu.memory_space<hbm>>) target(%arg10 : memref<128x64xf32, #tpu.memory_space<vmem>>) offsets(%dma_start3A_136 : memref<128xi32, #tpu.memory_space<vmem>>) semaphore(%arg14 : memref<!tpu.dma_semaphore, #tpu.memory_space<semaphore_mem>>)
      } else {
      }
    }
    %scan3A_84 = arith.constant 80 : i32
    %barrier3A_85 = arith.constant 0 : index
    tpu.barrier barrier_id(%barrier3A_85)
    %add3A_86 = arith.constant 0 : i32
    %add3A_87 = arith.addi %mul3A_0, %add3A_86 : i32
    "tpu.region"() ({
      %run_scoped3A_101 = tpu.sem_alloc : memref<!tpu.dma_semaphore, #tpu.memory_space<semaphore_mem>>
      %dma_start3A_102 = arith.constant 0 : i32
      %dma_start3A_103 = tpu.memref_slice %arg12[%add3A_87, %dma_start3A_102] : memref<10240x64xf32, #tpu.memory_space<vmem_shared>> -> memref<128x64xf32, #tpu.memory_space<vmem_shared>>
      %dma_start3A_104 = arith.constant 0 : i32
      %dma_start3A_105 = tpu.memref_slice %arg12[%add3A_87, %dma_start3A_104] : memref<10240x64xf32, #tpu.memory_space<vmem_shared>> -> memref<128x64xf32, #tpu.memory_space<vmem_shared>>
      tpu.enqueue_dma source(%dma_start3A_105 : memref<128x64xf32, #tpu.memory_space<vmem_shared>>) target(%arg9 : memref<128x64xf32, #tpu.memory_space<vmem>>) target_semaphore(%run_scoped3A_101 : memref<!tpu.dma_semaphore, #tpu.memory_space<semaphore_mem>>)
      %dma_wait3A = arith.constant 0 : i32
      %dma_wait3A_106 = tpu.memref_slice %arg12[%add3A_87, %dma_wait3A] : memref<10240x64xf32, #tpu.memory_space<vmem_shared>> -> memref<128x64xf32, #tpu.memory_space<vmem_shared>>
      %dma_wait3A_107 = arith.constant 0 : i32
      %dma_wait3A_108 = tpu.memref_slice %arg12[%add3A_87, %dma_wait3A_107] : memref<10240x64xf32, #tpu.memory_space<vmem_shared>> -> memref<128x64xf32, #tpu.memory_space<vmem_shared>>
      tpu.wait_dma2 semaphore(%run_scoped3A_101 : memref<!tpu.dma_semaphore, #tpu.memory_space<semaphore_mem>>) src(%dma_wait3A_108 : memref<128x64xf32, #tpu.memory_space<vmem_shared>>) dst(%arg9 : memref<128x64xf32, #tpu.memory_space<vmem>>)
      tpu.yield
    }) : () -> ()
    %run_scoped3A_88 = arith.constant 1 : i32
    "tpu.region"() ({
      %run_scoped3A_101 = tpu.sem_alloc : memref<!tpu.dma_semaphore, #tpu.memory_space<semaphore_mem>>
      %dma_start3A_102 = arith.constant 0 : i32
      %dma_start3A_103 = tpu.memref_slice %arg5[%run_scoped3A_88, %arg0, %add3A_87, %dma_start3A_102] : memref<2x2x10240x64xf32, #tpu.memory_space<hbm>> -> memref<1x1x128x64xf32, #tpu.memory_space<hbm>>
      %dma_start3A_104 = tpu.memref_squeeze %dma_start3A_103 : memref<1x1x128x64xf32, #tpu.memory_space<hbm>> -> memref<128x64xf32, #tpu.memory_space<hbm>>
      %dma_start3A_105 = arith.constant 0 : i32
      %dma_start3A_106 = tpu.memref_slice %arg5[%run_scoped3A_88, %arg0, %add3A_87, %dma_start3A_105] : memref<2x2x10240x64xf32, #tpu.memory_space<hbm>> -> memref<1x1x128x64xf32, #tpu.memory_space<hbm>>
      %dma_start3A_107 = tpu.memref_squeeze %dma_start3A_106 : memref<1x1x128x64xf32, #tpu.memory_space<hbm>> -> memref<128x64xf32, #tpu.memory_space<hbm>>
      tpu.enqueue_dma source(%arg9 : memref<128x64xf32, #tpu.memory_space<vmem>>) target(%dma_start3A_107 : memref<128x64xf32, #tpu.memory_space<hbm>>) target_semaphore(%run_scoped3A_101 : memref<!tpu.dma_semaphore, #tpu.memory_space<semaphore_mem>>)
      %dma_wait3A = arith.constant 0 : i32
      %dma_wait3A_108 = tpu.memref_slice %arg5[%run_scoped3A_88, %arg0, %add3A_87, %dma_wait3A] : memref<2x2x10240x64xf32, #tpu.memory_space<hbm>> -> memref<1x1x128x64xf32, #tpu.memory_space<hbm>>
      %dma_wait3A_109 = tpu.memref_squeeze %dma_wait3A_108 : memref<1x1x128x64xf32, #tpu.memory_space<hbm>> -> memref<128x64xf32, #tpu.memory_space<hbm>>
      %dma_wait3A_110 = arith.constant 0 : i32
      %dma_wait3A_111 = tpu.memref_slice %arg5[%run_scoped3A_88, %arg0, %add3A_87, %dma_wait3A_110] : memref<2x2x10240x64xf32, #tpu.memory_space<hbm>> -> memref<1x1x128x64xf32, #tpu.memory_space<hbm>>
      %dma_wait3A_112 = tpu.memref_squeeze %dma_wait3A_111 : memref<1x1x128x64xf32, #tpu.memory_space<hbm>> -> memref<128x64xf32, #tpu.memory_space<hbm>>
      tpu.wait_dma2 semaphore(%run_scoped3A_101 : memref<!tpu.dma_semaphore, #tpu.memory_space<semaphore_mem>>) src(%arg9 : memref<128x64xf32, #tpu.memory_space<vmem>>) dst(%dma_wait3A_112 : memref<128x64xf32, #tpu.memory_space<hbm>>)
      tpu.yield
    }) : () -> ()
    %add3A_89 = arith.constant 128 : i32
    %add3A_90 = arith.addi %mul3A_0, %add3A_89 : i32
    "tpu.region"() ({
      %run_scoped3A_101 = tpu.sem_alloc : memref<!tpu.dma_semaphore, #tpu.memory_space<semaphore_mem>>
      %dma_start3A_102 = arith.constant 0 : i32
      %dma_start3A_103 = tpu.memref_slice %arg12[%add3A_90, %dma_start3A_102] : memref<10240x64xf32, #tpu.memory_space<vmem_shared>> -> memref<128x64xf32, #tpu.memory_space<vmem_shared>>
      %dma_start3A_104 = arith.constant 0 : i32
      %dma_start3A_105 = tpu.memref_slice %arg12[%add3A_90, %dma_start3A_104] : memref<10240x64xf32, #tpu.memory_space<vmem_shared>> -> memref<128x64xf32, #tpu.memory_space<vmem_shared>>
      tpu.enqueue_dma source(%dma_start3A_105 : memref<128x64xf32, #tpu.memory_space<vmem_shared>>) target(%arg9 : memref<128x64xf32, #tpu.memory_space<vmem>>) target_semaphore(%run_scoped3A_101 : memref<!tpu.dma_semaphore, #tpu.memory_space<semaphore_mem>>)
      %dma_wait3A = arith.constant 0 : i32
      %dma_wait3A_106 = tpu.memref_slice %arg12[%add3A_90, %dma_wait3A] : memref<10240x64xf32, #tpu.memory_space<vmem_shared>> -> memref<128x64xf32, #tpu.memory_space<vmem_shared>>
      %dma_wait3A_107 = arith.constant 0 : i32
      %dma_wait3A_108 = tpu.memref_slice %arg12[%add3A_90, %dma_wait3A_107] : memref<10240x64xf32, #tpu.memory_space<vmem_shared>> -> memref<128x64xf32, #tpu.memory_space<vmem_shared>>
      tpu.wait_dma2 semaphore(%run_scoped3A_101 : memref<!tpu.dma_semaphore, #tpu.memory_space<semaphore_mem>>) src(%dma_wait3A_108 : memref<128x64xf32, #tpu.memory_space<vmem_shared>>) dst(%arg9 : memref<128x64xf32, #tpu.memory_space<vmem>>)
      tpu.yield
    }) : () -> ()
    %run_scoped3A_91 = arith.constant 1 : i32
    "tpu.region"() ({
      %run_scoped3A_101 = tpu.sem_alloc : memref<!tpu.dma_semaphore, #tpu.memory_space<semaphore_mem>>
      %dma_start3A_102 = arith.constant 0 : i32
      %dma_start3A_103 = tpu.memref_slice %arg5[%run_scoped3A_91, %arg0, %add3A_90, %dma_start3A_102] : memref<2x2x10240x64xf32, #tpu.memory_space<hbm>> -> memref<1x1x128x64xf32, #tpu.memory_space<hbm>>
      %dma_start3A_104 = tpu.memref_squeeze %dma_start3A_103 : memref<1x1x128x64xf32, #tpu.memory_space<hbm>> -> memref<128x64xf32, #tpu.memory_space<hbm>>
      %dma_start3A_105 = arith.constant 0 : i32
      %dma_start3A_106 = tpu.memref_slice %arg5[%run_scoped3A_91, %arg0, %add3A_90, %dma_start3A_105] : memref<2x2x10240x64xf32, #tpu.memory_space<hbm>> -> memref<1x1x128x64xf32, #tpu.memory_space<hbm>>
      %dma_start3A_107 = tpu.memref_squeeze %dma_start3A_106 : memref<1x1x128x64xf32, #tpu.memory_space<hbm>> -> memref<128x64xf32, #tpu.memory_space<hbm>>
      tpu.enqueue_dma source(%arg9 : memref<128x64xf32, #tpu.memory_space<vmem>>) target(%dma_start3A_107 : memref<128x64xf32, #tpu.memory_space<hbm>>) target_semaphore(%run_scoped3A_101 : memref<!tpu.dma_semaphore, #tpu.memory_space<semaphore_mem>>)
      %dma_wait3A = arith.constant 0 : i32
      %dma_wait3A_108 = tpu.memref_slice %arg5[%run_scoped3A_91, %arg0, %add3A_90, %dma_wait3A] : memref<2x2x10240x64xf32, #tpu.memory_space<hbm>> -> memref<1x1x128x64xf32, #tpu.memory_space<hbm>>
      %dma_wait3A_109 = tpu.memref_squeeze %dma_wait3A_108 : memref<1x1x128x64xf32, #tpu.memory_space<hbm>> -> memref<128x64xf32, #tpu.memory_space<hbm>>
      %dma_wait3A_110 = arith.constant 0 : i32
      %dma_wait3A_111 = tpu.memref_slice %arg5[%run_scoped3A_91, %arg0, %add3A_90, %dma_wait3A_110] : memref<2x2x10240x64xf32, #tpu.memory_space<hbm>> -> memref<1x1x128x64xf32, #tpu.memory_space<hbm>>
      %dma_wait3A_112 = tpu.memref_squeeze %dma_wait3A_111 : memref<1x1x128x64xf32, #tpu.memory_space<hbm>> -> memref<128x64xf32, #tpu.memory_space<hbm>>
      tpu.wait_dma2 semaphore(%run_scoped3A_101 : memref<!tpu.dma_semaphore, #tpu.memory_space<semaphore_mem>>) src(%arg9 : memref<128x64xf32, #tpu.memory_space<vmem>>) dst(%dma_wait3A_112 : memref<128x64xf32, #tpu.memory_space<hbm>>)
      tpu.yield
    }) : () -> ()
    %add3A_92 = arith.constant 256 : i32
    %add3A_93 = arith.addi %mul3A_0, %add3A_92 : i32
    "tpu.region"() ({
      %run_scoped3A_101 = tpu.sem_alloc : memref<!tpu.dma_semaphore, #tpu.memory_space<semaphore_mem>>
      %dma_start3A_102 = arith.constant 0 : i32
      %dma_start3A_103 = tpu.memref_slice %arg12[%add3A_93, %dma_start3A_102] : memref<10240x64xf32, #tpu.memory_space<vmem_shared>> -> memref<128x64xf32, #tpu.memory_space<vmem_shared>>
      %dma_start3A_104 = arith.constant 0 : i32
      %dma_start3A_105 = tpu.memref_slice %arg12[%add3A_93, %dma_start3A_104] : memref<10240x64xf32, #tpu.memory_space<vmem_shared>> -> memref<128x64xf32, #tpu.memory_space<vmem_shared>>
      tpu.enqueue_dma source(%dma_start3A_105 : memref<128x64xf32, #tpu.memory_space<vmem_shared>>) target(%arg9 : memref<128x64xf32, #tpu.memory_space<vmem>>) target_semaphore(%run_scoped3A_101 : memref<!tpu.dma_semaphore, #tpu.memory_space<semaphore_mem>>)
      %dma_wait3A = arith.constant 0 : i32
      %dma_wait3A_106 = tpu.memref_slice %arg12[%add3A_93, %dma_wait3A] : memref<10240x64xf32, #tpu.memory_space<vmem_shared>> -> memref<128x64xf32, #tpu.memory_space<vmem_shared>>
      %dma_wait3A_107 = arith.constant 0 : i32
      %dma_wait3A_108 = tpu.memref_slice %arg12[%add3A_93, %dma_wait3A_107] : memref<10240x64xf32, #tpu.memory_space<vmem_shared>> -> memref<128x64xf32, #tpu.memory_space<vmem_shared>>
      tpu.wait_dma2 semaphore(%run_scoped3A_101 : memref<!tpu.dma_semaphore, #tpu.memory_space<semaphore_mem>>) src(%dma_wait3A_108 : memref<128x64xf32, #tpu.memory_space<vmem_shared>>) dst(%arg9 : memref<128x64xf32, #tpu.memory_space<vmem>>)
      tpu.yield
    }) : () -> ()
    %run_scoped3A_94 = arith.constant 1 : i32
    "tpu.region"() ({
      %run_scoped3A_101 = tpu.sem_alloc : memref<!tpu.dma_semaphore, #tpu.memory_space<semaphore_mem>>
      %dma_start3A_102 = arith.constant 0 : i32
      %dma_start3A_103 = tpu.memref_slice %arg5[%run_scoped3A_94, %arg0, %add3A_93, %dma_start3A_102] : memref<2x2x10240x64xf32, #tpu.memory_space<hbm>> -> memref<1x1x128x64xf32, #tpu.memory_space<hbm>>
      %dma_start3A_104 = tpu.memref_squeeze %dma_start3A_103 : memref<1x1x128x64xf32, #tpu.memory_space<hbm>> -> memref<128x64xf32, #tpu.memory_space<hbm>>
      %dma_start3A_105 = arith.constant 0 : i32
      %dma_start3A_106 = tpu.memref_slice %arg5[%run_scoped3A_94, %arg0, %add3A_93, %dma_start3A_105] : memref<2x2x10240x64xf32, #tpu.memory_space<hbm>> -> memref<1x1x128x64xf32, #tpu.memory_space<hbm>>
      %dma_start3A_107 = tpu.memref_squeeze %dma_start3A_106 : memref<1x1x128x64xf32, #tpu.memory_space<hbm>> -> memref<128x64xf32, #tpu.memory_space<hbm>>
      tpu.enqueue_dma source(%arg9 : memref<128x64xf32, #tpu.memory_space<vmem>>) target(%dma_start3A_107 : memref<128x64xf32, #tpu.memory_space<hbm>>) target_semaphore(%run_scoped3A_101 : memref<!tpu.dma_semaphore, #tpu.memory_space<semaphore_mem>>)
      %dma_wait3A = arith.constant 0 : i32
      %dma_wait3A_108 = tpu.memref_slice %arg5[%run_scoped3A_94, %arg0, %add3A_93, %dma_wait3A] : memref<2x2x10240x64xf32, #tpu.memory_space<hbm>> -> memref<1x1x128x64xf32, #tpu.memory_space<hbm>>
      %dma_wait3A_109 = tpu.memref_squeeze %dma_wait3A_108 : memref<1x1x128x64xf32, #tpu.memory_space<hbm>> -> memref<128x64xf32, #tpu.memory_space<hbm>>
      %dma_wait3A_110 = arith.constant 0 : i32
      %dma_wait3A_111 = tpu.memref_slice %arg5[%run_scoped3A_94, %arg0, %add3A_93, %dma_wait3A_110] : memref<2x2x10240x64xf32, #tpu.memory_space<hbm>> -> memref<1x1x128x64xf32, #tpu.memory_space<hbm>>
      %dma_wait3A_112 = tpu.memref_squeeze %dma_wait3A_111 : memref<1x1x128x64xf32, #tpu.memory_space<hbm>> -> memref<128x64xf32, #tpu.memory_space<hbm>>
      tpu.wait_dma2 semaphore(%run_scoped3A_101 : memref<!tpu.dma_semaphore, #tpu.memory_space<semaphore_mem>>) src(%arg9 : memref<128x64xf32, #tpu.memory_space<vmem>>) dst(%dma_wait3A_112 : memref<128x64xf32, #tpu.memory_space<hbm>>)
      tpu.yield
    }) : () -> ()
    %add3A_95 = arith.constant 384 : i32
    %add3A_96 = arith.addi %mul3A_0, %add3A_95 : i32
    "tpu.region"() ({
      %run_scoped3A_101 = tpu.sem_alloc : memref<!tpu.dma_semaphore, #tpu.memory_space<semaphore_mem>>
      %dma_start3A_102 = arith.constant 0 : i32
      %dma_start3A_103 = tpu.memref_slice %arg12[%add3A_96, %dma_start3A_102] : memref<10240x64xf32, #tpu.memory_space<vmem_shared>> -> memref<128x64xf32, #tpu.memory_space<vmem_shared>>
      %dma_start3A_104 = arith.constant 0 : i32
      %dma_start3A_105 = tpu.memref_slice %arg12[%add3A_96, %dma_start3A_104] : memref<10240x64xf32, #tpu.memory_space<vmem_shared>> -> memref<128x64xf32, #tpu.memory_space<vmem_shared>>
      tpu.enqueue_dma source(%dma_start3A_105 : memref<128x64xf32, #tpu.memory_space<vmem_shared>>) target(%arg9 : memref<128x64xf32, #tpu.memory_space<vmem>>) target_semaphore(%run_scoped3A_101 : memref<!tpu.dma_semaphore, #tpu.memory_space<semaphore_mem>>)
      %dma_wait3A = arith.constant 0 : i32
      %dma_wait3A_106 = tpu.memref_slice %arg12[%add3A_96, %dma_wait3A] : memref<10240x64xf32, #tpu.memory_space<vmem_shared>> -> memref<128x64xf32, #tpu.memory_space<vmem_shared>>
      %dma_wait3A_107 = arith.constant 0 : i32
      %dma_wait3A_108 = tpu.memref_slice %arg12[%add3A_96, %dma_wait3A_107] : memref<10240x64xf32, #tpu.memory_space<vmem_shared>> -> memref<128x64xf32, #tpu.memory_space<vmem_shared>>
      tpu.wait_dma2 semaphore(%run_scoped3A_101 : memref<!tpu.dma_semaphore, #tpu.memory_space<semaphore_mem>>) src(%dma_wait3A_108 : memref<128x64xf32, #tpu.memory_space<vmem_shared>>) dst(%arg9 : memref<128x64xf32, #tpu.memory_space<vmem>>)
      tpu.yield
    }) : () -> ()
    %run_scoped3A_97 = arith.constant 1 : i32
    "tpu.region"() ({
      %run_scoped3A_101 = tpu.sem_alloc : memref<!tpu.dma_semaphore, #tpu.memory_space<semaphore_mem>>
      %dma_start3A_102 = arith.constant 0 : i32
      %dma_start3A_103 = tpu.memref_slice %arg5[%run_scoped3A_97, %arg0, %add3A_96, %dma_start3A_102] : memref<2x2x10240x64xf32, #tpu.memory_space<hbm>> -> memref<1x1x128x64xf32, #tpu.memory_space<hbm>>
      %dma_start3A_104 = tpu.memref_squeeze %dma_start3A_103 : memref<1x1x128x64xf32, #tpu.memory_space<hbm>> -> memref<128x64xf32, #tpu.memory_space<hbm>>
      %dma_start3A_105 = arith.constant 0 : i32
      %dma_start3A_106 = tpu.memref_slice %arg5[%run_scoped3A_97, %arg0, %add3A_96, %dma_start3A_105] : memref<2x2x10240x64xf32, #tpu.memory_space<hbm>> -> memref<1x1x128x64xf32, #tpu.memory_space<hbm>>
      %dma_start3A_107 = tpu.memref_squeeze %dma_start3A_106 : memref<1x1x128x64xf32, #tpu.memory_space<hbm>> -> memref<128x64xf32, #tpu.memory_space<hbm>>
      tpu.enqueue_dma source(%arg9 : memref<128x64xf32, #tpu.memory_space<vmem>>) target(%dma_start3A_107 : memref<128x64xf32, #tpu.memory_space<hbm>>) target_semaphore(%run_scoped3A_101 : memref<!tpu.dma_semaphore, #tpu.memory_space<semaphore_mem>>)
      %dma_wait3A = arith.constant 0 : i32
      %dma_wait3A_108 = tpu.memref_slice %arg5[%run_scoped3A_97, %arg0, %add3A_96, %dma_wait3A] : memref<2x2x10240x64xf32, #tpu.memory_space<hbm>> -> memref<1x1x128x64xf32, #tpu.memory_space<hbm>>
      %dma_wait3A_109 = tpu.memref_squeeze %dma_wait3A_108 : memref<1x1x128x64xf32, #tpu.memory_space<hbm>> -> memref<128x64xf32, #tpu.memory_space<hbm>>
      %dma_wait3A_110 = arith.constant 0 : i32
      %dma_wait3A_111 = tpu.memref_slice %arg5[%run_scoped3A_97, %arg0, %add3A_96, %dma_wait3A_110] : memref<2x2x10240x64xf32, #tpu.memory_space<hbm>> -> memref<1x1x128x64xf32, #tpu.memory_space<hbm>>
      %dma_wait3A_112 = tpu.memref_squeeze %dma_wait3A_111 : memref<1x1x128x64xf32, #tpu.memory_space<hbm>> -> memref<128x64xf32, #tpu.memory_space<hbm>>
      tpu.wait_dma2 semaphore(%run_scoped3A_101 : memref<!tpu.dma_semaphore, #tpu.memory_space<semaphore_mem>>) src(%arg9 : memref<128x64xf32, #tpu.memory_space<vmem>>) dst(%dma_wait3A_112 : memref<128x64xf32, #tpu.memory_space<hbm>>)
      tpu.yield
    }) : () -> ()
    %add3A_98 = arith.constant 512 : i32
    %add3A_99 = arith.addi %mul3A_0, %add3A_98 : i32
    "tpu.region"() ({
      %run_scoped3A_101 = tpu.sem_alloc : memref<!tpu.dma_semaphore, #tpu.memory_space<semaphore_mem>>
      %dma_start3A_102 = arith.constant 0 : i32
      %dma_start3A_103 = tpu.memref_slice %arg12[%add3A_99, %dma_start3A_102] : memref<10240x64xf32, #tpu.memory_space<vmem_shared>> -> memref<128x64xf32, #tpu.memory_space<vmem_shared>>
      %dma_start3A_104 = arith.constant 0 : i32
      %dma_start3A_105 = tpu.memref_slice %arg12[%add3A_99, %dma_start3A_104] : memref<10240x64xf32, #tpu.memory_space<vmem_shared>> -> memref<128x64xf32, #tpu.memory_space<vmem_shared>>
      tpu.enqueue_dma source(%dma_start3A_105 : memref<128x64xf32, #tpu.memory_space<vmem_shared>>) target(%arg9 : memref<128x64xf32, #tpu.memory_space<vmem>>) target_semaphore(%run_scoped3A_101 : memref<!tpu.dma_semaphore, #tpu.memory_space<semaphore_mem>>)
      %dma_wait3A = arith.constant 0 : i32
      %dma_wait3A_106 = tpu.memref_slice %arg12[%add3A_99, %dma_wait3A] : memref<10240x64xf32, #tpu.memory_space<vmem_shared>> -> memref<128x64xf32, #tpu.memory_space<vmem_shared>>
      %dma_wait3A_107 = arith.constant 0 : i32
      %dma_wait3A_108 = tpu.memref_slice %arg12[%add3A_99, %dma_wait3A_107] : memref<10240x64xf32, #tpu.memory_space<vmem_shared>> -> memref<128x64xf32, #tpu.memory_space<vmem_shared>>
      tpu.wait_dma2 semaphore(%run_scoped3A_101 : memref<!tpu.dma_semaphore, #tpu.memory_space<semaphore_mem>>) src(%dma_wait3A_108 : memref<128x64xf32, #tpu.memory_space<vmem_shared>>) dst(%arg9 : memref<128x64xf32, #tpu.memory_space<vmem>>)
      tpu.yield
    }) : () -> ()
    %run_scoped3A_100 = arith.constant 1 : i32
    "tpu.region"() ({
      %run_scoped3A_101 = tpu.sem_alloc : memref<!tpu.dma_semaphore, #tpu.memory_space<semaphore_mem>>
      %dma_start3A_102 = arith.constant 0 : i32
      %dma_start3A_103 = tpu.memref_slice %arg5[%run_scoped3A_100, %arg0, %add3A_99, %dma_start3A_102] : memref<2x2x10240x64xf32, #tpu.memory_space<hbm>> -> memref<1x1x128x64xf32, #tpu.memory_space<hbm>>
      %dma_start3A_104 = tpu.memref_squeeze %dma_start3A_103 : memref<1x1x128x64xf32, #tpu.memory_space<hbm>> -> memref<128x64xf32, #tpu.memory_space<hbm>>
      %dma_start3A_105 = arith.constant 0 : i32
      %dma_start3A_106 = tpu.memref_slice %arg5[%run_scoped3A_100, %arg0, %add3A_99, %dma_start3A_105] : memref<2x2x10240x64xf32, #tpu.memory_space<hbm>> -> memref<1x1x128x64xf32, #tpu.memory_space<hbm>>
      %dma_start3A_107 = tpu.memref_squeeze %dma_start3A_106 : memref<1x1x128x64xf32, #tpu.memory_space<hbm>> -> memref<128x64xf32, #tpu.memory_space<hbm>>
      tpu.enqueue_dma source(%arg9 : memref<128x64xf32, #tpu.memory_space<vmem>>) target(%dma_start3A_107 : memref<128x64xf32, #tpu.memory_space<hbm>>) target_semaphore(%run_scoped3A_101 : memref<!tpu.dma_semaphore, #tpu.memory_space<semaphore_mem>>)
      %dma_wait3A = arith.constant 0 : i32
      %dma_wait3A_108 = tpu.memref_slice %arg5[%run_scoped3A_100, %arg0, %add3A_99, %dma_wait3A] : memref<2x2x10240x64xf32, #tpu.memory_space<hbm>> -> memref<1x1x128x64xf32, #tpu.memory_space<hbm>>
      %dma_wait3A_109 = tpu.memref_squeeze %dma_wait3A_108 : memref<1x1x128x64xf32, #tpu.memory_space<hbm>> -> memref<128x64xf32, #tpu.memory_space<hbm>>
      %dma_wait3A_110 = arith.constant 0 : i32
      %dma_wait3A_111 = tpu.memref_slice %arg5[%run_scoped3A_100, %arg0, %add3A_99, %dma_wait3A_110] : memref<2x2x10240x64xf32, #tpu.memory_space<hbm>> -> memref<1x1x128x64xf32, #tpu.memory_space<hbm>>
      %dma_wait3A_112 = tpu.memref_squeeze %dma_wait3A_111 : memref<1x1x128x64xf32, #tpu.memory_space<hbm>> -> memref<128x64xf32, #tpu.memory_space<hbm>>
      tpu.wait_dma2 semaphore(%run_scoped3A_101 : memref<!tpu.dma_semaphore, #tpu.memory_space<semaphore_mem>>) src(%arg9 : memref<128x64xf32, #tpu.memory_space<vmem>>) dst(%dma_wait3A_112 : memref<128x64xf32, #tpu.memory_space<hbm>>)
      tpu.yield
    }) : () -> ()
    return
  }
}

#map = affine_map<(d0, d1) -> (0, 0)>
#map1 = affine_map<(d0, d1) -> (0, 0, 0)>
#map2 = affine_map<(d0, d1) -> (0, 0, 0, 0)>
module attributes {stable_mosaic.version = 14 : i64} {
  func.func @body(%arg0: i32, %arg1: i32, %arg2: memref<10240x64xf32, #tpu.memory_space<hbm>>, %arg3: memref<10240x64xf32, #tpu.memory_space<hbm>>, %arg4: memref<2x2560x128xi32, #tpu.memory_space<hbm>>, %arg5: memref<2x2x10240x64xf32, #tpu.memory_space<hbm>>, %arg6: memref<160x128xi32, #tpu.memory_space<vmem>>, %arg7: memref<160x128xi32, #tpu.memory_space<vmem>>, %arg8: memref<128x64xf32, #tpu.memory_space<vmem>>, %arg9: memref<128x64xf32, #tpu.memory_space<vmem>>, %arg10: memref<128x64xf32, #tpu.memory_space<vmem>>, %arg11: memref<10240x64xf32, #tpu.memory_space<vmem_shared>>, %arg12: memref<!tpu.dma_semaphore, #tpu.memory_space<semaphore_mem>>, %arg13: memref<!tpu.dma_semaphore, #tpu.memory_space<semaphore_mem>>) attributes {dimension_semantics = [#tpu.dimension_semantics<core_parallel>, #tpu.dimension_semantics<subcore_parallel>], iteration_bounds = array<i64: 2, 16>, scalar_prefetch = 0 : i64, scratch_operands = 8 : i64, tpu.core_type = #tpu.core_type<sc_vector_subcore>, window_params = [{transform_indices = #map}, {transform_indices = #map}, {transform_indices = #map1}, {transform_indices = #map2}]} {
    %mul3A = arith.constant 640 : i32
    %mul3A_0 = arith.muli %arg1, %mul3A : i32
    %scan3A = arith.constant 0 : i32
    %scan3A_1 = arith.constant 0 : i32
    %scan3A_2 = arith.constant 128 : i32
    %scan3A_3 = arith.addi %scan3A_1, %scan3A_2 : i32
    %scan3A_4 = arith.constant 1 : i32
    scf.for %scan3A_101 = %scan3A_1 to %scan3A_3 step %scan3A_4  : i32 {
      %broadcast_in_dim3A = arith.constant 0.000000e+00 : f32
      %broadcast_in_dim3A_102 = vector.broadcast %broadcast_in_dim3A : f32 to vector<16xf32>
      %swap3A = arith.index_cast %scan3A_101 : i32 to index
      %swap3A_103 = arith.constant 0 : index
      %swap3A_104 = tpu.vector_load %arg10[%swap3A, %swap3A_103] {strides = array<i32>} : memref<128x64xf32, #tpu.memory_space<vmem>>, vector<1x16xf32>,
      %swap3A_105 = vector.shape_cast %swap3A_104 : vector<1x16xf32> to vector<16xf32>
      %swap3A_106 = vector.shape_cast %broadcast_in_dim3A_102 : vector<16xf32> to vector<1x16xf32>
      tpu.vector_store %arg10[%swap3A, %swap3A_103], %swap3A_106 {strides = array<i32>} : memref<128x64xf32, #tpu.memory_space<vmem>>, vector<1x16xf32>,
      %broadcast_in_dim3A_107 = arith.constant 0.000000e+00 : f32
      %broadcast_in_dim3A_108 = vector.broadcast %broadcast_in_dim3A_107 : f32 to vector<16xf32>
      %swap3A_109 = arith.index_cast %scan3A_101 : i32 to index
      %swap3A_110 = arith.constant 16 : index
      %swap3A_111 = tpu.vector_load %arg10[%swap3A_109, %swap3A_110] {strides = array<i32>} : memref<128x64xf32, #tpu.memory_space<vmem>>, vector<1x16xf32>,
      %swap3A_112 = vector.shape_cast %swap3A_111 : vector<1x16xf32> to vector<16xf32>
      %swap3A_113 = vector.shape_cast %broadcast_in_dim3A_108 : vector<16xf32> to vector<1x16xf32>
      tpu.vector_store %arg10[%swap3A_109, %swap3A_110], %swap3A_113 {strides = array<i32>} : memref<128x64xf32, #tpu.memory_space<vmem>>, vector<1x16xf32>,
      %broadcast_in_dim3A_114 = arith.constant 0.000000e+00 : f32
      %broadcast_in_dim3A_115 = vector.broadcast %broadcast_in_dim3A_114 : f32 to vector<16xf32>
      %swap3A_116 = arith.index_cast %scan3A_101 : i32 to index
      %swap3A_117 = arith.constant 32 : index
      %swap3A_118 = tpu.vector_load %arg10[%swap3A_116, %swap3A_117] {strides = array<i32>} : memref<128x64xf32, #tpu.memory_space<vmem>>, vector<1x16xf32>,
      %swap3A_119 = vector.shape_cast %swap3A_118 : vector<1x16xf32> to vector<16xf32>
      %swap3A_120 = vector.shape_cast %broadcast_in_dim3A_115 : vector<16xf32> to vector<1x16xf32>
      tpu.vector_store %arg10[%swap3A_116, %swap3A_117], %swap3A_120 {strides = array<i32>} : memref<128x64xf32, #tpu.memory_space<vmem>>, vector<1x16xf32>,
      %broadcast_in_dim3A_121 = arith.constant 0.000000e+00 : f32
      %broadcast_in_dim3A_122 = vector.broadcast %broadcast_in_dim3A_121 : f32 to vector<16xf32>
      %swap3A_123 = arith.index_cast %scan3A_101 : i32 to index
      %swap3A_124 = arith.constant 48 : index
      %swap3A_125 = tpu.vector_load %arg10[%swap3A_123, %swap3A_124] {strides = array<i32>} : memref<128x64xf32, #tpu.memory_space<vmem>>, vector<1x16xf32>,
      %swap3A_126 = vector.shape_cast %swap3A_125 : vector<1x16xf32> to vector<16xf32>
      %swap3A_127 = vector.shape_cast %broadcast_in_dim3A_122 : vector<16xf32> to vector<1x16xf32>
      tpu.vector_store %arg10[%swap3A_123, %swap3A_124], %swap3A_127 {strides = array<i32>} : memref<128x64xf32, #tpu.memory_space<vmem>>, vector<1x16xf32>,
    }
    %scan3A_5 = arith.constant 128 : i32
    %mul3A_6 = arith.constant 160 : i32
    %mul3A_7 = arith.muli %arg1, %mul3A_6 : i32
    "tpu.region"() ({
      %run_scoped3A_101 = tpu.sem_alloc : memref<!tpu.dma_semaphore, #tpu.memory_space<semaphore_mem>>
      %dma_start3A_102 = arith.constant 0 : i32
      %dma_start3A_103 = tpu.memref_slice %arg4[%arg0, %mul3A_7, %dma_start3A_102] : memref<2x2560x128xi32, #tpu.memory_space<hbm>> -> memref<1x160x128xi32, #tpu.memory_space<hbm>>
      %dma_start3A_104 = tpu.memref_squeeze %dma_start3A_103 : memref<1x160x128xi32, #tpu.memory_space<hbm>> -> memref<160x128xi32, #tpu.memory_space<hbm>>
      %dma_start3A_105 = arith.constant 0 : i32
      %dma_start3A_106 = tpu.memref_slice %arg4[%arg0, %mul3A_7, %dma_start3A_105] : memref<2x2560x128xi32, #tpu.memory_space<hbm>> -> memref<1x160x128xi32, #tpu.memory_space<hbm>>
      %dma_start3A_107 = tpu.memref_squeeze %dma_start3A_106 : memref<1x160x128xi32, #tpu.memory_space<hbm>> -> memref<160x128xi32, #tpu.memory_space<hbm>>
      tpu.enqueue_dma source(%dma_start3A_107 : memref<160x128xi32, #tpu.memory_space<hbm>>) target(%arg6 : memref<160x128xi32, #tpu.memory_space<vmem>>) target_semaphore(%run_scoped3A_101 : memref<!tpu.dma_semaphore, #tpu.memory_space<semaphore_mem>>)
      %dma_wait3A = arith.constant 0 : i32
      %dma_wait3A_108 = tpu.memref_slice %arg4[%arg0, %mul3A_7, %dma_wait3A] : memref<2x2560x128xi32, #tpu.memory_space<hbm>> -> memref<1x160x128xi32, #tpu.memory_space<hbm>>
      %dma_wait3A_109 = tpu.memref_squeeze %dma_wait3A_108 : memref<1x160x128xi32, #tpu.memory_space<hbm>> -> memref<160x128xi32, #tpu.memory_space<hbm>>
      %dma_wait3A_110 = arith.constant 0 : i32
      %dma_wait3A_111 = tpu.memref_slice %arg4[%arg0, %mul3A_7, %dma_wait3A_110] : memref<2x2560x128xi32, #tpu.memory_space<hbm>> -> memref<1x160x128xi32, #tpu.memory_space<hbm>>
      %dma_wait3A_112 = tpu.memref_squeeze %dma_wait3A_111 : memref<1x160x128xi32, #tpu.memory_space<hbm>> -> memref<160x128xi32, #tpu.memory_space<hbm>>
      tpu.wait_dma2 semaphore(%run_scoped3A_101 : memref<!tpu.dma_semaphore, #tpu.memory_space<semaphore_mem>>) src(%dma_wait3A_112 : memref<160x128xi32, #tpu.memory_space<hbm>>) dst(%arg6 : memref<160x128xi32, #tpu.memory_space<vmem>>)
      tpu.yield
    }) : () -> ()
    %sub3A = arith.constant 1 : i32
    %sub3A_8 = arith.subi %sub3A, %arg0 : i32
    %mul3A_9 = arith.constant 160 : i32
    %mul3A_10 = arith.muli %arg1, %mul3A_9 : i32
    "tpu.region"() ({
      %run_scoped3A_101 = tpu.sem_alloc : memref<!tpu.dma_semaphore, #tpu.memory_space<semaphore_mem>>
      %dma_start3A_102 = arith.constant 0 : i32
      %dma_start3A_103 = tpu.memref_slice %arg4[%sub3A_8, %mul3A_10, %dma_start3A_102] : memref<2x2560x128xi32, #tpu.memory_space<hbm>> -> memref<1x160x128xi32, #tpu.memory_space<hbm>>
      %dma_start3A_104 = tpu.memref_squeeze %dma_start3A_103 : memref<1x160x128xi32, #tpu.memory_space<hbm>> -> memref<160x128xi32, #tpu.memory_space<hbm>>
      %dma_start3A_105 = arith.constant 0 : i32
      %dma_start3A_106 = tpu.memref_slice %arg4[%sub3A_8, %mul3A_10, %dma_start3A_105] : memref<2x2560x128xi32, #tpu.memory_space<hbm>> -> memref<1x160x128xi32, #tpu.memory_space<hbm>>
      %dma_start3A_107 = tpu.memref_squeeze %dma_start3A_106 : memref<1x160x128xi32, #tpu.memory_space<hbm>> -> memref<160x128xi32, #tpu.memory_space<hbm>>
      tpu.enqueue_dma source(%dma_start3A_107 : memref<160x128xi32, #tpu.memory_space<hbm>>) target(%arg7 : memref<160x128xi32, #tpu.memory_space<vmem>>) target_semaphore(%run_scoped3A_101 : memref<!tpu.dma_semaphore, #tpu.memory_space<semaphore_mem>>)
      %dma_wait3A = arith.constant 0 : i32
      %dma_wait3A_108 = tpu.memref_slice %arg4[%sub3A_8, %mul3A_10, %dma_wait3A] : memref<2x2560x128xi32, #tpu.memory_space<hbm>> -> memref<1x160x128xi32, #tpu.memory_space<hbm>>
      %dma_wait3A_109 = tpu.memref_squeeze %dma_wait3A_108 : memref<1x160x128xi32, #tpu.memory_space<hbm>> -> memref<160x128xi32, #tpu.memory_space<hbm>>
      %dma_wait3A_110 = arith.constant 0 : i32
      %dma_wait3A_111 = tpu.memref_slice %arg4[%sub3A_8, %mul3A_10, %dma_wait3A_110] : memref<2x2560x128xi32, #tpu.memory_space<hbm>> -> memref<1x160x128xi32, #tpu.memory_space<hbm>>
      %dma_wait3A_112 = tpu.memref_squeeze %dma_wait3A_111 : memref<1x160x128xi32, #tpu.memory_space<hbm>> -> memref<160x128xi32, #tpu.memory_space<hbm>>
      tpu.wait_dma2 semaphore(%run_scoped3A_101 : memref<!tpu.dma_semaphore, #tpu.memory_space<semaphore_mem>>) src(%dma_wait3A_112 : memref<160x128xi32, #tpu.memory_space<hbm>>) dst(%arg7 : memref<160x128xi32, #tpu.memory_space<vmem>>)
      tpu.yield
    }) : () -> ()
    %add3A = arith.constant 0 : i32
    %add3A_11 = arith.addi %mul3A_0, %add3A : i32
    "tpu.region"() ({
      %run_scoped3A_101 = tpu.sem_alloc : memref<!tpu.dma_semaphore, #tpu.memory_space<semaphore_mem>>
      %dma_start3A_102 = arith.constant 0 : i32
      %dma_start3A_103 = tpu.memref_slice %arg11[%add3A_11, %dma_start3A_102] : memref<10240x64xf32, #tpu.memory_space<vmem_shared>> -> memref<128x64xf32, #tpu.memory_space<vmem_shared>>
      %dma_start3A_104 = arith.constant 0 : i32
      %dma_start3A_105 = tpu.memref_slice %arg11[%add3A_11, %dma_start3A_104] : memref<10240x64xf32, #tpu.memory_space<vmem_shared>> -> memref<128x64xf32, #tpu.memory_space<vmem_shared>>
      tpu.enqueue_dma source(%arg10 : memref<128x64xf32, #tpu.memory_space<vmem>>) target(%dma_start3A_105 : memref<128x64xf32, #tpu.memory_space<vmem_shared>>) target_semaphore(%run_scoped3A_101 : memref<!tpu.dma_semaphore, #tpu.memory_space<semaphore_mem>>)
      %dma_wait3A = arith.constant 0 : i32
      %dma_wait3A_106 = tpu.memref_slice %arg11[%add3A_11, %dma_wait3A] : memref<10240x64xf32, #tpu.memory_space<vmem_shared>> -> memref<128x64xf32, #tpu.memory_space<vmem_shared>>
      %dma_wait3A_107 = arith.constant 0 : i32
      %dma_wait3A_108 = tpu.memref_slice %arg11[%add3A_11, %dma_wait3A_107] : memref<10240x64xf32, #tpu.memory_space<vmem_shared>> -> memref<128x64xf32, #tpu.memory_space<vmem_shared>>
      tpu.wait_dma2 semaphore(%run_scoped3A_101 : memref<!tpu.dma_semaphore, #tpu.memory_space<semaphore_mem>>) src(%arg10 : memref<128x64xf32, #tpu.memory_space<vmem>>) dst(%dma_wait3A_108 : memref<128x64xf32, #tpu.memory_space<vmem_shared>>)
      tpu.yield
    }) : () -> ()
    %add3A_12 = arith.constant 128 : i32
    %add3A_13 = arith.addi %mul3A_0, %add3A_12 : i32
    "tpu.region"() ({
      %run_scoped3A_101 = tpu.sem_alloc : memref<!tpu.dma_semaphore, #tpu.memory_space<semaphore_mem>>
      %dma_start3A_102 = arith.constant 0 : i32
      %dma_start3A_103 = tpu.memref_slice %arg11[%add3A_13, %dma_start3A_102] : memref<10240x64xf32, #tpu.memory_space<vmem_shared>> -> memref<128x64xf32, #tpu.memory_space<vmem_shared>>
      %dma_start3A_104 = arith.constant 0 : i32
      %dma_start3A_105 = tpu.memref_slice %arg11[%add3A_13, %dma_start3A_104] : memref<10240x64xf32, #tpu.memory_space<vmem_shared>> -> memref<128x64xf32, #tpu.memory_space<vmem_shared>>
      tpu.enqueue_dma source(%arg10 : memref<128x64xf32, #tpu.memory_space<vmem>>) target(%dma_start3A_105 : memref<128x64xf32, #tpu.memory_space<vmem_shared>>) target_semaphore(%run_scoped3A_101 : memref<!tpu.dma_semaphore, #tpu.memory_space<semaphore_mem>>)
      %dma_wait3A = arith.constant 0 : i32
      %dma_wait3A_106 = tpu.memref_slice %arg11[%add3A_13, %dma_wait3A] : memref<10240x64xf32, #tpu.memory_space<vmem_shared>> -> memref<128x64xf32, #tpu.memory_space<vmem_shared>>
      %dma_wait3A_107 = arith.constant 0 : i32
      %dma_wait3A_108 = tpu.memref_slice %arg11[%add3A_13, %dma_wait3A_107] : memref<10240x64xf32, #tpu.memory_space<vmem_shared>> -> memref<128x64xf32, #tpu.memory_space<vmem_shared>>
      tpu.wait_dma2 semaphore(%run_scoped3A_101 : memref<!tpu.dma_semaphore, #tpu.memory_space<semaphore_mem>>) src(%arg10 : memref<128x64xf32, #tpu.memory_space<vmem>>) dst(%dma_wait3A_108 : memref<128x64xf32, #tpu.memory_space<vmem_shared>>)
      tpu.yield
    }) : () -> ()
    %add3A_14 = arith.constant 256 : i32
    %add3A_15 = arith.addi %mul3A_0, %add3A_14 : i32
    "tpu.region"() ({
      %run_scoped3A_101 = tpu.sem_alloc : memref<!tpu.dma_semaphore, #tpu.memory_space<semaphore_mem>>
      %dma_start3A_102 = arith.constant 0 : i32
      %dma_start3A_103 = tpu.memref_slice %arg11[%add3A_15, %dma_start3A_102] : memref<10240x64xf32, #tpu.memory_space<vmem_shared>> -> memref<128x64xf32, #tpu.memory_space<vmem_shared>>
      %dma_start3A_104 = arith.constant 0 : i32
      %dma_start3A_105 = tpu.memref_slice %arg11[%add3A_15, %dma_start3A_104] : memref<10240x64xf32, #tpu.memory_space<vmem_shared>> -> memref<128x64xf32, #tpu.memory_space<vmem_shared>>
      tpu.enqueue_dma source(%arg10 : memref<128x64xf32, #tpu.memory_space<vmem>>) target(%dma_start3A_105 : memref<128x64xf32, #tpu.memory_space<vmem_shared>>) target_semaphore(%run_scoped3A_101 : memref<!tpu.dma_semaphore, #tpu.memory_space<semaphore_mem>>)
      %dma_wait3A = arith.constant 0 : i32
      %dma_wait3A_106 = tpu.memref_slice %arg11[%add3A_15, %dma_wait3A] : memref<10240x64xf32, #tpu.memory_space<vmem_shared>> -> memref<128x64xf32, #tpu.memory_space<vmem_shared>>
      %dma_wait3A_107 = arith.constant 0 : i32
      %dma_wait3A_108 = tpu.memref_slice %arg11[%add3A_15, %dma_wait3A_107] : memref<10240x64xf32, #tpu.memory_space<vmem_shared>> -> memref<128x64xf32, #tpu.memory_space<vmem_shared>>
      tpu.wait_dma2 semaphore(%run_scoped3A_101 : memref<!tpu.dma_semaphore, #tpu.memory_space<semaphore_mem>>) src(%arg10 : memref<128x64xf32, #tpu.memory_space<vmem>>) dst(%dma_wait3A_108 : memref<128x64xf32, #tpu.memory_space<vmem_shared>>)
      tpu.yield
    }) : () -> ()
    %add3A_16 = arith.constant 384 : i32
    %add3A_17 = arith.addi %mul3A_0, %add3A_16 : i32
    "tpu.region"() ({
      %run_scoped3A_101 = tpu.sem_alloc : memref<!tpu.dma_semaphore, #tpu.memory_space<semaphore_mem>>
      %dma_start3A_102 = arith.constant 0 : i32
      %dma_start3A_103 = tpu.memref_slice %arg11[%add3A_17, %dma_start3A_102] : memref<10240x64xf32, #tpu.memory_space<vmem_shared>> -> memref<128x64xf32, #tpu.memory_space<vmem_shared>>
      %dma_start3A_104 = arith.constant 0 : i32
      %dma_start3A_105 = tpu.memref_slice %arg11[%add3A_17, %dma_start3A_104] : memref<10240x64xf32, #tpu.memory_space<vmem_shared>> -> memref<128x64xf32, #tpu.memory_space<vmem_shared>>
      tpu.enqueue_dma source(%arg10 : memref<128x64xf32, #tpu.memory_space<vmem>>) target(%dma_start3A_105 : memref<128x64xf32, #tpu.memory_space<vmem_shared>>) target_semaphore(%run_scoped3A_101 : memref<!tpu.dma_semaphore, #tpu.memory_space<semaphore_mem>>)
      %dma_wait3A = arith.constant 0 : i32
      %dma_wait3A_106 = tpu.memref_slice %arg11[%add3A_17, %dma_wait3A] : memref<10240x64xf32, #tpu.memory_space<vmem_shared>> -> memref<128x64xf32, #tpu.memory_space<vmem_shared>>
      %dma_wait3A_107 = arith.constant 0 : i32
      %dma_wait3A_108 = tpu.memref_slice %arg11[%add3A_17, %dma_wait3A_107] : memref<10240x64xf32, #tpu.memory_space<vmem_shared>> -> memref<128x64xf32, #tpu.memory_space<vmem_shared>>
      tpu.wait_dma2 semaphore(%run_scoped3A_101 : memref<!tpu.dma_semaphore, #tpu.memory_space<semaphore_mem>>) src(%arg10 : memref<128x64xf32, #tpu.memory_space<vmem>>) dst(%dma_wait3A_108 : memref<128x64xf32, #tpu.memory_space<vmem_shared>>)
      tpu.yield
    }) : () -> ()
    %add3A_18 = arith.constant 512 : i32
    %add3A_19 = arith.addi %mul3A_0, %add3A_18 : i32
    "tpu.region"() ({
      %run_scoped3A_101 = tpu.sem_alloc : memref<!tpu.dma_semaphore, #tpu.memory_space<semaphore_mem>>
      %dma_start3A_102 = arith.constant 0 : i32
      %dma_start3A_103 = tpu.memref_slice %arg11[%add3A_19, %dma_start3A_102] : memref<10240x64xf32, #tpu.memory_space<vmem_shared>> -> memref<128x64xf32, #tpu.memory_space<vmem_shared>>
      %dma_start3A_104 = arith.constant 0 : i32
      %dma_start3A_105 = tpu.memref_slice %arg11[%add3A_19, %dma_start3A_104] : memref<10240x64xf32, #tpu.memory_space<vmem_shared>> -> memref<128x64xf32, #tpu.memory_space<vmem_shared>>
      tpu.enqueue_dma source(%arg10 : memref<128x64xf32, #tpu.memory_space<vmem>>) target(%dma_start3A_105 : memref<128x64xf32, #tpu.memory_space<vmem_shared>>) target_semaphore(%run_scoped3A_101 : memref<!tpu.dma_semaphore, #tpu.memory_space<semaphore_mem>>)
      %dma_wait3A = arith.constant 0 : i32
      %dma_wait3A_106 = tpu.memref_slice %arg11[%add3A_19, %dma_wait3A] : memref<10240x64xf32, #tpu.memory_space<vmem_shared>> -> memref<128x64xf32, #tpu.memory_space<vmem_shared>>
      %dma_wait3A_107 = arith.constant 0 : i32
      %dma_wait3A_108 = tpu.memref_slice %arg11[%add3A_19, %dma_wait3A_107] : memref<10240x64xf32, #tpu.memory_space<vmem_shared>> -> memref<128x64xf32, #tpu.memory_space<vmem_shared>>
      tpu.wait_dma2 semaphore(%run_scoped3A_101 : memref<!tpu.dma_semaphore, #tpu.memory_space<semaphore_mem>>) src(%arg10 : memref<128x64xf32, #tpu.memory_space<vmem>>) dst(%dma_wait3A_108 : memref<128x64xf32, #tpu.memory_space<vmem_shared>>)
      tpu.yield
    }) : () -> ()
    %barrier3A = arith.constant 0 : index
    tpu.barrier barrier_id(%barrier3A)
    %dma_start3A = arith.constant 0 : i32
    %dma_start3A_20 = arith.constant 0 : i32
    %dma_start3A_21 = tpu.memref_slice %arg6[%dma_start3A, %dma_start3A_20] : memref<160x128xi32, #tpu.memory_space<vmem>> -> memref<1x128xi32, #tpu.memory_space<vmem>>
    %dma_start3A_22 = tpu.memref_squeeze %dma_start3A_21 : memref<1x128xi32, #tpu.memory_space<vmem>> -> memref<128xi32, #tpu.memory_space<vmem>>
    %dma_start3A_23 = arith.constant 0 : i32
    %dma_start3A_24 = arith.constant 0 : i32
    %dma_start3A_25 = tpu.memref_slice %arg2[%dma_start3A_23, %dma_start3A_24] : memref<10240x64xf32, #tpu.memory_space<hbm>> -> memref<10240x64xf32, #tpu.memory_space<hbm>>
    tpu.enqueue_indirect_dma source(%dma_start3A_25 : memref<10240x64xf32, #tpu.memory_space<hbm>>) target(%arg8 : memref<128x64xf32, #tpu.memory_space<vmem>>) offsets(%dma_start3A_22 : memref<128xi32, #tpu.memory_space<vmem>>) semaphore(%arg12 : memref<!tpu.dma_semaphore, #tpu.memory_space<semaphore_mem>>)
    %dma_start3A_26 = arith.constant 1 : i32
    %dma_start3A_27 = arith.constant 0 : i32
    %dma_start3A_28 = tpu.memref_slice %arg6[%dma_start3A_26, %dma_start3A_27] : memref<160x128xi32, #tpu.memory_space<vmem>> -> memref<1x128xi32, #tpu.memory_space<vmem>>
    %dma_start3A_29 = tpu.memref_squeeze %dma_start3A_28 : memref<1x128xi32, #tpu.memory_space<vmem>> -> memref<128xi32, #tpu.memory_space<vmem>>
    %dma_start3A_30 = arith.constant 0 : i32
    %dma_start3A_31 = arith.constant 0 : i32
    %dma_start3A_32 = tpu.memref_slice %arg2[%dma_start3A_30, %dma_start3A_31] : memref<10240x64xf32, #tpu.memory_space<hbm>> -> memref<10240x64xf32, #tpu.memory_space<hbm>>
    tpu.enqueue_indirect_dma source(%dma_start3A_32 : memref<10240x64xf32, #tpu.memory_space<hbm>>) target(%arg9 : memref<128x64xf32, #tpu.memory_space<vmem>>) offsets(%dma_start3A_29 : memref<128xi32, #tpu.memory_space<vmem>>) semaphore(%arg13 : memref<!tpu.dma_semaphore, #tpu.memory_space<semaphore_mem>>)
    %scan3A_33 = arith.constant 0 : i32
    %scan3A_34 = arith.constant 0 : i32
    %scan3A_35 = arith.constant 80 : i32
    %scan3A_36 = arith.addi %scan3A_34, %scan3A_35 : i32
    %scan3A_37 = arith.constant 1 : i32
    scf.for %scan3A_101 = %scan3A_34 to %scan3A_36 step %scan3A_37  : i32 {
      %mul3A_102 = arith.constant 2 : i32
      %mul3A_103 = arith.muli %mul3A_102, %scan3A_101 : i32
      %add3A_104 = arith.constant 0 : i32
      %add3A_105 = arith.addi %mul3A_103, %add3A_104 : i32
      %dma_wait3A = arith.constant 0 : i32
      %dma_wait3A_106 = arith.constant 0 : i32
      %dma_wait3A_107 = tpu.memref_slice %arg2[%dma_wait3A, %dma_wait3A_106] : memref<10240x64xf32, #tpu.memory_space<hbm>> -> memref<128x64xf32, #tpu.memory_space<hbm>>
      %dma_wait3A_108 = arith.constant 0 : i32
      %dma_wait3A_109 = arith.constant 0 : i32
      %dma_wait3A_110 = tpu.memref_slice %arg2[%dma_wait3A_108, %dma_wait3A_109] : memref<10240x64xf32, #tpu.memory_space<hbm>> -> memref<128x64xf32, #tpu.memory_space<hbm>>
      tpu.wait_dma2 semaphore(%arg12 : memref<!tpu.dma_semaphore, #tpu.memory_space<semaphore_mem>>) src(%dma_wait3A_110 : memref<128x64xf32, #tpu.memory_space<hbm>>) dst(%arg8 : memref<128x64xf32, #tpu.memory_space<vmem>>)
      "tpu.region"() ({
        %run_scoped3A_132 = tpu.sem_alloc : memref<!tpu.dma_semaphore, #tpu.memory_space<semaphore_mem>>
        %dma_start3A_133 = arith.constant 0 : i32
        %dma_start3A_134 = tpu.memref_slice %arg7[%add3A_105, %dma_start3A_133] : memref<160x128xi32, #tpu.memory_space<vmem>> -> memref<1x128xi32, #tpu.memory_space<vmem>>
        %dma_start3A_135 = tpu.memref_squeeze %dma_start3A_134 : memref<1x128xi32, #tpu.memory_space<vmem>> -> memref<128xi32, #tpu.memory_space<vmem>>
        %dma_start3A_136 = arith.constant 0 : i32
        %dma_start3A_137 = arith.constant 0 : i32
        %dma_start3A_138 = tpu.memref_slice %arg11[%dma_start3A_136, %dma_start3A_137] : memref<10240x64xf32, #tpu.memory_space<vmem_shared>> -> memref<10240x64xf32, #tpu.memory_space<vmem_shared>>
        tpu.enqueue_indirect_dma source(%arg8 : memref<128x64xf32, #tpu.memory_space<vmem>>) target(%dma_start3A_138 : memref<10240x64xf32, #tpu.memory_space<vmem_shared>>) offsets(%dma_start3A_135 : memref<128xi32, #tpu.memory_space<vmem>>) semaphore(%run_scoped3A_132 : memref<!tpu.dma_semaphore, #tpu.memory_space<semaphore_mem>>) {add = true}
        %dma_wait3A_139 = arith.constant 0 : i32
        %dma_wait3A_140 = tpu.memref_slice %arg7[%add3A_105, %dma_wait3A_139] : memref<160x128xi32, #tpu.memory_space<vmem>> -> memref<1x128xi32, #tpu.memory_space<vmem>>
        %dma_wait3A_141 = tpu.memref_squeeze %dma_wait3A_140 : memref<1x128xi32, #tpu.memory_space<vmem>> -> memref<128xi32, #tpu.memory_space<vmem>>
        %dma_wait3A_142 = arith.constant 0 : i32
        %dma_wait3A_143 = arith.constant 0 : i32
        %dma_wait3A_144 = tpu.memref_slice %arg11[%dma_wait3A_142, %dma_wait3A_143] : memref<10240x64xf32, #tpu.memory_space<vmem_shared>> -> memref<10240x64xf32, #tpu.memory_space<vmem_shared>>
        tpu.wait_indirect_dma semaphore(%run_scoped3A_132 : memref<!tpu.dma_semaphore, #tpu.memory_space<semaphore_mem>>) src(%arg8 : memref<128x64xf32, #tpu.memory_space<vmem>>) dst(%dma_wait3A_144 : memref<10240x64xf32, #tpu.memory_space<vmem_shared>>)
        tpu.yield
      }) : () -> ()
      %add3A_111 = arith.constant 2 : i32
      %add3A_112 = arith.addi %add3A_105, %add3A_111 : i32
      %lt3A = arith.constant 160 : i32
      %lt3A_113 = arith.cmpi slt, %add3A_112, %lt3A : i32
      %convert_element_type3A = arith.extui %lt3A_113 : i1 to i32
      %cond3A = arith.constant 0 : i32
      %cond3A_114 = arith.cmpi ne, %convert_element_type3A, %cond3A : i32
      scf.if %cond3A_114 {
        %add3A_132 = arith.constant 2 : i32
        %add3A_133 = arith.addi %add3A_105, %add3A_132 : i32
        %dma_start3A_134 = arith.constant 0 : i32
        %dma_start3A_135 = tpu.memref_slice %arg6[%add3A_133, %dma_start3A_134] : memref<160x128xi32, #tpu.memory_space<vmem>> -> memref<1x128xi32, #tpu.memory_space<vmem>>
        %dma_start3A_136 = tpu.memref_squeeze %dma_start3A_135 : memref<1x128xi32, #tpu.memory_space<vmem>> -> memref<128xi32, #tpu.memory_space<vmem>>
        %dma_start3A_137 = arith.constant 0 : i32
        %dma_start3A_138 = arith.constant 0 : i32
        %dma_start3A_139 = tpu.memref_slice %arg2[%dma_start3A_137, %dma_start3A_138] : memref<10240x64xf32, #tpu.memory_space<hbm>> -> memref<10240x64xf32, #tpu.memory_space<hbm>>
        tpu.enqueue_indirect_dma source(%dma_start3A_139 : memref<10240x64xf32, #tpu.memory_space<hbm>>) target(%arg8 : memref<128x64xf32, #tpu.memory_space<vmem>>) offsets(%dma_start3A_136 : memref<128xi32, #tpu.memory_space<vmem>>) semaphore(%arg12 : memref<!tpu.dma_semaphore, #tpu.memory_space<semaphore_mem>>)
      } else {
      }
      %mul3A_115 = arith.constant 2 : i32
      %mul3A_116 = arith.muli %mul3A_115, %scan3A_101 : i32
      %add3A_117 = arith.constant 1 : i32
      %add3A_118 = arith.addi %mul3A_116, %add3A_117 : i32
      %dma_wait3A_119 = arith.constant 0 : i32
      %dma_wait3A_120 = arith.constant 0 : i32
      %dma_wait3A_121 = tpu.memref_slice %arg2[%dma_wait3A_119, %dma_wait3A_120] : memref<10240x64xf32, #tpu.memory_space<hbm>> -> memref<128x64xf32, #tpu.memory_space<hbm>>
      %dma_wait3A_122 = arith.constant 0 : i32
      %dma_wait3A_123 = arith.constant 0 : i32
      %dma_wait3A_124 = tpu.memref_slice %arg2[%dma_wait3A_122, %dma_wait3A_123] : memref<10240x64xf32, #tpu.memory_space<hbm>> -> memref<128x64xf32, #tpu.memory_space<hbm>>
      tpu.wait_dma2 semaphore(%arg13 : memref<!tpu.dma_semaphore, #tpu.memory_space<semaphore_mem>>) src(%dma_wait3A_124 : memref<128x64xf32, #tpu.memory_space<hbm>>) dst(%arg9 : memref<128x64xf32, #tpu.memory_space<vmem>>)
      "tpu.region"() ({
        %run_scoped3A_132 = tpu.sem_alloc : memref<!tpu.dma_semaphore, #tpu.memory_space<semaphore_mem>>
        %dma_start3A_133 = arith.constant 0 : i32
        %dma_start3A_134 = tpu.memref_slice %arg7[%add3A_118, %dma_start3A_133] : memref<160x128xi32, #tpu.memory_space<vmem>> -> memref<1x128xi32, #tpu.memory_space<vmem>>
        %dma_start3A_135 = tpu.memref_squeeze %dma_start3A_134 : memref<1x128xi32, #tpu.memory_space<vmem>> -> memref<128xi32, #tpu.memory_space<vmem>>
        %dma_start3A_136 = arith.constant 0 : i32
        %dma_start3A_137 = arith.constant 0 : i32
        %dma_start3A_138 = tpu.memref_slice %arg11[%dma_start3A_136, %dma_start3A_137] : memref<10240x64xf32, #tpu.memory_space<vmem_shared>> -> memref<10240x64xf32, #tpu.memory_space<vmem_shared>>
        tpu.enqueue_indirect_dma source(%arg9 : memref<128x64xf32, #tpu.memory_space<vmem>>) target(%dma_start3A_138 : memref<10240x64xf32, #tpu.memory_space<vmem_shared>>) offsets(%dma_start3A_135 : memref<128xi32, #tpu.memory_space<vmem>>) semaphore(%run_scoped3A_132 : memref<!tpu.dma_semaphore, #tpu.memory_space<semaphore_mem>>) {add = true}
        %dma_wait3A_139 = arith.constant 0 : i32
        %dma_wait3A_140 = tpu.memref_slice %arg7[%add3A_118, %dma_wait3A_139] : memref<160x128xi32, #tpu.memory_space<vmem>> -> memref<1x128xi32, #tpu.memory_space<vmem>>
        %dma_wait3A_141 = tpu.memref_squeeze %dma_wait3A_140 : memref<1x128xi32, #tpu.memory_space<vmem>> -> memref<128xi32, #tpu.memory_space<vmem>>
        %dma_wait3A_142 = arith.constant 0 : i32
        %dma_wait3A_143 = arith.constant 0 : i32
        %dma_wait3A_144 = tpu.memref_slice %arg11[%dma_wait3A_142, %dma_wait3A_143] : memref<10240x64xf32, #tpu.memory_space<vmem_shared>> -> memref<10240x64xf32, #tpu.memory_space<vmem_shared>>
        tpu.wait_indirect_dma semaphore(%run_scoped3A_132 : memref<!tpu.dma_semaphore, #tpu.memory_space<semaphore_mem>>) src(%arg9 : memref<128x64xf32, #tpu.memory_space<vmem>>) dst(%dma_wait3A_144 : memref<10240x64xf32, #tpu.memory_space<vmem_shared>>)
        tpu.yield
      }) : () -> ()
      %add3A_125 = arith.constant 2 : i32
      %add3A_126 = arith.addi %add3A_118, %add3A_125 : i32
      %lt3A_127 = arith.constant 160 : i32
      %lt3A_128 = arith.cmpi slt, %add3A_126, %lt3A_127 : i32
      %convert_element_type3A_129 = arith.extui %lt3A_128 : i1 to i32
      %cond3A_130 = arith.constant 0 : i32
      %cond3A_131 = arith.cmpi ne, %convert_element_type3A_129, %cond3A_130 : i32
      scf.if %cond3A_131 {
        %add3A_132 = arith.constant 2 : i32
        %add3A_133 = arith.addi %add3A_118, %add3A_132 : i32
        %dma_start3A_134 = arith.constant 0 : i32
        %dma_start3A_135 = tpu.memref_slice %arg6[%add3A_133, %dma_start3A_134] : memref<160x128xi32, #tpu.memory_space<vmem>> -> memref<1x128xi32, #tpu.memory_space<vmem>>
        %dma_start3A_136 = tpu.memref_squeeze %dma_start3A_135 : memref<1x128xi32, #tpu.memory_space<vmem>> -> memref<128xi32, #tpu.memory_space<vmem>>
        %dma_start3A_137 = arith.constant 0 : i32
        %dma_start3A_138 = arith.constant 0 : i32
        %dma_start3A_139 = tpu.memref_slice %arg2[%dma_start3A_137, %dma_start3A_138] : memref<10240x64xf32, #tpu.memory_space<hbm>> -> memref<10240x64xf32, #tpu.memory_space<hbm>>
        tpu.enqueue_indirect_dma source(%dma_start3A_139 : memref<10240x64xf32, #tpu.memory_space<hbm>>) target(%arg9 : memref<128x64xf32, #tpu.memory_space<vmem>>) offsets(%dma_start3A_136 : memref<128xi32, #tpu.memory_space<vmem>>) semaphore(%arg13 : memref<!tpu.dma_semaphore, #tpu.memory_space<semaphore_mem>>)
      } else {
      }
    }
    %scan3A_38 = arith.constant 80 : i32
    %barrier3A_39 = arith.constant 0 : index
    tpu.barrier barrier_id(%barrier3A_39)
    %add3A_40 = arith.constant 0 : i32
    %add3A_41 = arith.addi %mul3A_0, %add3A_40 : i32
    "tpu.region"() ({
      %run_scoped3A_101 = tpu.sem_alloc : memref<!tpu.dma_semaphore, #tpu.memory_space<semaphore_mem>>
      %dma_start3A_102 = arith.constant 0 : i32
      %dma_start3A_103 = tpu.memref_slice %arg11[%add3A_41, %dma_start3A_102] : memref<10240x64xf32, #tpu.memory_space<vmem_shared>> -> memref<128x64xf32, #tpu.memory_space<vmem_shared>>
      %dma_start3A_104 = arith.constant 0 : i32
      %dma_start3A_105 = tpu.memref_slice %arg11[%add3A_41, %dma_start3A_104] : memref<10240x64xf32, #tpu.memory_space<vmem_shared>> -> memref<128x64xf32, #tpu.memory_space<vmem_shared>>
      tpu.enqueue_dma source(%dma_start3A_105 : memref<128x64xf32, #tpu.memory_space<vmem_shared>>) target(%arg8 : memref<128x64xf32, #tpu.memory_space<vmem>>) target_semaphore(%run_scoped3A_101 : memref<!tpu.dma_semaphore, #tpu.memory_space<semaphore_mem>>)
      %dma_wait3A = arith.constant 0 : i32
      %dma_wait3A_106 = tpu.memref_slice %arg11[%add3A_41, %dma_wait3A] : memref<10240x64xf32, #tpu.memory_space<vmem_shared>> -> memref<128x64xf32, #tpu.memory_space<vmem_shared>>
      %dma_wait3A_107 = arith.constant 0 : i32
      %dma_wait3A_108 = tpu.memref_slice %arg11[%add3A_41, %dma_wait3A_107] : memref<10240x64xf32, #tpu.memory_space<vmem_shared>> -> memref<128x64xf32, #tpu.memory_space<vmem_shared>>
      tpu.wait_dma2 semaphore(%run_scoped3A_101 : memref<!tpu.dma_semaphore, #tpu.memory_space<semaphore_mem>>) src(%dma_wait3A_108 : memref<128x64xf32, #tpu.memory_space<vmem_shared>>) dst(%arg8 : memref<128x64xf32, #tpu.memory_space<vmem>>)
      tpu.yield
    }) : () -> ()
    %run_scoped3A = arith.constant 0 : i32
    "tpu.region"() ({
      %run_scoped3A_101 = tpu.sem_alloc : memref<!tpu.dma_semaphore, #tpu.memory_space<semaphore_mem>>
      %dma_start3A_102 = arith.constant 0 : i32
      %dma_start3A_103 = tpu.memref_slice %arg5[%run_scoped3A, %arg0, %add3A_41, %dma_start3A_102] : memref<2x2x10240x64xf32, #tpu.memory_space<hbm>> -> memref<1x1x128x64xf32, #tpu.memory_space<hbm>>
      %dma_start3A_104 = tpu.memref_squeeze %dma_start3A_103 : memref<1x1x128x64xf32, #tpu.memory_space<hbm>> -> memref<128x64xf32, #tpu.memory_space<hbm>>
      %dma_start3A_105 = arith.constant 0 : i32
      %dma_start3A_106 = tpu.memref_slice %arg5[%run_scoped3A, %arg0, %add3A_41, %dma_start3A_105] : memref<2x2x10240x64xf32, #tpu.memory_space<hbm>> -> memref<1x1x128x64xf32, #tpu.memory_space<hbm>>
      %dma_start3A_107 = tpu.memref_squeeze %dma_start3A_106 : memref<1x1x128x64xf32, #tpu.memory_space<hbm>> -> memref<128x64xf32, #tpu.memory_space<hbm>>
      tpu.enqueue_dma source(%arg8 : memref<128x64xf32, #tpu.memory_space<vmem>>) target(%dma_start3A_107 : memref<128x64xf32, #tpu.memory_space<hbm>>) target_semaphore(%run_scoped3A_101 : memref<!tpu.dma_semaphore, #tpu.memory_space<semaphore_mem>>)
      %dma_wait3A = arith.constant 0 : i32
      %dma_wait3A_108 = tpu.memref_slice %arg5[%run_scoped3A, %arg0, %add3A_41, %dma_wait3A] : memref<2x2x10240x64xf32, #tpu.memory_space<hbm>> -> memref<1x1x128x64xf32, #tpu.memory_space<hbm>>
      %dma_wait3A_109 = tpu.memref_squeeze %dma_wait3A_108 : memref<1x1x128x64xf32, #tpu.memory_space<hbm>> -> memref<128x64xf32, #tpu.memory_space<hbm>>
      %dma_wait3A_110 = arith.constant 0 : i32
      %dma_wait3A_111 = tpu.memref_slice %arg5[%run_scoped3A, %arg0, %add3A_41, %dma_wait3A_110] : memref<2x2x10240x64xf32, #tpu.memory_space<hbm>> -> memref<1x1x128x64xf32, #tpu.memory_space<hbm>>
      %dma_wait3A_112 = tpu.memref_squeeze %dma_wait3A_111 : memref<1x1x128x64xf32, #tpu.memory_space<hbm>> -> memref<128x64xf32, #tpu.memory_space<hbm>>
      tpu.wait_dma2 semaphore(%run_scoped3A_101 : memref<!tpu.dma_semaphore, #tpu.memory_space<semaphore_mem>>) src(%arg8 : memref<128x64xf32, #tpu.memory_space<vmem>>) dst(%dma_wait3A_112 : memref<128x64xf32, #tpu.memory_space<hbm>>)
      tpu.yield
    }) : () -> ()
    %add3A_42 = arith.constant 128 : i32
    %add3A_43 = arith.addi %mul3A_0, %add3A_42 : i32
    "tpu.region"() ({
      %run_scoped3A_101 = tpu.sem_alloc : memref<!tpu.dma_semaphore, #tpu.memory_space<semaphore_mem>>
      %dma_start3A_102 = arith.constant 0 : i32
      %dma_start3A_103 = tpu.memref_slice %arg11[%add3A_43, %dma_start3A_102] : memref<10240x64xf32, #tpu.memory_space<vmem_shared>> -> memref<128x64xf32, #tpu.memory_space<vmem_shared>>
      %dma_start3A_104 = arith.constant 0 : i32
      %dma_start3A_105 = tpu.memref_slice %arg11[%add3A_43, %dma_start3A_104] : memref<10240x64xf32, #tpu.memory_space<vmem_shared>> -> memref<128x64xf32, #tpu.memory_space<vmem_shared>>
      tpu.enqueue_dma source(%dma_start3A_105 : memref<128x64xf32, #tpu.memory_space<vmem_shared>>) target(%arg8 : memref<128x64xf32, #tpu.memory_space<vmem>>) target_semaphore(%run_scoped3A_101 : memref<!tpu.dma_semaphore, #tpu.memory_space<semaphore_mem>>)
      %dma_wait3A = arith.constant 0 : i32
      %dma_wait3A_106 = tpu.memref_slice %arg11[%add3A_43, %dma_wait3A] : memref<10240x64xf32, #tpu.memory_space<vmem_shared>> -> memref<128x64xf32, #tpu.memory_space<vmem_shared>>
      %dma_wait3A_107 = arith.constant 0 : i32
      %dma_wait3A_108 = tpu.memref_slice %arg11[%add3A_43, %dma_wait3A_107] : memref<10240x64xf32, #tpu.memory_space<vmem_shared>> -> memref<128x64xf32, #tpu.memory_space<vmem_shared>>
      tpu.wait_dma2 semaphore(%run_scoped3A_101 : memref<!tpu.dma_semaphore, #tpu.memory_space<semaphore_mem>>) src(%dma_wait3A_108 : memref<128x64xf32, #tpu.memory_space<vmem_shared>>) dst(%arg8 : memref<128x64xf32, #tpu.memory_space<vmem>>)
      tpu.yield
    }) : () -> ()
    %run_scoped3A_44 = arith.constant 0 : i32
    "tpu.region"() ({
      %run_scoped3A_101 = tpu.sem_alloc : memref<!tpu.dma_semaphore, #tpu.memory_space<semaphore_mem>>
      %dma_start3A_102 = arith.constant 0 : i32
      %dma_start3A_103 = tpu.memref_slice %arg5[%run_scoped3A_44, %arg0, %add3A_43, %dma_start3A_102] : memref<2x2x10240x64xf32, #tpu.memory_space<hbm>> -> memref<1x1x128x64xf32, #tpu.memory_space<hbm>>
      %dma_start3A_104 = tpu.memref_squeeze %dma_start3A_103 : memref<1x1x128x64xf32, #tpu.memory_space<hbm>> -> memref<128x64xf32, #tpu.memory_space<hbm>>
      %dma_start3A_105 = arith.constant 0 : i32
      %dma_start3A_106 = tpu.memref_slice %arg5[%run_scoped3A_44, %arg0, %add3A_43, %dma_start3A_105] : memref<2x2x10240x64xf32, #tpu.memory_space<hbm>> -> memref<1x1x128x64xf32, #tpu.memory_space<hbm>>
      %dma_start3A_107 = tpu.memref_squeeze %dma_start3A_106 : memref<1x1x128x64xf32, #tpu.memory_space<hbm>> -> memref<128x64xf32, #tpu.memory_space<hbm>>
      tpu.enqueue_dma source(%arg8 : memref<128x64xf32, #tpu.memory_space<vmem>>) target(%dma_start3A_107 : memref<128x64xf32, #tpu.memory_space<hbm>>) target_semaphore(%run_scoped3A_101 : memref<!tpu.dma_semaphore, #tpu.memory_space<semaphore_mem>>)
      %dma_wait3A = arith.constant 0 : i32
      %dma_wait3A_108 = tpu.memref_slice %arg5[%run_scoped3A_44, %arg0, %add3A_43, %dma_wait3A] : memref<2x2x10240x64xf32, #tpu.memory_space<hbm>> -> memref<1x1x128x64xf32, #tpu.memory_space<hbm>>
      %dma_wait3A_109 = tpu.memref_squeeze %dma_wait3A_108 : memref<1x1x128x64xf32, #tpu.memory_space<hbm>> -> memref<128x64xf32, #tpu.memory_space<hbm>>
      %dma_wait3A_110 = arith.constant 0 : i32
      %dma_wait3A_111 = tpu.memref_slice %arg5[%run_scoped3A_44, %arg0, %add3A_43, %dma_wait3A_110] : memref<2x2x10240x64xf32, #tpu.memory_space<hbm>> -> memref<1x1x128x64xf32, #tpu.memory_space<hbm>>
      %dma_wait3A_112 = tpu.memref_squeeze %dma_wait3A_111 : memref<1x1x128x64xf32, #tpu.memory_space<hbm>> -> memref<128x64xf32, #tpu.memory_space<hbm>>
      tpu.wait_dma2 semaphore(%run_scoped3A_101 : memref<!tpu.dma_semaphore, #tpu.memory_space<semaphore_mem>>) src(%arg8 : memref<128x64xf32, #tpu.memory_space<vmem>>) dst(%dma_wait3A_112 : memref<128x64xf32, #tpu.memory_space<hbm>>)
      tpu.yield
    }) : () -> ()
    %add3A_45 = arith.constant 256 : i32
    %add3A_46 = arith.addi %mul3A_0, %add3A_45 : i32
    "tpu.region"() ({
      %run_scoped3A_101 = tpu.sem_alloc : memref<!tpu.dma_semaphore, #tpu.memory_space<semaphore_mem>>
      %dma_start3A_102 = arith.constant 0 : i32
      %dma_start3A_103 = tpu.memref_slice %arg11[%add3A_46, %dma_start3A_102] : memref<10240x64xf32, #tpu.memory_space<vmem_shared>> -> memref<128x64xf32, #tpu.memory_space<vmem_shared>>
      %dma_start3A_104 = arith.constant 0 : i32
      %dma_start3A_105 = tpu.memref_slice %arg11[%add3A_46, %dma_start3A_104] : memref<10240x64xf32, #tpu.memory_space<vmem_shared>> -> memref<128x64xf32, #tpu.memory_space<vmem_shared>>
      tpu.enqueue_dma source(%dma_start3A_105 : memref<128x64xf32, #tpu.memory_space<vmem_shared>>) target(%arg8 : memref<128x64xf32, #tpu.memory_space<vmem>>) target_semaphore(%run_scoped3A_101 : memref<!tpu.dma_semaphore, #tpu.memory_space<semaphore_mem>>)
      %dma_wait3A = arith.constant 0 : i32
      %dma_wait3A_106 = tpu.memref_slice %arg11[%add3A_46, %dma_wait3A] : memref<10240x64xf32, #tpu.memory_space<vmem_shared>> -> memref<128x64xf32, #tpu.memory_space<vmem_shared>>
      %dma_wait3A_107 = arith.constant 0 : i32
      %dma_wait3A_108 = tpu.memref_slice %arg11[%add3A_46, %dma_wait3A_107] : memref<10240x64xf32, #tpu.memory_space<vmem_shared>> -> memref<128x64xf32, #tpu.memory_space<vmem_shared>>
      tpu.wait_dma2 semaphore(%run_scoped3A_101 : memref<!tpu.dma_semaphore, #tpu.memory_space<semaphore_mem>>) src(%dma_wait3A_108 : memref<128x64xf32, #tpu.memory_space<vmem_shared>>) dst(%arg8 : memref<128x64xf32, #tpu.memory_space<vmem>>)
      tpu.yield
    }) : () -> ()
    %run_scoped3A_47 = arith.constant 0 : i32
    "tpu.region"() ({
      %run_scoped3A_101 = tpu.sem_alloc : memref<!tpu.dma_semaphore, #tpu.memory_space<semaphore_mem>>
      %dma_start3A_102 = arith.constant 0 : i32
      %dma_start3A_103 = tpu.memref_slice %arg5[%run_scoped3A_47, %arg0, %add3A_46, %dma_start3A_102] : memref<2x2x10240x64xf32, #tpu.memory_space<hbm>> -> memref<1x1x128x64xf32, #tpu.memory_space<hbm>>
      %dma_start3A_104 = tpu.memref_squeeze %dma_start3A_103 : memref<1x1x128x64xf32, #tpu.memory_space<hbm>> -> memref<128x64xf32, #tpu.memory_space<hbm>>
      %dma_start3A_105 = arith.constant 0 : i32
      %dma_start3A_106 = tpu.memref_slice %arg5[%run_scoped3A_47, %arg0, %add3A_46, %dma_start3A_105] : memref<2x2x10240x64xf32, #tpu.memory_space<hbm>> -> memref<1x1x128x64xf32, #tpu.memory_space<hbm>>
      %dma_start3A_107 = tpu.memref_squeeze %dma_start3A_106 : memref<1x1x128x64xf32, #tpu.memory_space<hbm>> -> memref<128x64xf32, #tpu.memory_space<hbm>>
      tpu.enqueue_dma source(%arg8 : memref<128x64xf32, #tpu.memory_space<vmem>>) target(%dma_start3A_107 : memref<128x64xf32, #tpu.memory_space<hbm>>) target_semaphore(%run_scoped3A_101 : memref<!tpu.dma_semaphore, #tpu.memory_space<semaphore_mem>>)
      %dma_wait3A = arith.constant 0 : i32
      %dma_wait3A_108 = tpu.memref_slice %arg5[%run_scoped3A_47, %arg0, %add3A_46, %dma_wait3A] : memref<2x2x10240x64xf32, #tpu.memory_space<hbm>> -> memref<1x1x128x64xf32, #tpu.memory_space<hbm>>
      %dma_wait3A_109 = tpu.memref_squeeze %dma_wait3A_108 : memref<1x1x128x64xf32, #tpu.memory_space<hbm>> -> memref<128x64xf32, #tpu.memory_space<hbm>>
      %dma_wait3A_110 = arith.constant 0 : i32
      %dma_wait3A_111 = tpu.memref_slice %arg5[%run_scoped3A_47, %arg0, %add3A_46, %dma_wait3A_110] : memref<2x2x10240x64xf32, #tpu.memory_space<hbm>> -> memref<1x1x128x64xf32, #tpu.memory_space<hbm>>
      %dma_wait3A_112 = tpu.memref_squeeze %dma_wait3A_111 : memref<1x1x128x64xf32, #tpu.memory_space<hbm>> -> memref<128x64xf32, #tpu.memory_space<hbm>>
      tpu.wait_dma2 semaphore(%run_scoped3A_101 : memref<!tpu.dma_semaphore, #tpu.memory_space<semaphore_mem>>) src(%arg8 : memref<128x64xf32, #tpu.memory_space<vmem>>) dst(%dma_wait3A_112 : memref<128x64xf32, #tpu.memory_space<hbm>>)
      tpu.yield
    }) : () -> ()
    %add3A_48 = arith.constant 384 : i32
    %add3A_49 = arith.addi %mul3A_0, %add3A_48 : i32
    "tpu.region"() ({
      %run_scoped3A_101 = tpu.sem_alloc : memref<!tpu.dma_semaphore, #tpu.memory_space<semaphore_mem>>
      %dma_start3A_102 = arith.constant 0 : i32
      %dma_start3A_103 = tpu.memref_slice %arg11[%add3A_49, %dma_start3A_102] : memref<10240x64xf32, #tpu.memory_space<vmem_shared>> -> memref<128x64xf32, #tpu.memory_space<vmem_shared>>
      %dma_start3A_104 = arith.constant 0 : i32
      %dma_start3A_105 = tpu.memref_slice %arg11[%add3A_49, %dma_start3A_104] : memref<10240x64xf32, #tpu.memory_space<vmem_shared>> -> memref<128x64xf32, #tpu.memory_space<vmem_shared>>
      tpu.enqueue_dma source(%dma_start3A_105 : memref<128x64xf32, #tpu.memory_space<vmem_shared>>) target(%arg8 : memref<128x64xf32, #tpu.memory_space<vmem>>) target_semaphore(%run_scoped3A_101 : memref<!tpu.dma_semaphore, #tpu.memory_space<semaphore_mem>>)
      %dma_wait3A = arith.constant 0 : i32
      %dma_wait3A_106 = tpu.memref_slice %arg11[%add3A_49, %dma_wait3A] : memref<10240x64xf32, #tpu.memory_space<vmem_shared>> -> memref<128x64xf32, #tpu.memory_space<vmem_shared>>
      %dma_wait3A_107 = arith.constant 0 : i32
      %dma_wait3A_108 = tpu.memref_slice %arg11[%add3A_49, %dma_wait3A_107] : memref<10240x64xf32, #tpu.memory_space<vmem_shared>> -> memref<128x64xf32, #tpu.memory_space<vmem_shared>>
      tpu.wait_dma2 semaphore(%run_scoped3A_101 : memref<!tpu.dma_semaphore, #tpu.memory_space<semaphore_mem>>) src(%dma_wait3A_108 : memref<128x64xf32, #tpu.memory_space<vmem_shared>>) dst(%arg8 : memref<128x64xf32, #tpu.memory_space<vmem>>)
      tpu.yield
    }) : () -> ()
    %run_scoped3A_50 = arith.constant 0 : i32
    "tpu.region"() ({
      %run_scoped3A_101 = tpu.sem_alloc : memref<!tpu.dma_semaphore, #tpu.memory_space<semaphore_mem>>
      %dma_start3A_102 = arith.constant 0 : i32
      %dma_start3A_103 = tpu.memref_slice %arg5[%run_scoped3A_50, %arg0, %add3A_49, %dma_start3A_102] : memref<2x2x10240x64xf32, #tpu.memory_space<hbm>> -> memref<1x1x128x64xf32, #tpu.memory_space<hbm>>
      %dma_start3A_104 = tpu.memref_squeeze %dma_start3A_103 : memref<1x1x128x64xf32, #tpu.memory_space<hbm>> -> memref<128x64xf32, #tpu.memory_space<hbm>>
      %dma_start3A_105 = arith.constant 0 : i32
      %dma_start3A_106 = tpu.memref_slice %arg5[%run_scoped3A_50, %arg0, %add3A_49, %dma_start3A_105] : memref<2x2x10240x64xf32, #tpu.memory_space<hbm>> -> memref<1x1x128x64xf32, #tpu.memory_space<hbm>>
      %dma_start3A_107 = tpu.memref_squeeze %dma_start3A_106 : memref<1x1x128x64xf32, #tpu.memory_space<hbm>> -> memref<128x64xf32, #tpu.memory_space<hbm>>
      tpu.enqueue_dma source(%arg8 : memref<128x64xf32, #tpu.memory_space<vmem>>) target(%dma_start3A_107 : memref<128x64xf32, #tpu.memory_space<hbm>>) target_semaphore(%run_scoped3A_101 : memref<!tpu.dma_semaphore, #tpu.memory_space<semaphore_mem>>)
      %dma_wait3A = arith.constant 0 : i32
      %dma_wait3A_108 = tpu.memref_slice %arg5[%run_scoped3A_50, %arg0, %add3A_49, %dma_wait3A] : memref<2x2x10240x64xf32, #tpu.memory_space<hbm>> -> memref<1x1x128x64xf32, #tpu.memory_space<hbm>>
      %dma_wait3A_109 = tpu.memref_squeeze %dma_wait3A_108 : memref<1x1x128x64xf32, #tpu.memory_space<hbm>> -> memref<128x64xf32, #tpu.memory_space<hbm>>
      %dma_wait3A_110 = arith.constant 0 : i32
      %dma_wait3A_111 = tpu.memref_slice %arg5[%run_scoped3A_50, %arg0, %add3A_49, %dma_wait3A_110] : memref<2x2x10240x64xf32, #tpu.memory_space<hbm>> -> memref<1x1x128x64xf32, #tpu.memory_space<hbm>>
      %dma_wait3A_112 = tpu.memref_squeeze %dma_wait3A_111 : memref<1x1x128x64xf32, #tpu.memory_space<hbm>> -> memref<128x64xf32, #tpu.memory_space<hbm>>
      tpu.wait_dma2 semaphore(%run_scoped3A_101 : memref<!tpu.dma_semaphore, #tpu.memory_space<semaphore_mem>>) src(%arg8 : memref<128x64xf32, #tpu.memory_space<vmem>>) dst(%dma_wait3A_112 : memref<128x64xf32, #tpu.memory_space<hbm>>)
      tpu.yield
    }) : () -> ()
    %add3A_51 = arith.constant 512 : i32
    %add3A_52 = arith.addi %mul3A_0, %add3A_51 : i32
    "tpu.region"() ({
      %run_scoped3A_101 = tpu.sem_alloc : memref<!tpu.dma_semaphore, #tpu.memory_space<semaphore_mem>>
      %dma_start3A_102 = arith.constant 0 : i32
      %dma_start3A_103 = tpu.memref_slice %arg11[%add3A_52, %dma_start3A_102] : memref<10240x64xf32, #tpu.memory_space<vmem_shared>> -> memref<128x64xf32, #tpu.memory_space<vmem_shared>>
      %dma_start3A_104 = arith.constant 0 : i32
      %dma_start3A_105 = tpu.memref_slice %arg11[%add3A_52, %dma_start3A_104] : memref<10240x64xf32, #tpu.memory_space<vmem_shared>> -> memref<128x64xf32, #tpu.memory_space<vmem_shared>>
      tpu.enqueue_dma source(%dma_start3A_105 : memref<128x64xf32, #tpu.memory_space<vmem_shared>>) target(%arg8 : memref<128x64xf32, #tpu.memory_space<vmem>>) target_semaphore(%run_scoped3A_101 : memref<!tpu.dma_semaphore, #tpu.memory_space<semaphore_mem>>)
      %dma_wait3A = arith.constant 0 : i32
      %dma_wait3A_106 = tpu.memref_slice %arg11[%add3A_52, %dma_wait3A] : memref<10240x64xf32, #tpu.memory_space<vmem_shared>> -> memref<128x64xf32, #tpu.memory_space<vmem_shared>>
      %dma_wait3A_107 = arith.constant 0 : i32
      %dma_wait3A_108 = tpu.memref_slice %arg11[%add3A_52, %dma_wait3A_107] : memref<10240x64xf32, #tpu.memory_space<vmem_shared>> -> memref<128x64xf32, #tpu.memory_space<vmem_shared>>
      tpu.wait_dma2 semaphore(%run_scoped3A_101 : memref<!tpu.dma_semaphore, #tpu.memory_space<semaphore_mem>>) src(%dma_wait3A_108 : memref<128x64xf32, #tpu.memory_space<vmem_shared>>) dst(%arg8 : memref<128x64xf32, #tpu.memory_space<vmem>>)
      tpu.yield
    }) : () -> ()
    %run_scoped3A_53 = arith.constant 0 : i32
    "tpu.region"() ({
      %run_scoped3A_101 = tpu.sem_alloc : memref<!tpu.dma_semaphore, #tpu.memory_space<semaphore_mem>>
      %dma_start3A_102 = arith.constant 0 : i32
      %dma_start3A_103 = tpu.memref_slice %arg5[%run_scoped3A_53, %arg0, %add3A_52, %dma_start3A_102] : memref<2x2x10240x64xf32, #tpu.memory_space<hbm>> -> memref<1x1x128x64xf32, #tpu.memory_space<hbm>>
      %dma_start3A_104 = tpu.memref_squeeze %dma_start3A_103 : memref<1x1x128x64xf32, #tpu.memory_space<hbm>> -> memref<128x64xf32, #tpu.memory_space<hbm>>
      %dma_start3A_105 = arith.constant 0 : i32
      %dma_start3A_106 = tpu.memref_slice %arg5[%run_scoped3A_53, %arg0, %add3A_52, %dma_start3A_105] : memref<2x2x10240x64xf32, #tpu.memory_space<hbm>> -> memref<1x1x128x64xf32, #tpu.memory_space<hbm>>
      %dma_start3A_107 = tpu.memref_squeeze %dma_start3A_106 : memref<1x1x128x64xf32, #tpu.memory_space<hbm>> -> memref<128x64xf32, #tpu.memory_space<hbm>>
      tpu.enqueue_dma source(%arg8 : memref<128x64xf32, #tpu.memory_space<vmem>>) target(%dma_start3A_107 : memref<128x64xf32, #tpu.memory_space<hbm>>) target_semaphore(%run_scoped3A_101 : memref<!tpu.dma_semaphore, #tpu.memory_space<semaphore_mem>>)
      %dma_wait3A = arith.constant 0 : i32
      %dma_wait3A_108 = tpu.memref_slice %arg5[%run_scoped3A_53, %arg0, %add3A_52, %dma_wait3A] : memref<2x2x10240x64xf32, #tpu.memory_space<hbm>> -> memref<1x1x128x64xf32, #tpu.memory_space<hbm>>
      %dma_wait3A_109 = tpu.memref_squeeze %dma_wait3A_108 : memref<1x1x128x64xf32, #tpu.memory_space<hbm>> -> memref<128x64xf32, #tpu.memory_space<hbm>>
      %dma_wait3A_110 = arith.constant 0 : i32
      %dma_wait3A_111 = tpu.memref_slice %arg5[%run_scoped3A_53, %arg0, %add3A_52, %dma_wait3A_110] : memref<2x2x10240x64xf32, #tpu.memory_space<hbm>> -> memref<1x1x128x64xf32, #tpu.memory_space<hbm>>
      %dma_wait3A_112 = tpu.memref_squeeze %dma_wait3A_111 : memref<1x1x128x64xf32, #tpu.memory_space<hbm>> -> memref<128x64xf32, #tpu.memory_space<hbm>>
      tpu.wait_dma2 semaphore(%run_scoped3A_101 : memref<!tpu.dma_semaphore, #tpu.memory_space<semaphore_mem>>) src(%arg8 : memref<128x64xf32, #tpu.memory_space<vmem>>) dst(%dma_wait3A_112 : memref<128x64xf32, #tpu.memory_space<hbm>>)
      tpu.yield
    }) : () -> ()
    %add3A_54 = arith.constant 0 : i32
    %add3A_55 = arith.addi %mul3A_0, %add3A_54 : i32
    "tpu.region"() ({
      %run_scoped3A_101 = tpu.sem_alloc : memref<!tpu.dma_semaphore, #tpu.memory_space<semaphore_mem>>
      %dma_start3A_102 = arith.constant 0 : i32
      %dma_start3A_103 = tpu.memref_slice %arg11[%add3A_55, %dma_start3A_102] : memref<10240x64xf32, #tpu.memory_space<vmem_shared>> -> memref<128x64xf32, #tpu.memory_space<vmem_shared>>
      %dma_start3A_104 = arith.constant 0 : i32
      %dma_start3A_105 = tpu.memref_slice %arg11[%add3A_55, %dma_start3A_104] : memref<10240x64xf32, #tpu.memory_space<vmem_shared>> -> memref<128x64xf32, #tpu.memory_space<vmem_shared>>
      tpu.enqueue_dma source(%arg10 : memref<128x64xf32, #tpu.memory_space<vmem>>) target(%dma_start3A_105 : memref<128x64xf32, #tpu.memory_space<vmem_shared>>) target_semaphore(%run_scoped3A_101 : memref<!tpu.dma_semaphore, #tpu.memory_space<semaphore_mem>>)
      %dma_wait3A = arith.constant 0 : i32
      %dma_wait3A_106 = tpu.memref_slice %arg11[%add3A_55, %dma_wait3A] : memref<10240x64xf32, #tpu.memory_space<vmem_shared>> -> memref<128x64xf32, #tpu.memory_space<vmem_shared>>
      %dma_wait3A_107 = arith.constant 0 : i32
      %dma_wait3A_108 = tpu.memref_slice %arg11[%add3A_55, %dma_wait3A_107] : memref<10240x64xf32, #tpu.memory_space<vmem_shared>> -> memref<128x64xf32, #tpu.memory_space<vmem_shared>>
      tpu.wait_dma2 semaphore(%run_scoped3A_101 : memref<!tpu.dma_semaphore, #tpu.memory_space<semaphore_mem>>) src(%arg10 : memref<128x64xf32, #tpu.memory_space<vmem>>) dst(%dma_wait3A_108 : memref<128x64xf32, #tpu.memory_space<vmem_shared>>)
      tpu.yield
    }) : () -> ()
    %add3A_56 = arith.constant 128 : i32
    %add3A_57 = arith.addi %mul3A_0, %add3A_56 : i32
    "tpu.region"() ({
      %run_scoped3A_101 = tpu.sem_alloc : memref<!tpu.dma_semaphore, #tpu.memory_space<semaphore_mem>>
      %dma_start3A_102 = arith.constant 0 : i32
      %dma_start3A_103 = tpu.memref_slice %arg11[%add3A_57, %dma_start3A_102] : memref<10240x64xf32, #tpu.memory_space<vmem_shared>> -> memref<128x64xf32, #tpu.memory_space<vmem_shared>>
      %dma_start3A_104 = arith.constant 0 : i32
      %dma_start3A_105 = tpu.memref_slice %arg11[%add3A_57, %dma_start3A_104] : memref<10240x64xf32, #tpu.memory_space<vmem_shared>> -> memref<128x64xf32, #tpu.memory_space<vmem_shared>>
      tpu.enqueue_dma source(%arg10 : memref<128x64xf32, #tpu.memory_space<vmem>>) target(%dma_start3A_105 : memref<128x64xf32, #tpu.memory_space<vmem_shared>>) target_semaphore(%run_scoped3A_101 : memref<!tpu.dma_semaphore, #tpu.memory_space<semaphore_mem>>)
      %dma_wait3A = arith.constant 0 : i32
      %dma_wait3A_106 = tpu.memref_slice %arg11[%add3A_57, %dma_wait3A] : memref<10240x64xf32, #tpu.memory_space<vmem_shared>> -> memref<128x64xf32, #tpu.memory_space<vmem_shared>>
      %dma_wait3A_107 = arith.constant 0 : i32
      %dma_wait3A_108 = tpu.memref_slice %arg11[%add3A_57, %dma_wait3A_107] : memref<10240x64xf32, #tpu.memory_space<vmem_shared>> -> memref<128x64xf32, #tpu.memory_space<vmem_shared>>
      tpu.wait_dma2 semaphore(%run_scoped3A_101 : memref<!tpu.dma_semaphore, #tpu.memory_space<semaphore_mem>>) src(%arg10 : memref<128x64xf32, #tpu.memory_space<vmem>>) dst(%dma_wait3A_108 : memref<128x64xf32, #tpu.memory_space<vmem_shared>>)
      tpu.yield
    }) : () -> ()
    %add3A_58 = arith.constant 256 : i32
    %add3A_59 = arith.addi %mul3A_0, %add3A_58 : i32
    "tpu.region"() ({
      %run_scoped3A_101 = tpu.sem_alloc : memref<!tpu.dma_semaphore, #tpu.memory_space<semaphore_mem>>
      %dma_start3A_102 = arith.constant 0 : i32
      %dma_start3A_103 = tpu.memref_slice %arg11[%add3A_59, %dma_start3A_102] : memref<10240x64xf32, #tpu.memory_space<vmem_shared>> -> memref<128x64xf32, #tpu.memory_space<vmem_shared>>
      %dma_start3A_104 = arith.constant 0 : i32
      %dma_start3A_105 = tpu.memref_slice %arg11[%add3A_59, %dma_start3A_104] : memref<10240x64xf32, #tpu.memory_space<vmem_shared>> -> memref<128x64xf32, #tpu.memory_space<vmem_shared>>
      tpu.enqueue_dma source(%arg10 : memref<128x64xf32, #tpu.memory_space<vmem>>) target(%dma_start3A_105 : memref<128x64xf32, #tpu.memory_space<vmem_shared>>) target_semaphore(%run_scoped3A_101 : memref<!tpu.dma_semaphore, #tpu.memory_space<semaphore_mem>>)
      %dma_wait3A = arith.constant 0 : i32
      %dma_wait3A_106 = tpu.memref_slice %arg11[%add3A_59, %dma_wait3A] : memref<10240x64xf32, #tpu.memory_space<vmem_shared>> -> memref<128x64xf32, #tpu.memory_space<vmem_shared>>
      %dma_wait3A_107 = arith.constant 0 : i32
      %dma_wait3A_108 = tpu.memref_slice %arg11[%add3A_59, %dma_wait3A_107] : memref<10240x64xf32, #tpu.memory_space<vmem_shared>> -> memref<128x64xf32, #tpu.memory_space<vmem_shared>>
      tpu.wait_dma2 semaphore(%run_scoped3A_101 : memref<!tpu.dma_semaphore, #tpu.memory_space<semaphore_mem>>) src(%arg10 : memref<128x64xf32, #tpu.memory_space<vmem>>) dst(%dma_wait3A_108 : memref<128x64xf32, #tpu.memory_space<vmem_shared>>)
      tpu.yield
    }) : () -> ()
    %add3A_60 = arith.constant 384 : i32
    %add3A_61 = arith.addi %mul3A_0, %add3A_60 : i32
    "tpu.region"() ({
      %run_scoped3A_101 = tpu.sem_alloc : memref<!tpu.dma_semaphore, #tpu.memory_space<semaphore_mem>>
      %dma_start3A_102 = arith.constant 0 : i32
      %dma_start3A_103 = tpu.memref_slice %arg11[%add3A_61, %dma_start3A_102] : memref<10240x64xf32, #tpu.memory_space<vmem_shared>> -> memref<128x64xf32, #tpu.memory_space<vmem_shared>>
      %dma_start3A_104 = arith.constant 0 : i32
      %dma_start3A_105 = tpu.memref_slice %arg11[%add3A_61, %dma_start3A_104] : memref<10240x64xf32, #tpu.memory_space<vmem_shared>> -> memref<128x64xf32, #tpu.memory_space<vmem_shared>>
      tpu.enqueue_dma source(%arg10 : memref<128x64xf32, #tpu.memory_space<vmem>>) target(%dma_start3A_105 : memref<128x64xf32, #tpu.memory_space<vmem_shared>>) target_semaphore(%run_scoped3A_101 : memref<!tpu.dma_semaphore, #tpu.memory_space<semaphore_mem>>)
      %dma_wait3A = arith.constant 0 : i32
      %dma_wait3A_106 = tpu.memref_slice %arg11[%add3A_61, %dma_wait3A] : memref<10240x64xf32, #tpu.memory_space<vmem_shared>> -> memref<128x64xf32, #tpu.memory_space<vmem_shared>>
      %dma_wait3A_107 = arith.constant 0 : i32
      %dma_wait3A_108 = tpu.memref_slice %arg11[%add3A_61, %dma_wait3A_107] : memref<10240x64xf32, #tpu.memory_space<vmem_shared>> -> memref<128x64xf32, #tpu.memory_space<vmem_shared>>
      tpu.wait_dma2 semaphore(%run_scoped3A_101 : memref<!tpu.dma_semaphore, #tpu.memory_space<semaphore_mem>>) src(%arg10 : memref<128x64xf32, #tpu.memory_space<vmem>>) dst(%dma_wait3A_108 : memref<128x64xf32, #tpu.memory_space<vmem_shared>>)
      tpu.yield
    }) : () -> ()
    %add3A_62 = arith.constant 512 : i32
    %add3A_63 = arith.addi %mul3A_0, %add3A_62 : i32
    "tpu.region"() ({
      %run_scoped3A_101 = tpu.sem_alloc : memref<!tpu.dma_semaphore, #tpu.memory_space<semaphore_mem>>
      %dma_start3A_102 = arith.constant 0 : i32
      %dma_start3A_103 = tpu.memref_slice %arg11[%add3A_63, %dma_start3A_102] : memref<10240x64xf32, #tpu.memory_space<vmem_shared>> -> memref<128x64xf32, #tpu.memory_space<vmem_shared>>
      %dma_start3A_104 = arith.constant 0 : i32
      %dma_start3A_105 = tpu.memref_slice %arg11[%add3A_63, %dma_start3A_104] : memref<10240x64xf32, #tpu.memory_space<vmem_shared>> -> memref<128x64xf32, #tpu.memory_space<vmem_shared>>
      tpu.enqueue_dma source(%arg10 : memref<128x64xf32, #tpu.memory_space<vmem>>) target(%dma_start3A_105 : memref<128x64xf32, #tpu.memory_space<vmem_shared>>) target_semaphore(%run_scoped3A_101 : memref<!tpu.dma_semaphore, #tpu.memory_space<semaphore_mem>>)
      %dma_wait3A = arith.constant 0 : i32
      %dma_wait3A_106 = tpu.memref_slice %arg11[%add3A_63, %dma_wait3A] : memref<10240x64xf32, #tpu.memory_space<vmem_shared>> -> memref<128x64xf32, #tpu.memory_space<vmem_shared>>
      %dma_wait3A_107 = arith.constant 0 : i32
      %dma_wait3A_108 = tpu.memref_slice %arg11[%add3A_63, %dma_wait3A_107] : memref<10240x64xf32, #tpu.memory_space<vmem_shared>> -> memref<128x64xf32, #tpu.memory_space<vmem_shared>>
      tpu.wait_dma2 semaphore(%run_scoped3A_101 : memref<!tpu.dma_semaphore, #tpu.memory_space<semaphore_mem>>) src(%arg10 : memref<128x64xf32, #tpu.memory_space<vmem>>) dst(%dma_wait3A_108 : memref<128x64xf32, #tpu.memory_space<vmem_shared>>)
      tpu.yield
    }) : () -> ()
    %barrier3A_64 = arith.constant 0 : index
    tpu.barrier barrier_id(%barrier3A_64)
    %dma_start3A_65 = arith.constant 0 : i32
    %dma_start3A_66 = arith.constant 0 : i32
    %dma_start3A_67 = tpu.memref_slice %arg6[%dma_start3A_65, %dma_start3A_66] : memref<160x128xi32, #tpu.memory_space<vmem>> -> memref<1x128xi32, #tpu.memory_space<vmem>>
    %dma_start3A_68 = tpu.memref_squeeze %dma_start3A_67 : memref<1x128xi32, #tpu.memory_space<vmem>> -> memref<128xi32, #tpu.memory_space<vmem>>
    %dma_start3A_69 = arith.constant 0 : i32
    %dma_start3A_70 = arith.constant 0 : i32
    %dma_start3A_71 = tpu.memref_slice %arg3[%dma_start3A_69, %dma_start3A_70] : memref<10240x64xf32, #tpu.memory_space<hbm>> -> memref<10240x64xf32, #tpu.memory_space<hbm>>
    tpu.enqueue_indirect_dma source(%dma_start3A_71 : memref<10240x64xf32, #tpu.memory_space<hbm>>) target(%arg8 : memref<128x64xf32, #tpu.memory_space<vmem>>) offsets(%dma_start3A_68 : memref<128xi32, #tpu.memory_space<vmem>>) semaphore(%arg12 : memref<!tpu.dma_semaphore, #tpu.memory_space<semaphore_mem>>)
    %dma_start3A_72 = arith.constant 1 : i32
    %dma_start3A_73 = arith.constant 0 : i32
    %dma_start3A_74 = tpu.memref_slice %arg6[%dma_start3A_72, %dma_start3A_73] : memref<160x128xi32, #tpu.memory_space<vmem>> -> memref<1x128xi32, #tpu.memory_space<vmem>>
    %dma_start3A_75 = tpu.memref_squeeze %dma_start3A_74 : memref<1x128xi32, #tpu.memory_space<vmem>> -> memref<128xi32, #tpu.memory_space<vmem>>
    %dma_start3A_76 = arith.constant 0 : i32
    %dma_start3A_77 = arith.constant 0 : i32
    %dma_start3A_78 = tpu.memref_slice %arg3[%dma_start3A_76, %dma_start3A_77] : memref<10240x64xf32, #tpu.memory_space<hbm>> -> memref<10240x64xf32, #tpu.memory_space<hbm>>
    tpu.enqueue_indirect_dma source(%dma_start3A_78 : memref<10240x64xf32, #tpu.memory_space<hbm>>) target(%arg9 : memref<128x64xf32, #tpu.memory_space<vmem>>) offsets(%dma_start3A_75 : memref<128xi32, #tpu.memory_space<vmem>>) semaphore(%arg13 : memref<!tpu.dma_semaphore, #tpu.memory_space<semaphore_mem>>)
    %scan3A_79 = arith.constant 0 : i32
    %scan3A_80 = arith.constant 0 : i32
    %scan3A_81 = arith.constant 80 : i32
    %scan3A_82 = arith.addi %scan3A_80, %scan3A_81 : i32
    %scan3A_83 = arith.constant 1 : i32
    scf.for %scan3A_101 = %scan3A_80 to %scan3A_82 step %scan3A_83  : i32 {
      %mul3A_102 = arith.constant 2 : i32
      %mul3A_103 = arith.muli %mul3A_102, %scan3A_101 : i32
      %add3A_104 = arith.constant 0 : i32
      %add3A_105 = arith.addi %mul3A_103, %add3A_104 : i32
      %dma_wait3A = arith.constant 0 : i32
      %dma_wait3A_106 = arith.constant 0 : i32
      %dma_wait3A_107 = tpu.memref_slice %arg3[%dma_wait3A, %dma_wait3A_106] : memref<10240x64xf32, #tpu.memory_space<hbm>> -> memref<128x64xf32, #tpu.memory_space<hbm>>
      %dma_wait3A_108 = arith.constant 0 : i32
      %dma_wait3A_109 = arith.constant 0 : i32
      %dma_wait3A_110 = tpu.memref_slice %arg3[%dma_wait3A_108, %dma_wait3A_109] : memref<10240x64xf32, #tpu.memory_space<hbm>> -> memref<128x64xf32, #tpu.memory_space<hbm>>
      tpu.wait_dma2 semaphore(%arg12 : memref<!tpu.dma_semaphore, #tpu.memory_space<semaphore_mem>>) src(%dma_wait3A_110 : memref<128x64xf32, #tpu.memory_space<hbm>>) dst(%arg8 : memref<128x64xf32, #tpu.memory_space<vmem>>)
      "tpu.region"() ({
        %run_scoped3A_132 = tpu.sem_alloc : memref<!tpu.dma_semaphore, #tpu.memory_space<semaphore_mem>>
        %dma_start3A_133 = arith.constant 0 : i32
        %dma_start3A_134 = tpu.memref_slice %arg7[%add3A_105, %dma_start3A_133] : memref<160x128xi32, #tpu.memory_space<vmem>> -> memref<1x128xi32, #tpu.memory_space<vmem>>
        %dma_start3A_135 = tpu.memref_squeeze %dma_start3A_134 : memref<1x128xi32, #tpu.memory_space<vmem>> -> memref<128xi32, #tpu.memory_space<vmem>>
        %dma_start3A_136 = arith.constant 0 : i32
        %dma_start3A_137 = arith.constant 0 : i32
        %dma_start3A_138 = tpu.memref_slice %arg11[%dma_start3A_136, %dma_start3A_137] : memref<10240x64xf32, #tpu.memory_space<vmem_shared>> -> memref<10240x64xf32, #tpu.memory_space<vmem_shared>>
        tpu.enqueue_indirect_dma source(%arg8 : memref<128x64xf32, #tpu.memory_space<vmem>>) target(%dma_start3A_138 : memref<10240x64xf32, #tpu.memory_space<vmem_shared>>) offsets(%dma_start3A_135 : memref<128xi32, #tpu.memory_space<vmem>>) semaphore(%run_scoped3A_132 : memref<!tpu.dma_semaphore, #tpu.memory_space<semaphore_mem>>) {add = true}
        %dma_wait3A_139 = arith.constant 0 : i32
        %dma_wait3A_140 = tpu.memref_slice %arg7[%add3A_105, %dma_wait3A_139] : memref<160x128xi32, #tpu.memory_space<vmem>> -> memref<1x128xi32, #tpu.memory_space<vmem>>
        %dma_wait3A_141 = tpu.memref_squeeze %dma_wait3A_140 : memref<1x128xi32, #tpu.memory_space<vmem>> -> memref<128xi32, #tpu.memory_space<vmem>>
        %dma_wait3A_142 = arith.constant 0 : i32
        %dma_wait3A_143 = arith.constant 0 : i32
        %dma_wait3A_144 = tpu.memref_slice %arg11[%dma_wait3A_142, %dma_wait3A_143] : memref<10240x64xf32, #tpu.memory_space<vmem_shared>> -> memref<10240x64xf32, #tpu.memory_space<vmem_shared>>
        tpu.wait_indirect_dma semaphore(%run_scoped3A_132 : memref<!tpu.dma_semaphore, #tpu.memory_space<semaphore_mem>>) src(%arg8 : memref<128x64xf32, #tpu.memory_space<vmem>>) dst(%dma_wait3A_144 : memref<10240x64xf32, #tpu.memory_space<vmem_shared>>)
        tpu.yield
      }) : () -> ()
      %add3A_111 = arith.constant 2 : i32
      %add3A_112 = arith.addi %add3A_105, %add3A_111 : i32
      %lt3A = arith.constant 160 : i32
      %lt3A_113 = arith.cmpi slt, %add3A_112, %lt3A : i32
      %convert_element_type3A = arith.extui %lt3A_113 : i1 to i32
      %cond3A = arith.constant 0 : i32
      %cond3A_114 = arith.cmpi ne, %convert_element_type3A, %cond3A : i32
      scf.if %cond3A_114 {
        %add3A_132 = arith.constant 2 : i32
        %add3A_133 = arith.addi %add3A_105, %add3A_132 : i32
        %dma_start3A_134 = arith.constant 0 : i32
        %dma_start3A_135 = tpu.memref_slice %arg6[%add3A_133, %dma_start3A_134] : memref<160x128xi32, #tpu.memory_space<vmem>> -> memref<1x128xi32, #tpu.memory_space<vmem>>
        %dma_start3A_136 = tpu.memref_squeeze %dma_start3A_135 : memref<1x128xi32, #tpu.memory_space<vmem>> -> memref<128xi32, #tpu.memory_space<vmem>>
        %dma_start3A_137 = arith.constant 0 : i32
        %dma_start3A_138 = arith.constant 0 : i32
        %dma_start3A_139 = tpu.memref_slice %arg3[%dma_start3A_137, %dma_start3A_138] : memref<10240x64xf32, #tpu.memory_space<hbm>> -> memref<10240x64xf32, #tpu.memory_space<hbm>>
        tpu.enqueue_indirect_dma source(%dma_start3A_139 : memref<10240x64xf32, #tpu.memory_space<hbm>>) target(%arg8 : memref<128x64xf32, #tpu.memory_space<vmem>>) offsets(%dma_start3A_136 : memref<128xi32, #tpu.memory_space<vmem>>) semaphore(%arg12 : memref<!tpu.dma_semaphore, #tpu.memory_space<semaphore_mem>>)
      } else {
      }
      %mul3A_115 = arith.constant 2 : i32
      %mul3A_116 = arith.muli %mul3A_115, %scan3A_101 : i32
      %add3A_117 = arith.constant 1 : i32
      %add3A_118 = arith.addi %mul3A_116, %add3A_117 : i32
      %dma_wait3A_119 = arith.constant 0 : i32
      %dma_wait3A_120 = arith.constant 0 : i32
      %dma_wait3A_121 = tpu.memref_slice %arg3[%dma_wait3A_119, %dma_wait3A_120] : memref<10240x64xf32, #tpu.memory_space<hbm>> -> memref<128x64xf32, #tpu.memory_space<hbm>>
      %dma_wait3A_122 = arith.constant 0 : i32
      %dma_wait3A_123 = arith.constant 0 : i32
      %dma_wait3A_124 = tpu.memref_slice %arg3[%dma_wait3A_122, %dma_wait3A_123] : memref<10240x64xf32, #tpu.memory_space<hbm>> -> memref<128x64xf32, #tpu.memory_space<hbm>>
      tpu.wait_dma2 semaphore(%arg13 : memref<!tpu.dma_semaphore, #tpu.memory_space<semaphore_mem>>) src(%dma_wait3A_124 : memref<128x64xf32, #tpu.memory_space<hbm>>) dst(%arg9 : memref<128x64xf32, #tpu.memory_space<vmem>>)
      "tpu.region"() ({
        %run_scoped3A_132 = tpu.sem_alloc : memref<!tpu.dma_semaphore, #tpu.memory_space<semaphore_mem>>
        %dma_start3A_133 = arith.constant 0 : i32
        %dma_start3A_134 = tpu.memref_slice %arg7[%add3A_118, %dma_start3A_133] : memref<160x128xi32, #tpu.memory_space<vmem>> -> memref<1x128xi32, #tpu.memory_space<vmem>>
        %dma_start3A_135 = tpu.memref_squeeze %dma_start3A_134 : memref<1x128xi32, #tpu.memory_space<vmem>> -> memref<128xi32, #tpu.memory_space<vmem>>
        %dma_start3A_136 = arith.constant 0 : i32
        %dma_start3A_137 = arith.constant 0 : i32
        %dma_start3A_138 = tpu.memref_slice %arg11[%dma_start3A_136, %dma_start3A_137] : memref<10240x64xf32, #tpu.memory_space<vmem_shared>> -> memref<10240x64xf32, #tpu.memory_space<vmem_shared>>
        tpu.enqueue_indirect_dma source(%arg9 : memref<128x64xf32, #tpu.memory_space<vmem>>) target(%dma_start3A_138 : memref<10240x64xf32, #tpu.memory_space<vmem_shared>>) offsets(%dma_start3A_135 : memref<128xi32, #tpu.memory_space<vmem>>) semaphore(%run_scoped3A_132 : memref<!tpu.dma_semaphore, #tpu.memory_space<semaphore_mem>>) {add = true}
        %dma_wait3A_139 = arith.constant 0 : i32
        %dma_wait3A_140 = tpu.memref_slice %arg7[%add3A_118, %dma_wait3A_139] : memref<160x128xi32, #tpu.memory_space<vmem>> -> memref<1x128xi32, #tpu.memory_space<vmem>>
        %dma_wait3A_141 = tpu.memref_squeeze %dma_wait3A_140 : memref<1x128xi32, #tpu.memory_space<vmem>> -> memref<128xi32, #tpu.memory_space<vmem>>
        %dma_wait3A_142 = arith.constant 0 : i32
        %dma_wait3A_143 = arith.constant 0 : i32
        %dma_wait3A_144 = tpu.memref_slice %arg11[%dma_wait3A_142, %dma_wait3A_143] : memref<10240x64xf32, #tpu.memory_space<vmem_shared>> -> memref<10240x64xf32, #tpu.memory_space<vmem_shared>>
        tpu.wait_indirect_dma semaphore(%run_scoped3A_132 : memref<!tpu.dma_semaphore, #tpu.memory_space<semaphore_mem>>) src(%arg9 : memref<128x64xf32, #tpu.memory_space<vmem>>) dst(%dma_wait3A_144 : memref<10240x64xf32, #tpu.memory_space<vmem_shared>>)
        tpu.yield
      }) : () -> ()
      %add3A_125 = arith.constant 2 : i32
      %add3A_126 = arith.addi %add3A_118, %add3A_125 : i32
      %lt3A_127 = arith.constant 160 : i32
      %lt3A_128 = arith.cmpi slt, %add3A_126, %lt3A_127 : i32
      %convert_element_type3A_129 = arith.extui %lt3A_128 : i1 to i32
      %cond3A_130 = arith.constant 0 : i32
      %cond3A_131 = arith.cmpi ne, %convert_element_type3A_129, %cond3A_130 : i32
      scf.if %cond3A_131 {
        %add3A_132 = arith.constant 2 : i32
        %add3A_133 = arith.addi %add3A_118, %add3A_132 : i32
        %dma_start3A_134 = arith.constant 0 : i32
        %dma_start3A_135 = tpu.memref_slice %arg6[%add3A_133, %dma_start3A_134] : memref<160x128xi32, #tpu.memory_space<vmem>> -> memref<1x128xi32, #tpu.memory_space<vmem>>
        %dma_start3A_136 = tpu.memref_squeeze %dma_start3A_135 : memref<1x128xi32, #tpu.memory_space<vmem>> -> memref<128xi32, #tpu.memory_space<vmem>>
        %dma_start3A_137 = arith.constant 0 : i32
        %dma_start3A_138 = arith.constant 0 : i32
        %dma_start3A_139 = tpu.memref_slice %arg3[%dma_start3A_137, %dma_start3A_138] : memref<10240x64xf32, #tpu.memory_space<hbm>> -> memref<10240x64xf32, #tpu.memory_space<hbm>>
        tpu.enqueue_indirect_dma source(%dma_start3A_139 : memref<10240x64xf32, #tpu.memory_space<hbm>>) target(%arg9 : memref<128x64xf32, #tpu.memory_space<vmem>>) offsets(%dma_start3A_136 : memref<128xi32, #tpu.memory_space<vmem>>) semaphore(%arg13 : memref<!tpu.dma_semaphore, #tpu.memory_space<semaphore_mem>>)
      } else {
      }
    }
    %scan3A_84 = arith.constant 80 : i32
    %barrier3A_85 = arith.constant 0 : index
    tpu.barrier barrier_id(%barrier3A_85)
    %add3A_86 = arith.constant 0 : i32
    %add3A_87 = arith.addi %mul3A_0, %add3A_86 : i32
    "tpu.region"() ({
      %run_scoped3A_101 = tpu.sem_alloc : memref<!tpu.dma_semaphore, #tpu.memory_space<semaphore_mem>>
      %dma_start3A_102 = arith.constant 0 : i32
      %dma_start3A_103 = tpu.memref_slice %arg11[%add3A_87, %dma_start3A_102] : memref<10240x64xf32, #tpu.memory_space<vmem_shared>> -> memref<128x64xf32, #tpu.memory_space<vmem_shared>>
      %dma_start3A_104 = arith.constant 0 : i32
      %dma_start3A_105 = tpu.memref_slice %arg11[%add3A_87, %dma_start3A_104] : memref<10240x64xf32, #tpu.memory_space<vmem_shared>> -> memref<128x64xf32, #tpu.memory_space<vmem_shared>>
      tpu.enqueue_dma source(%dma_start3A_105 : memref<128x64xf32, #tpu.memory_space<vmem_shared>>) target(%arg8 : memref<128x64xf32, #tpu.memory_space<vmem>>) target_semaphore(%run_scoped3A_101 : memref<!tpu.dma_semaphore, #tpu.memory_space<semaphore_mem>>)
      %dma_wait3A = arith.constant 0 : i32
      %dma_wait3A_106 = tpu.memref_slice %arg11[%add3A_87, %dma_wait3A] : memref<10240x64xf32, #tpu.memory_space<vmem_shared>> -> memref<128x64xf32, #tpu.memory_space<vmem_shared>>
      %dma_wait3A_107 = arith.constant 0 : i32
      %dma_wait3A_108 = tpu.memref_slice %arg11[%add3A_87, %dma_wait3A_107] : memref<10240x64xf32, #tpu.memory_space<vmem_shared>> -> memref<128x64xf32, #tpu.memory_space<vmem_shared>>
      tpu.wait_dma2 semaphore(%run_scoped3A_101 : memref<!tpu.dma_semaphore, #tpu.memory_space<semaphore_mem>>) src(%dma_wait3A_108 : memref<128x64xf32, #tpu.memory_space<vmem_shared>>) dst(%arg8 : memref<128x64xf32, #tpu.memory_space<vmem>>)
      tpu.yield
    }) : () -> ()
    %run_scoped3A_88 = arith.constant 1 : i32
    "tpu.region"() ({
      %run_scoped3A_101 = tpu.sem_alloc : memref<!tpu.dma_semaphore, #tpu.memory_space<semaphore_mem>>
      %dma_start3A_102 = arith.constant 0 : i32
      %dma_start3A_103 = tpu.memref_slice %arg5[%run_scoped3A_88, %arg0, %add3A_87, %dma_start3A_102] : memref<2x2x10240x64xf32, #tpu.memory_space<hbm>> -> memref<1x1x128x64xf32, #tpu.memory_space<hbm>>
      %dma_start3A_104 = tpu.memref_squeeze %dma_start3A_103 : memref<1x1x128x64xf32, #tpu.memory_space<hbm>> -> memref<128x64xf32, #tpu.memory_space<hbm>>
      %dma_start3A_105 = arith.constant 0 : i32
      %dma_start3A_106 = tpu.memref_slice %arg5[%run_scoped3A_88, %arg0, %add3A_87, %dma_start3A_105] : memref<2x2x10240x64xf32, #tpu.memory_space<hbm>> -> memref<1x1x128x64xf32, #tpu.memory_space<hbm>>
      %dma_start3A_107 = tpu.memref_squeeze %dma_start3A_106 : memref<1x1x128x64xf32, #tpu.memory_space<hbm>> -> memref<128x64xf32, #tpu.memory_space<hbm>>
      tpu.enqueue_dma source(%arg8 : memref<128x64xf32, #tpu.memory_space<vmem>>) target(%dma_start3A_107 : memref<128x64xf32, #tpu.memory_space<hbm>>) target_semaphore(%run_scoped3A_101 : memref<!tpu.dma_semaphore, #tpu.memory_space<semaphore_mem>>)
      %dma_wait3A = arith.constant 0 : i32
      %dma_wait3A_108 = tpu.memref_slice %arg5[%run_scoped3A_88, %arg0, %add3A_87, %dma_wait3A] : memref<2x2x10240x64xf32, #tpu.memory_space<hbm>> -> memref<1x1x128x64xf32, #tpu.memory_space<hbm>>
      %dma_wait3A_109 = tpu.memref_squeeze %dma_wait3A_108 : memref<1x1x128x64xf32, #tpu.memory_space<hbm>> -> memref<128x64xf32, #tpu.memory_space<hbm>>
      %dma_wait3A_110 = arith.constant 0 : i32
      %dma_wait3A_111 = tpu.memref_slice %arg5[%run_scoped3A_88, %arg0, %add3A_87, %dma_wait3A_110] : memref<2x2x10240x64xf32, #tpu.memory_space<hbm>> -> memref<1x1x128x64xf32, #tpu.memory_space<hbm>>
      %dma_wait3A_112 = tpu.memref_squeeze %dma_wait3A_111 : memref<1x1x128x64xf32, #tpu.memory_space<hbm>> -> memref<128x64xf32, #tpu.memory_space<hbm>>
      tpu.wait_dma2 semaphore(%run_scoped3A_101 : memref<!tpu.dma_semaphore, #tpu.memory_space<semaphore_mem>>) src(%arg8 : memref<128x64xf32, #tpu.memory_space<vmem>>) dst(%dma_wait3A_112 : memref<128x64xf32, #tpu.memory_space<hbm>>)
      tpu.yield
    }) : () -> ()
    %add3A_89 = arith.constant 128 : i32
    %add3A_90 = arith.addi %mul3A_0, %add3A_89 : i32
    "tpu.region"() ({
      %run_scoped3A_101 = tpu.sem_alloc : memref<!tpu.dma_semaphore, #tpu.memory_space<semaphore_mem>>
      %dma_start3A_102 = arith.constant 0 : i32
      %dma_start3A_103 = tpu.memref_slice %arg11[%add3A_90, %dma_start3A_102] : memref<10240x64xf32, #tpu.memory_space<vmem_shared>> -> memref<128x64xf32, #tpu.memory_space<vmem_shared>>
      %dma_start3A_104 = arith.constant 0 : i32
      %dma_start3A_105 = tpu.memref_slice %arg11[%add3A_90, %dma_start3A_104] : memref<10240x64xf32, #tpu.memory_space<vmem_shared>> -> memref<128x64xf32, #tpu.memory_space<vmem_shared>>
      tpu.enqueue_dma source(%dma_start3A_105 : memref<128x64xf32, #tpu.memory_space<vmem_shared>>) target(%arg8 : memref<128x64xf32, #tpu.memory_space<vmem>>) target_semaphore(%run_scoped3A_101 : memref<!tpu.dma_semaphore, #tpu.memory_space<semaphore_mem>>)
      %dma_wait3A = arith.constant 0 : i32
      %dma_wait3A_106 = tpu.memref_slice %arg11[%add3A_90, %dma_wait3A] : memref<10240x64xf32, #tpu.memory_space<vmem_shared>> -> memref<128x64xf32, #tpu.memory_space<vmem_shared>>
      %dma_wait3A_107 = arith.constant 0 : i32
      %dma_wait3A_108 = tpu.memref_slice %arg11[%add3A_90, %dma_wait3A_107] : memref<10240x64xf32, #tpu.memory_space<vmem_shared>> -> memref<128x64xf32, #tpu.memory_space<vmem_shared>>
      tpu.wait_dma2 semaphore(%run_scoped3A_101 : memref<!tpu.dma_semaphore, #tpu.memory_space<semaphore_mem>>) src(%dma_wait3A_108 : memref<128x64xf32, #tpu.memory_space<vmem_shared>>) dst(%arg8 : memref<128x64xf32, #tpu.memory_space<vmem>>)
      tpu.yield
    }) : () -> ()
    %run_scoped3A_91 = arith.constant 1 : i32
    "tpu.region"() ({
      %run_scoped3A_101 = tpu.sem_alloc : memref<!tpu.dma_semaphore, #tpu.memory_space<semaphore_mem>>
      %dma_start3A_102 = arith.constant 0 : i32
      %dma_start3A_103 = tpu.memref_slice %arg5[%run_scoped3A_91, %arg0, %add3A_90, %dma_start3A_102] : memref<2x2x10240x64xf32, #tpu.memory_space<hbm>> -> memref<1x1x128x64xf32, #tpu.memory_space<hbm>>
      %dma_start3A_104 = tpu.memref_squeeze %dma_start3A_103 : memref<1x1x128x64xf32, #tpu.memory_space<hbm>> -> memref<128x64xf32, #tpu.memory_space<hbm>>
      %dma_start3A_105 = arith.constant 0 : i32
      %dma_start3A_106 = tpu.memref_slice %arg5[%run_scoped3A_91, %arg0, %add3A_90, %dma_start3A_105] : memref<2x2x10240x64xf32, #tpu.memory_space<hbm>> -> memref<1x1x128x64xf32, #tpu.memory_space<hbm>>
      %dma_start3A_107 = tpu.memref_squeeze %dma_start3A_106 : memref<1x1x128x64xf32, #tpu.memory_space<hbm>> -> memref<128x64xf32, #tpu.memory_space<hbm>>
      tpu.enqueue_dma source(%arg8 : memref<128x64xf32, #tpu.memory_space<vmem>>) target(%dma_start3A_107 : memref<128x64xf32, #tpu.memory_space<hbm>>) target_semaphore(%run_scoped3A_101 : memref<!tpu.dma_semaphore, #tpu.memory_space<semaphore_mem>>)
      %dma_wait3A = arith.constant 0 : i32
      %dma_wait3A_108 = tpu.memref_slice %arg5[%run_scoped3A_91, %arg0, %add3A_90, %dma_wait3A] : memref<2x2x10240x64xf32, #tpu.memory_space<hbm>> -> memref<1x1x128x64xf32, #tpu.memory_space<hbm>>
      %dma_wait3A_109 = tpu.memref_squeeze %dma_wait3A_108 : memref<1x1x128x64xf32, #tpu.memory_space<hbm>> -> memref<128x64xf32, #tpu.memory_space<hbm>>
      %dma_wait3A_110 = arith.constant 0 : i32
      %dma_wait3A_111 = tpu.memref_slice %arg5[%run_scoped3A_91, %arg0, %add3A_90, %dma_wait3A_110] : memref<2x2x10240x64xf32, #tpu.memory_space<hbm>> -> memref<1x1x128x64xf32, #tpu.memory_space<hbm>>
      %dma_wait3A_112 = tpu.memref_squeeze %dma_wait3A_111 : memref<1x1x128x64xf32, #tpu.memory_space<hbm>> -> memref<128x64xf32, #tpu.memory_space<hbm>>
      tpu.wait_dma2 semaphore(%run_scoped3A_101 : memref<!tpu.dma_semaphore, #tpu.memory_space<semaphore_mem>>) src(%arg8 : memref<128x64xf32, #tpu.memory_space<vmem>>) dst(%dma_wait3A_112 : memref<128x64xf32, #tpu.memory_space<hbm>>)
      tpu.yield
    }) : () -> ()
    %add3A_92 = arith.constant 256 : i32
    %add3A_93 = arith.addi %mul3A_0, %add3A_92 : i32
    "tpu.region"() ({
      %run_scoped3A_101 = tpu.sem_alloc : memref<!tpu.dma_semaphore, #tpu.memory_space<semaphore_mem>>
      %dma_start3A_102 = arith.constant 0 : i32
      %dma_start3A_103 = tpu.memref_slice %arg11[%add3A_93, %dma_start3A_102] : memref<10240x64xf32, #tpu.memory_space<vmem_shared>> -> memref<128x64xf32, #tpu.memory_space<vmem_shared>>
      %dma_start3A_104 = arith.constant 0 : i32
      %dma_start3A_105 = tpu.memref_slice %arg11[%add3A_93, %dma_start3A_104] : memref<10240x64xf32, #tpu.memory_space<vmem_shared>> -> memref<128x64xf32, #tpu.memory_space<vmem_shared>>
      tpu.enqueue_dma source(%dma_start3A_105 : memref<128x64xf32, #tpu.memory_space<vmem_shared>>) target(%arg8 : memref<128x64xf32, #tpu.memory_space<vmem>>) target_semaphore(%run_scoped3A_101 : memref<!tpu.dma_semaphore, #tpu.memory_space<semaphore_mem>>)
      %dma_wait3A = arith.constant 0 : i32
      %dma_wait3A_106 = tpu.memref_slice %arg11[%add3A_93, %dma_wait3A] : memref<10240x64xf32, #tpu.memory_space<vmem_shared>> -> memref<128x64xf32, #tpu.memory_space<vmem_shared>>
      %dma_wait3A_107 = arith.constant 0 : i32
      %dma_wait3A_108 = tpu.memref_slice %arg11[%add3A_93, %dma_wait3A_107] : memref<10240x64xf32, #tpu.memory_space<vmem_shared>> -> memref<128x64xf32, #tpu.memory_space<vmem_shared>>
      tpu.wait_dma2 semaphore(%run_scoped3A_101 : memref<!tpu.dma_semaphore, #tpu.memory_space<semaphore_mem>>) src(%dma_wait3A_108 : memref<128x64xf32, #tpu.memory_space<vmem_shared>>) dst(%arg8 : memref<128x64xf32, #tpu.memory_space<vmem>>)
      tpu.yield
    }) : () -> ()
    %run_scoped3A_94 = arith.constant 1 : i32
    "tpu.region"() ({
      %run_scoped3A_101 = tpu.sem_alloc : memref<!tpu.dma_semaphore, #tpu.memory_space<semaphore_mem>>
      %dma_start3A_102 = arith.constant 0 : i32
      %dma_start3A_103 = tpu.memref_slice %arg5[%run_scoped3A_94, %arg0, %add3A_93, %dma_start3A_102] : memref<2x2x10240x64xf32, #tpu.memory_space<hbm>> -> memref<1x1x128x64xf32, #tpu.memory_space<hbm>>
      %dma_start3A_104 = tpu.memref_squeeze %dma_start3A_103 : memref<1x1x128x64xf32, #tpu.memory_space<hbm>> -> memref<128x64xf32, #tpu.memory_space<hbm>>
      %dma_start3A_105 = arith.constant 0 : i32
      %dma_start3A_106 = tpu.memref_slice %arg5[%run_scoped3A_94, %arg0, %add3A_93, %dma_start3A_105] : memref<2x2x10240x64xf32, #tpu.memory_space<hbm>> -> memref<1x1x128x64xf32, #tpu.memory_space<hbm>>
      %dma_start3A_107 = tpu.memref_squeeze %dma_start3A_106 : memref<1x1x128x64xf32, #tpu.memory_space<hbm>> -> memref<128x64xf32, #tpu.memory_space<hbm>>
      tpu.enqueue_dma source(%arg8 : memref<128x64xf32, #tpu.memory_space<vmem>>) target(%dma_start3A_107 : memref<128x64xf32, #tpu.memory_space<hbm>>) target_semaphore(%run_scoped3A_101 : memref<!tpu.dma_semaphore, #tpu.memory_space<semaphore_mem>>)
      %dma_wait3A = arith.constant 0 : i32
      %dma_wait3A_108 = tpu.memref_slice %arg5[%run_scoped3A_94, %arg0, %add3A_93, %dma_wait3A] : memref<2x2x10240x64xf32, #tpu.memory_space<hbm>> -> memref<1x1x128x64xf32, #tpu.memory_space<hbm>>
      %dma_wait3A_109 = tpu.memref_squeeze %dma_wait3A_108 : memref<1x1x128x64xf32, #tpu.memory_space<hbm>> -> memref<128x64xf32, #tpu.memory_space<hbm>>
      %dma_wait3A_110 = arith.constant 0 : i32
      %dma_wait3A_111 = tpu.memref_slice %arg5[%run_scoped3A_94, %arg0, %add3A_93, %dma_wait3A_110] : memref<2x2x10240x64xf32, #tpu.memory_space<hbm>> -> memref<1x1x128x64xf32, #tpu.memory_space<hbm>>
      %dma_wait3A_112 = tpu.memref_squeeze %dma_wait3A_111 : memref<1x1x128x64xf32, #tpu.memory_space<hbm>> -> memref<128x64xf32, #tpu.memory_space<hbm>>
      tpu.wait_dma2 semaphore(%run_scoped3A_101 : memref<!tpu.dma_semaphore, #tpu.memory_space<semaphore_mem>>) src(%arg8 : memref<128x64xf32, #tpu.memory_space<vmem>>) dst(%dma_wait3A_112 : memref<128x64xf32, #tpu.memory_space<hbm>>)
      tpu.yield
    }) : () -> ()
    %add3A_95 = arith.constant 384 : i32
    %add3A_96 = arith.addi %mul3A_0, %add3A_95 : i32
    "tpu.region"() ({
      %run_scoped3A_101 = tpu.sem_alloc : memref<!tpu.dma_semaphore, #tpu.memory_space<semaphore_mem>>
      %dma_start3A_102 = arith.constant 0 : i32
      %dma_start3A_103 = tpu.memref_slice %arg11[%add3A_96, %dma_start3A_102] : memref<10240x64xf32, #tpu.memory_space<vmem_shared>> -> memref<128x64xf32, #tpu.memory_space<vmem_shared>>
      %dma_start3A_104 = arith.constant 0 : i32
      %dma_start3A_105 = tpu.memref_slice %arg11[%add3A_96, %dma_start3A_104] : memref<10240x64xf32, #tpu.memory_space<vmem_shared>> -> memref<128x64xf32, #tpu.memory_space<vmem_shared>>
      tpu.enqueue_dma source(%dma_start3A_105 : memref<128x64xf32, #tpu.memory_space<vmem_shared>>) target(%arg8 : memref<128x64xf32, #tpu.memory_space<vmem>>) target_semaphore(%run_scoped3A_101 : memref<!tpu.dma_semaphore, #tpu.memory_space<semaphore_mem>>)
      %dma_wait3A = arith.constant 0 : i32
      %dma_wait3A_106 = tpu.memref_slice %arg11[%add3A_96, %dma_wait3A] : memref<10240x64xf32, #tpu.memory_space<vmem_shared>> -> memref<128x64xf32, #tpu.memory_space<vmem_shared>>
      %dma_wait3A_107 = arith.constant 0 : i32
      %dma_wait3A_108 = tpu.memref_slice %arg11[%add3A_96, %dma_wait3A_107] : memref<10240x64xf32, #tpu.memory_space<vmem_shared>> -> memref<128x64xf32, #tpu.memory_space<vmem_shared>>
      tpu.wait_dma2 semaphore(%run_scoped3A_101 : memref<!tpu.dma_semaphore, #tpu.memory_space<semaphore_mem>>) src(%dma_wait3A_108 : memref<128x64xf32, #tpu.memory_space<vmem_shared>>) dst(%arg8 : memref<128x64xf32, #tpu.memory_space<vmem>>)
      tpu.yield
    }) : () -> ()
    %run_scoped3A_97 = arith.constant 1 : i32
    "tpu.region"() ({
      %run_scoped3A_101 = tpu.sem_alloc : memref<!tpu.dma_semaphore, #tpu.memory_space<semaphore_mem>>
      %dma_start3A_102 = arith.constant 0 : i32
      %dma_start3A_103 = tpu.memref_slice %arg5[%run_scoped3A_97, %arg0, %add3A_96, %dma_start3A_102] : memref<2x2x10240x64xf32, #tpu.memory_space<hbm>> -> memref<1x1x128x64xf32, #tpu.memory_space<hbm>>
      %dma_start3A_104 = tpu.memref_squeeze %dma_start3A_103 : memref<1x1x128x64xf32, #tpu.memory_space<hbm>> -> memref<128x64xf32, #tpu.memory_space<hbm>>
      %dma_start3A_105 = arith.constant 0 : i32
      %dma_start3A_106 = tpu.memref_slice %arg5[%run_scoped3A_97, %arg0, %add3A_96, %dma_start3A_105] : memref<2x2x10240x64xf32, #tpu.memory_space<hbm>> -> memref<1x1x128x64xf32, #tpu.memory_space<hbm>>
      %dma_start3A_107 = tpu.memref_squeeze %dma_start3A_106 : memref<1x1x128x64xf32, #tpu.memory_space<hbm>> -> memref<128x64xf32, #tpu.memory_space<hbm>>
      tpu.enqueue_dma source(%arg8 : memref<128x64xf32, #tpu.memory_space<vmem>>) target(%dma_start3A_107 : memref<128x64xf32, #tpu.memory_space<hbm>>) target_semaphore(%run_scoped3A_101 : memref<!tpu.dma_semaphore, #tpu.memory_space<semaphore_mem>>)
      %dma_wait3A = arith.constant 0 : i32
      %dma_wait3A_108 = tpu.memref_slice %arg5[%run_scoped3A_97, %arg0, %add3A_96, %dma_wait3A] : memref<2x2x10240x64xf32, #tpu.memory_space<hbm>> -> memref<1x1x128x64xf32, #tpu.memory_space<hbm>>
      %dma_wait3A_109 = tpu.memref_squeeze %dma_wait3A_108 : memref<1x1x128x64xf32, #tpu.memory_space<hbm>> -> memref<128x64xf32, #tpu.memory_space<hbm>>
      %dma_wait3A_110 = arith.constant 0 : i32
      %dma_wait3A_111 = tpu.memref_slice %arg5[%run_scoped3A_97, %arg0, %add3A_96, %dma_wait3A_110] : memref<2x2x10240x64xf32, #tpu.memory_space<hbm>> -> memref<1x1x128x64xf32, #tpu.memory_space<hbm>>
      %dma_wait3A_112 = tpu.memref_squeeze %dma_wait3A_111 : memref<1x1x128x64xf32, #tpu.memory_space<hbm>> -> memref<128x64xf32, #tpu.memory_space<hbm>>
      tpu.wait_dma2 semaphore(%run_scoped3A_101 : memref<!tpu.dma_semaphore, #tpu.memory_space<semaphore_mem>>) src(%arg8 : memref<128x64xf32, #tpu.memory_space<vmem>>) dst(%dma_wait3A_112 : memref<128x64xf32, #tpu.memory_space<hbm>>)
      tpu.yield
    }) : () -> ()
    %add3A_98 = arith.constant 512 : i32
    %add3A_99 = arith.addi %mul3A_0, %add3A_98 : i32
    "tpu.region"() ({
      %run_scoped3A_101 = tpu.sem_alloc : memref<!tpu.dma_semaphore, #tpu.memory_space<semaphore_mem>>
      %dma_start3A_102 = arith.constant 0 : i32
      %dma_start3A_103 = tpu.memref_slice %arg11[%add3A_99, %dma_start3A_102] : memref<10240x64xf32, #tpu.memory_space<vmem_shared>> -> memref<128x64xf32, #tpu.memory_space<vmem_shared>>
      %dma_start3A_104 = arith.constant 0 : i32
      %dma_start3A_105 = tpu.memref_slice %arg11[%add3A_99, %dma_start3A_104] : memref<10240x64xf32, #tpu.memory_space<vmem_shared>> -> memref<128x64xf32, #tpu.memory_space<vmem_shared>>
      tpu.enqueue_dma source(%dma_start3A_105 : memref<128x64xf32, #tpu.memory_space<vmem_shared>>) target(%arg8 : memref<128x64xf32, #tpu.memory_space<vmem>>) target_semaphore(%run_scoped3A_101 : memref<!tpu.dma_semaphore, #tpu.memory_space<semaphore_mem>>)
      %dma_wait3A = arith.constant 0 : i32
      %dma_wait3A_106 = tpu.memref_slice %arg11[%add3A_99, %dma_wait3A] : memref<10240x64xf32, #tpu.memory_space<vmem_shared>> -> memref<128x64xf32, #tpu.memory_space<vmem_shared>>
      %dma_wait3A_107 = arith.constant 0 : i32
      %dma_wait3A_108 = tpu.memref_slice %arg11[%add3A_99, %dma_wait3A_107] : memref<10240x64xf32, #tpu.memory_space<vmem_shared>> -> memref<128x64xf32, #tpu.memory_space<vmem_shared>>
      tpu.wait_dma2 semaphore(%run_scoped3A_101 : memref<!tpu.dma_semaphore, #tpu.memory_space<semaphore_mem>>) src(%dma_wait3A_108 : memref<128x64xf32, #tpu.memory_space<vmem_shared>>) dst(%arg8 : memref<128x64xf32, #tpu.memory_space<vmem>>)
      tpu.yield
    }) : () -> ()
    %run_scoped3A_100 = arith.constant 1 : i32
    "tpu.region"() ({
      %run_scoped3A_101 = tpu.sem_alloc : memref<!tpu.dma_semaphore, #tpu.memory_space<semaphore_mem>>
      %dma_start3A_102 = arith.constant 0 : i32
      %dma_start3A_103 = tpu.memref_slice %arg5[%run_scoped3A_100, %arg0, %add3A_99, %dma_start3A_102] : memref<2x2x10240x64xf32, #tpu.memory_space<hbm>> -> memref<1x1x128x64xf32, #tpu.memory_space<hbm>>
      %dma_start3A_104 = tpu.memref_squeeze %dma_start3A_103 : memref<1x1x128x64xf32, #tpu.memory_space<hbm>> -> memref<128x64xf32, #tpu.memory_space<hbm>>
      %dma_start3A_105 = arith.constant 0 : i32
      %dma_start3A_106 = tpu.memref_slice %arg5[%run_scoped3A_100, %arg0, %add3A_99, %dma_start3A_105] : memref<2x2x10240x64xf32, #tpu.memory_space<hbm>> -> memref<1x1x128x64xf32, #tpu.memory_space<hbm>>
      %dma_start3A_107 = tpu.memref_squeeze %dma_start3A_106 : memref<1x1x128x64xf32, #tpu.memory_space<hbm>> -> memref<128x64xf32, #tpu.memory_space<hbm>>
      tpu.enqueue_dma source(%arg8 : memref<128x64xf32, #tpu.memory_space<vmem>>) target(%dma_start3A_107 : memref<128x64xf32, #tpu.memory_space<hbm>>) target_semaphore(%run_scoped3A_101 : memref<!tpu.dma_semaphore, #tpu.memory_space<semaphore_mem>>)
      %dma_wait3A = arith.constant 0 : i32
      %dma_wait3A_108 = tpu.memref_slice %arg5[%run_scoped3A_100, %arg0, %add3A_99, %dma_wait3A] : memref<2x2x10240x64xf32, #tpu.memory_space<hbm>> -> memref<1x1x128x64xf32, #tpu.memory_space<hbm>>
      %dma_wait3A_109 = tpu.memref_squeeze %dma_wait3A_108 : memref<1x1x128x64xf32, #tpu.memory_space<hbm>> -> memref<128x64xf32, #tpu.memory_space<hbm>>
      %dma_wait3A_110 = arith.constant 0 : i32
      %dma_wait3A_111 = tpu.memref_slice %arg5[%run_scoped3A_100, %arg0, %add3A_99, %dma_wait3A_110] : memref<2x2x10240x64xf32, #tpu.memory_space<hbm>> -> memref<1x1x128x64xf32, #tpu.memory_space<hbm>>
      %dma_wait3A_112 = tpu.memref_squeeze %dma_wait3A_111 : memref<1x1x128x64xf32, #tpu.memory_space<hbm>> -> memref<128x64xf32, #tpu.memory_space<hbm>>
      tpu.wait_dma2 semaphore(%run_scoped3A_101 : memref<!tpu.dma_semaphore, #tpu.memory_space<semaphore_mem>>) src(%arg8 : memref<128x64xf32, #tpu.memory_space<vmem>>) dst(%dma_wait3A_112 : memref<128x64xf32, #tpu.memory_space<hbm>>)
      tpu.yield
    }) : () -> ()
    return
  }
}

module attributes {stable_mosaic.version = 14 : i64} {
  func.func @_tc_layer_body(%arg0: i32, %arg1: memref<2x2x1024x64xf32, #tpu.memory_space<vmem>>, %arg2: memref<2x1024x16xf32, #tpu.memory_space<vmem>>, %arg3: memref<128x128xf32, #tpu.memory_space<vmem>>, %arg4: memref<128x128xf32, #tpu.memory_space<vmem>>, %arg5: memref<1x128xf32, #tpu.memory_space<vmem>>, %arg6: memref<1024x64xf32, #tpu.memory_space<vmem>>, %arg7: memref<1024x64xf32, #tpu.memory_space<vmem>>) attributes {dimension_semantics = [#tpu.dimension_semantics<arbitrary>], iteration_bounds = array<i64: 10>, scalar_prefetch = 0 : i64, scratch_operands = 0 : i64, tpu.core_type = #tpu.core_type<tc>, window_params = [{transform_indices = @transform_0, window_bounds = array<i64: 2, 2, 1024, 64>}, {transform_indices = @transform_1, window_bounds = array<i64: 2, 1024, 16>}, {pipeline_mode = #tpu.pipeline_mode<synchronous>, transform_indices = @transform_2, window_bounds = array<i64: 128, 128>}, {pipeline_mode = #tpu.pipeline_mode<synchronous>, transform_indices = @transform_3, window_bounds = array<i64: 128, 128>}, {pipeline_mode = #tpu.pipeline_mode<synchronous>, transform_indices = @transform_4, window_bounds = array<i64: 1, 128>}, {transform_indices = @transform_5, window_bounds = array<i64: 1024, 64>}, {transform_indices = @transform_6, window_bounds = array<i64: 1024, 64>}]} {
    %get3A = arith.constant 0 : index
    %get3A_0 = arith.constant 0 : index
    %get3A_1 = arith.constant 0 : index
    %get3A_2 = arith.constant 0 : index
    %get3A_3 = vector.load %arg1[%get3A, %get3A_0, %get3A_1, %get3A_2] : memref<2x2x1024x64xf32, #tpu.memory_space<vmem>>, vector<1x1x1024x64xf32>
    %get3A_4 = vector.shape_cast %get3A_3 : vector<1x1x1024x64xf32> to vector<1024x64xf32>
    %get3A_5 = arith.constant 1 : index
    %get3A_6 = arith.constant 0 : index
    %get3A_7 = arith.constant 0 : index
    %get3A_8 = arith.constant 0 : index
    %get3A_9 = vector.load %arg1[%get3A_5, %get3A_6, %get3A_7, %get3A_8] : memref<2x2x1024x64xf32, #tpu.memory_space<vmem>>, vector<1x1x1024x64xf32>
    %get3A_10 = vector.shape_cast %get3A_9 : vector<1x1x1024x64xf32> to vector<1024x64xf32>
    %concatenate3A = tpu.concatenate %get3A_4, %get3A_10 in 1 : vector<1024x64xf32>, vector<1024x64xf32> -> vector<1024x128xf32>
    %get3A_11 = arith.constant 0 : index
    %get3A_12 = arith.constant 1 : index
    %get3A_13 = arith.constant 0 : index
    %get3A_14 = arith.constant 0 : index
    %get3A_15 = vector.load %arg1[%get3A_11, %get3A_12, %get3A_13, %get3A_14] : memref<2x2x1024x64xf32, #tpu.memory_space<vmem>>, vector<1x1x1024x64xf32>
    %get3A_16 = vector.shape_cast %get3A_15 : vector<1x1x1024x64xf32> to vector<1024x64xf32>
    %get3A_17 = arith.constant 1 : index
    %get3A_18 = arith.constant 1 : index
    %get3A_19 = arith.constant 0 : index
    %get3A_20 = arith.constant 0 : index
    %get3A_21 = vector.load %arg1[%get3A_17, %get3A_18, %get3A_19, %get3A_20] : memref<2x2x1024x64xf32, #tpu.memory_space<vmem>>, vector<1x1x1024x64xf32>
    %get3A_22 = vector.shape_cast %get3A_21 : vector<1x1x1024x64xf32> to vector<1024x64xf32>
    %concatenate3A_23 = tpu.concatenate %get3A_16, %get3A_22 in 1 : vector<1024x64xf32>, vector<1024x64xf32> -> vector<1024x128xf32>
    %get3A_24 = arith.constant 0 : index
    %get3A_25 = arith.constant 0 : index
    %get3A_26 = arith.constant 0 : index
    %get3A_27 = vector.load %arg2[%get3A_24, %get3A_25, %get3A_26] : memref<2x1024x16xf32, #tpu.memory_space<vmem>>, vector<1x1024x1xf32>
    %get3A_28 = vector.shape_cast %get3A_27 : vector<1x1024x1xf32> to vector<1024x1xf32>
    %get3A_29 = arith.constant 1 : index
    %get3A_30 = arith.constant 0 : index
    %get3A_31 = arith.constant 0 : index
    %get3A_32 = vector.load %arg2[%get3A_29, %get3A_30, %get3A_31] : memref<2x1024x16xf32, #tpu.memory_space<vmem>>, vector<1x1024x1xf32>
    %get3A_33 = vector.shape_cast %get3A_32 : vector<1x1024x1xf32> to vector<1024x1xf32>
    %max3A = arith.constant 1.000000e+00 : f32
    %max3A_34 = vector.broadcast %max3A : f32 to vector<1024x1xf32>
    %max3A_35 = arith.maximumf %get3A_28, %max3A_34 : vector<1024x1xf32>
    %div3A = arith.constant 5.000000e-01 : f32
    %div3A_36 = vector.broadcast %div3A : f32 to vector<1024x1xf32>
    %div3A_37 = arith.divf %div3A_36, %max3A_35 : vector<1024x1xf32>
    %mul3A = vector.broadcast %div3A_37 : vector<1024x1xf32> to vector<1024x128xf32>
    %mul3A_38 = arith.mulf %concatenate3A, %mul3A : vector<1024x128xf32>
    %max3A_39 = arith.constant 1.000000e+00 : f32
    %max3A_40 = vector.broadcast %max3A_39 : f32 to vector<1024x1xf32>
    %max3A_41 = arith.maximumf %get3A_33, %max3A_40 : vector<1024x1xf32>
    %div3A_42 = arith.constant 5.000000e-01 : f32
    %div3A_43 = vector.broadcast %div3A_42 : f32 to vector<1024x1xf32>
    %div3A_44 = arith.divf %div3A_43, %max3A_41 : vector<1024x1xf32>
    %mul3A_45 = vector.broadcast %div3A_44 : vector<1024x1xf32> to vector<1024x128xf32>
    %mul3A_46 = arith.mulf %concatenate3A_23, %mul3A_45 : vector<1024x128xf32>
    %get3A_47 = arith.constant 0 : index
    %get3A_48 = arith.constant 0 : index
    %get3A_49 = vector.load %arg3[%get3A_47, %get3A_48] : memref<128x128xf32, #tpu.memory_space<vmem>>, vector<128x128xf32>
    %dot_general3A = arith.constant dense<0.000000e+00> : vector<1024x128xf32>
    %dot_general3A_50 = tpu.matmul %mul3A_38, %get3A_49, %dot_general3A {dimension_numbers = #tpu.dot_dimension_numbers<[1], [0], [0], [1], [0, 0, 1, 1], [], []>, transpose_lhs_hint = false} : vector<1024x128xf32>, vector<128x128xf32>, vector<1024x128xf32> -> vector<1024x128xf32>
    %get3A_51 = arith.constant 0 : index
    %get3A_52 = arith.constant 0 : index
    %get3A_53 = vector.load %arg4[%get3A_51, %get3A_52] : memref<128x128xf32, #tpu.memory_space<vmem>>, vector<128x128xf32>
    %dot_general3A_54 = arith.constant dense<0.000000e+00> : vector<1024x128xf32>
    %dot_general3A_55 = tpu.matmul %mul3A_46, %get3A_53, %dot_general3A_54 {dimension_numbers = #tpu.dot_dimension_numbers<[1], [0], [0], [1], [0, 0, 1, 1], [], []>, transpose_lhs_hint = false} : vector<1024x128xf32>, vector<128x128xf32>, vector<1024x128xf32> -> vector<1024x128xf32>
    %add3A = arith.addf %dot_general3A_50, %dot_general3A_55 : vector<1024x128xf32>
    %get3A_56 = arith.constant 0 : index
    %get3A_57 = arith.constant 0 : index
    %get3A_58 = vector.load %arg5[%get3A_56, %get3A_57] : memref<1x128xf32, #tpu.memory_space<vmem>>, vector<1x128xf32>
    %add3A_59 = vector.broadcast %get3A_58 : vector<1x128xf32> to vector<1024x128xf32>
    %add3A_60 = arith.addf %add3A, %add3A_59 : vector<1024x128xf32>
    %max3A_61 = arith.constant 0.000000e+00 : f32
    %max3A_62 = vector.broadcast %max3A_61 : f32 to vector<1024x128xf32>
    %max3A_63 = arith.maximumf %add3A_60, %max3A_62 : vector<1024x128xf32>
    %slice3A = vector.extract_strided_slice %max3A_63 {offsets = [0, 0], sizes = [1024, 64], strides = [1, 1]} : vector<1024x128xf32> to vector<1024x64xf32>
    %swap3A = arith.constant 0 : index
    %swap3A_64 = arith.constant 0 : index
    %swap3A_65 = vector.load %arg6[%swap3A, %swap3A_64] : memref<1024x64xf32, #tpu.memory_space<vmem>>, vector<1024x64xf32>
    tpu.vector_store %arg6[%swap3A, %swap3A_64], %slice3A {strides = array<i32>} : memref<1024x64xf32, #tpu.memory_space<vmem>>, vector<1024x64xf32>,
    %slice3A_66 = vector.extract_strided_slice %max3A_63 {offsets = [0, 64], sizes = [1024, 64], strides = [1, 1]} : vector<1024x128xf32> to vector<1024x64xf32>
    %swap3A_67 = arith.constant 0 : index
    %swap3A_68 = arith.constant 0 : index
    %swap3A_69 = vector.load %arg7[%swap3A_67, %swap3A_68] : memref<1024x64xf32, #tpu.memory_space<vmem>>, vector<1024x64xf32>
    tpu.vector_store %arg7[%swap3A_67, %swap3A_68], %slice3A_66 {strides = array<i32>} : memref<1024x64xf32, #tpu.memory_space<vmem>>, vector<1024x64xf32>,
    return
  }
  func.func @transform_0(%arg0: i32) -> (i32, i32, i32, i32) {
    %c0_i32 = arith.constant 0 : i32
    %c0_i32_0 = arith.constant 0 : i32
    %c0_i32_1 = arith.constant 0 : i32
    %c0_i32_2 = arith.constant 0 : i32
    return %c0_i32, %c0_i32_0, %arg0, %c0_i32_1 : i32, i32, i32, i32
  }
  func.func @transform_1(%arg0: i32) -> (i32, i32, i32) {
    %c0_i32 = arith.constant 0 : i32
    %c0_i32_0 = arith.constant 0 : i32
    %c0_i32_1 = arith.constant 0 : i32
    return %c0_i32, %arg0, %c0_i32_0 : i32, i32, i32
  }
  func.func @transform_2(%arg0: i32) -> (i32, i32) {
    %c0_i32 = arith.constant 0 : i32
    %c0_i32_0 = arith.constant 0 : i32
    %c0_i32_1 = arith.constant 0 : i32
    return %c0_i32, %c0_i32_0 : i32, i32
  }
  func.func @transform_3(%arg0: i32) -> (i32, i32) {
    %c0_i32 = arith.constant 0 : i32
    %c0_i32_0 = arith.constant 0 : i32
    %c0_i32_1 = arith.constant 0 : i32
    return %c0_i32, %c0_i32_0 : i32, i32
  }
  func.func @transform_4(%arg0: i32) -> (i32, i32) {
    %c0_i32 = arith.constant 0 : i32
    %c0_i32_0 = arith.constant 0 : i32
    %c0_i32_1 = arith.constant 0 : i32
    return %c0_i32, %c0_i32_0 : i32, i32
  }
  func.func @transform_5(%arg0: i32) -> (i32, i32) {
    %c0_i32 = arith.constant 0 : i32
    %c0_i32_0 = arith.constant 0 : i32
    return %arg0, %c0_i32 : i32, i32
  }
  func.func @transform_6(%arg0: i32) -> (i32, i32) {
    %c0_i32 = arith.constant 0 : i32
    %c0_i32_0 = arith.constant 0 : i32
    return %arg0, %c0_i32 : i32, i32
  }
}

module attributes {stable_mosaic.version = 14 : i64} {
  func.func @_tc_layer_body(%arg0: i32, %arg1: memref<2x2x1000x64xf32, #tpu.memory_space<vmem>>, %arg2: memref<2x1000x16xf32, #tpu.memory_space<vmem>>, %arg3: memref<128x128xf32, #tpu.memory_space<vmem>>, %arg4: memref<128x128xf32, #tpu.memory_space<vmem>>, %arg5: memref<1x128xf32, #tpu.memory_space<vmem>>, %arg6: memref<1000x128xf32, #tpu.memory_space<vmem>>) attributes {dimension_semantics = [#tpu.dimension_semantics<arbitrary>], iteration_bounds = array<i64: 10>, scalar_prefetch = 0 : i64, scratch_operands = 0 : i64, tpu.core_type = #tpu.core_type<tc>, window_params = [{transform_indices = @transform_0, window_bounds = array<i64: 2, 2, 1000, 64>}, {transform_indices = @transform_1, window_bounds = array<i64: 2, 1000, 16>}, {pipeline_mode = #tpu.pipeline_mode<synchronous>, transform_indices = @transform_2, window_bounds = array<i64: 128, 128>}, {pipeline_mode = #tpu.pipeline_mode<synchronous>, transform_indices = @transform_3, window_bounds = array<i64: 128, 128>}, {pipeline_mode = #tpu.pipeline_mode<synchronous>, transform_indices = @transform_4, window_bounds = array<i64: 1, 128>}, {transform_indices = @transform_5, window_bounds = array<i64: 1000, 128>}]} {
    %get3A = arith.constant 0 : index
    %get3A_0 = arith.constant 0 : index
    %get3A_1 = arith.constant 0 : index
    %get3A_2 = arith.constant 0 : index
    %get3A_3 = vector.load %arg1[%get3A, %get3A_0, %get3A_1, %get3A_2] : memref<2x2x1000x64xf32, #tpu.memory_space<vmem>>, vector<1x1x1000x64xf32>
    %get3A_4 = vector.shape_cast %get3A_3 : vector<1x1x1000x64xf32> to vector<1000x64xf32>
    %get3A_5 = arith.constant 1 : index
    %get3A_6 = arith.constant 0 : index
    %get3A_7 = arith.constant 0 : index
    %get3A_8 = arith.constant 0 : index
    %get3A_9 = vector.load %arg1[%get3A_5, %get3A_6, %get3A_7, %get3A_8] : memref<2x2x1000x64xf32, #tpu.memory_space<vmem>>, vector<1x1x1000x64xf32>
    %get3A_10 = vector.shape_cast %get3A_9 : vector<1x1x1000x64xf32> to vector<1000x64xf32>
    %concatenate3A = tpu.concatenate %get3A_4, %get3A_10 in 1 : vector<1000x64xf32>, vector<1000x64xf32> -> vector<1000x128xf32>
    %get3A_11 = arith.constant 0 : index
    %get3A_12 = arith.constant 1 : index
    %get3A_13 = arith.constant 0 : index
    %get3A_14 = arith.constant 0 : index
    %get3A_15 = vector.load %arg1[%get3A_11, %get3A_12, %get3A_13, %get3A_14] : memref<2x2x1000x64xf32, #tpu.memory_space<vmem>>, vector<1x1x1000x64xf32>
    %get3A_16 = vector.shape_cast %get3A_15 : vector<1x1x1000x64xf32> to vector<1000x64xf32>
    %get3A_17 = arith.constant 1 : index
    %get3A_18 = arith.constant 1 : index
    %get3A_19 = arith.constant 0 : index
    %get3A_20 = arith.constant 0 : index
    %get3A_21 = vector.load %arg1[%get3A_17, %get3A_18, %get3A_19, %get3A_20] : memref<2x2x1000x64xf32, #tpu.memory_space<vmem>>, vector<1x1x1000x64xf32>
    %get3A_22 = vector.shape_cast %get3A_21 : vector<1x1x1000x64xf32> to vector<1000x64xf32>
    %concatenate3A_23 = tpu.concatenate %get3A_16, %get3A_22 in 1 : vector<1000x64xf32>, vector<1000x64xf32> -> vector<1000x128xf32>
    %get3A_24 = arith.constant 0 : index
    %get3A_25 = arith.constant 0 : index
    %get3A_26 = arith.constant 0 : index
    %get3A_27 = vector.load %arg2[%get3A_24, %get3A_25, %get3A_26] : memref<2x1000x16xf32, #tpu.memory_space<vmem>>, vector<1x1000x1xf32>
    %get3A_28 = vector.shape_cast %get3A_27 : vector<1x1000x1xf32> to vector<1000x1xf32>
    %get3A_29 = arith.constant 1 : index
    %get3A_30 = arith.constant 0 : index
    %get3A_31 = arith.constant 0 : index
    %get3A_32 = vector.load %arg2[%get3A_29, %get3A_30, %get3A_31] : memref<2x1000x16xf32, #tpu.memory_space<vmem>>, vector<1x1000x1xf32>
    %get3A_33 = vector.shape_cast %get3A_32 : vector<1x1000x1xf32> to vector<1000x1xf32>
    %max3A = arith.constant 1.000000e+00 : f32
    %max3A_34 = vector.broadcast %max3A : f32 to vector<1000x1xf32>
    %max3A_35 = arith.maximumf %get3A_28, %max3A_34 : vector<1000x1xf32>
    %div3A = arith.constant 5.000000e-01 : f32
    %div3A_36 = vector.broadcast %div3A : f32 to vector<1000x1xf32>
    %div3A_37 = arith.divf %div3A_36, %max3A_35 : vector<1000x1xf32>
    %mul3A = vector.broadcast %div3A_37 : vector<1000x1xf32> to vector<1000x128xf32>
    %mul3A_38 = arith.mulf %concatenate3A, %mul3A : vector<1000x128xf32>
    %max3A_39 = arith.constant 1.000000e+00 : f32
    %max3A_40 = vector.broadcast %max3A_39 : f32 to vector<1000x1xf32>
    %max3A_41 = arith.maximumf %get3A_33, %max3A_40 : vector<1000x1xf32>
    %div3A_42 = arith.constant 5.000000e-01 : f32
    %div3A_43 = vector.broadcast %div3A_42 : f32 to vector<1000x1xf32>
    %div3A_44 = arith.divf %div3A_43, %max3A_41 : vector<1000x1xf32>
    %mul3A_45 = vector.broadcast %div3A_44 : vector<1000x1xf32> to vector<1000x128xf32>
    %mul3A_46 = arith.mulf %concatenate3A_23, %mul3A_45 : vector<1000x128xf32>
    %get3A_47 = arith.constant 0 : index
    %get3A_48 = arith.constant 0 : index
    %get3A_49 = vector.load %arg3[%get3A_47, %get3A_48] : memref<128x128xf32, #tpu.memory_space<vmem>>, vector<128x128xf32>
    %dot_general3A = arith.constant dense<0.000000e+00> : vector<1000x128xf32>
    %dot_general3A_50 = tpu.matmul %mul3A_38, %get3A_49, %dot_general3A {dimension_numbers = #tpu.dot_dimension_numbers<[1], [0], [0], [1], [0, 0, 1, 1], [], []>, transpose_lhs_hint = false} : vector<1000x128xf32>, vector<128x128xf32>, vector<1000x128xf32> -> vector<1000x128xf32>
    %get3A_51 = arith.constant 0 : index
    %get3A_52 = arith.constant 0 : index
    %get3A_53 = vector.load %arg4[%get3A_51, %get3A_52] : memref<128x128xf32, #tpu.memory_space<vmem>>, vector<128x128xf32>
    %dot_general3A_54 = arith.constant dense<0.000000e+00> : vector<1000x128xf32>
    %dot_general3A_55 = tpu.matmul %mul3A_46, %get3A_53, %dot_general3A_54 {dimension_numbers = #tpu.dot_dimension_numbers<[1], [0], [0], [1], [0, 0, 1, 1], [], []>, transpose_lhs_hint = false} : vector<1000x128xf32>, vector<128x128xf32>, vector<1000x128xf32> -> vector<1000x128xf32>
    %add3A = arith.addf %dot_general3A_50, %dot_general3A_55 : vector<1000x128xf32>
    %get3A_56 = arith.constant 0 : index
    %get3A_57 = arith.constant 0 : index
    %get3A_58 = vector.load %arg5[%get3A_56, %get3A_57] : memref<1x128xf32, #tpu.memory_space<vmem>>, vector<1x128xf32>
    %add3A_59 = vector.broadcast %get3A_58 : vector<1x128xf32> to vector<1000x128xf32>
    %add3A_60 = arith.addf %add3A, %add3A_59 : vector<1000x128xf32>
    %swap3A = arith.constant 0 : index
    %swap3A_61 = arith.constant 0 : index
    %swap3A_62 = vector.load %arg6[%swap3A, %swap3A_61] : memref<1000x128xf32, #tpu.memory_space<vmem>>, vector<1000x128xf32>
    tpu.vector_store %arg6[%swap3A, %swap3A_61], %add3A_60 {strides = array<i32>} : memref<1000x128xf32, #tpu.memory_space<vmem>>, vector<1000x128xf32>,
    return
  }
  func.func @transform_0(%arg0: i32) -> (i32, i32, i32, i32) {
    %c0_i32 = arith.constant 0 : i32
    %c0_i32_0 = arith.constant 0 : i32
    %c0_i32_1 = arith.constant 0 : i32
    %c0_i32_2 = arith.constant 0 : i32
    return %c0_i32, %c0_i32_0, %arg0, %c0_i32_1 : i32, i32, i32, i32
  }
  func.func @transform_1(%arg0: i32) -> (i32, i32, i32) {
    %c0_i32 = arith.constant 0 : i32
    %c0_i32_0 = arith.constant 0 : i32
    %c0_i32_1 = arith.constant 0 : i32
    return %c0_i32, %arg0, %c0_i32_0 : i32, i32, i32
  }
  func.func @transform_2(%arg0: i32) -> (i32, i32) {
    %c0_i32 = arith.constant 0 : i32
    %c0_i32_0 = arith.constant 0 : i32
    %c0_i32_1 = arith.constant 0 : i32
    return %c0_i32, %c0_i32_0 : i32, i32
  }
  func.func @transform_3(%arg0: i32) -> (i32, i32) {
    %c0_i32 = arith.constant 0 : i32
    %c0_i32_0 = arith.constant 0 : i32
    %c0_i32_1 = arith.constant 0 : i32
    return %c0_i32, %c0_i32_0 : i32, i32
  }
  func.func @transform_4(%arg0: i32) -> (i32, i32) {
    %c0_i32 = arith.constant 0 : i32
    %c0_i32_0 = arith.constant 0 : i32
    %c0_i32_1 = arith.constant 0 : i32
    return %c0_i32, %c0_i32_0 : i32, i32
  }
  func.func @transform_5(%arg0: i32) -> (i32, i32) {
    %c0_i32 = arith.constant 0 : i32
    %c0_i32_0 = arith.constant 0 : i32
    return %arg0, %c0_i32 : i32, i32
  }
}

</mosaic_0001>

<sc_bundles>
// kernel: kernel.6.cloned.1.call-start
scs
__scs_entry_jumppad:
0x0: {  	(pc) =	sbr.rel $0x88, $3  }
0x1: {  	(tag) =	ssettag $0x0;
	lr =	simm.s32 $0x1  }
0x2: {  	[smem:$0x3F97] =	sst lr;
	_ =	strace $0xD0000000  }
0x3: {  	_ = 	snop  }
0x4: {  	_ = 	snop  }
0x5: {  	_ = 	snop  }
0x6: {  	_ = 	snop  }
0x7: {  	_ = 	snop  }
__scs_overlays_trampoline_lowered:
0x8: {  	[smem:$0x3FA6] =	sst s0  }
0x9: {  	[smem:$0x3FA7] =	sst s1  }
0xa: {  	[smem:$0x3FA8] =	sst s2  }
0xb: {  	[smem:$0x3FA9] =	sst s3  }
0xc: {  	[smem:$0x3FAA] =	sst s4  }
0xd: {  	[smem:$0x3FAB] =	sst s5  }
0xe: {  	[smem:$0x3FAC] =	sst s6  }
0xf: {  	[smem:$0x3FAD] =	sst s7  }
0x10: {  	[smem:$0x3FAE] =	sst s8  }
0x11: {  	[smem:$0x3FAF] =	sst s9;
	s0 =	simm.s32 @!p0 $0x0  }
0x12: {  	s1 =	sld [smem:$0x3F95];
	s0 =	simm.s32 @p0 $0x1  }
0x13: {  	[smem:$0x3FB0] =	sst s0;
	s0 =	simm.s32 @!p1 $0x0  }
0x14: {  	s2 =	sld [smem:$0x3F94];
	s0 =	simm.s32 @p1 $0x1  }
0x15: {  	[smem:$0x3FB1] =	sst s0;
	s0 =	simm.s32 @!p2 $0x0  }
0x16: {  	s3 =	sld [smem:$0x3FDB];
	s0 =	simm.s32 @p2 $0x1  }
0x17: {  	s4 =	simm.s32 $0x1BF5;
	[smem:$0x3FB3] =	sst s0  }
0x18: {  	s0 =	sld [smem:$0x3F96];
	_ =	swait.ge [sflag:s4], $0x0  }
0x19: {  	s7 =	sld [smem:$0x3F97]  }
0x1a: {  	s8 =	sadd.s32 $0xFFFFE003, lr  }
0x1b: {  	s9 =	sadd.s32 $0xFFFFFEF7, lr;
	s5 =	simm.s32 $0xFFFFFFFF;
	p2 =	slt.u32 s8, $0xFFFFF086  }
0x1c: {  	p1 =	slt.u32 s9, $0xF7A;
	s5 =	simm.s32 @!p2 $0x0  }
0x1d: {  	s5 =	simm.s32 @p1 $0x1;
	p0 =	seq.s32 s7, s2  }
0x1e: {  	s7 =	smul.u32 @!p0 $0xF7A, s2;
	p2 =	seq.s32 @!p0 s5, $0x0  }
0x1f: {  	s9 =	smul.u32 $0xF7A, s1;
	s8 =	simm.s32 @!p0 $0x1BF5;
	p2 =	por !p2, p0  }
0x20: {  	[sflag:s8] =	ssyncset.s32 @!p0 $0xFFFFF086;
	s6 =	sadd.s32 @!p0 s3, s7;
	s7 =	simm.s32 @!p0 $0x108  }
0x21: {  	s3 =	sadd.s32 s3, s9;
	s6 =	sadd.s32 @!p0 $0x88, s6;
	s7 =	simm.s32 @p2 $0x1082  }
0x22: {  	[simem:s7], [sflag:s8] =	dma.local @!p0 [hbm:s6], $0xF7A  }
0x23: {  	s9 =	sor.u32 $0xD0000000, s2;
	s6 =	simm.s32 $0x108;
	_ =	swait.ge @!p0 [sflag:s8], $0x0  }
0x24: {  	s3 =	sadd.s32 $0x88, s3;
	s6 =	simm.s32 @!p1 $0x1082;
	[sflag:s4] =	ssyncset.s32 $0xFFFFF086  }
0x25: {  	[simem:s6], [sflag:s4] =	dma.local [hbm:s3], $0xF7A  }
0x26: {  	[smem:$0x3F97] =	sst s1;
	(tag) =	ssettag s2;
	_ =	strace s9  }
0x27: {  	s1 =	sld [smem:$0x3FA7]  }
0x28: {  	s2 =	sld [smem:$0x3FA8]  }
0x29: {  	s4 =	sld [smem:$0x3FAA]  }
0x2a: {  	p0 =	seq.s32 s5, $0x0;
	s5 =	sld [smem:$0x3FAB]  }
0x2b: {  	s6 =	sld [smem:$0x3FAC]  }
0x2c: {  	s7 =	sld [smem:$0x3FAD]  }
0x2d: {  	s3 =	simm.s32 $0x108;
	s8 =	sld [smem:$0x3FAE]  }
0x2e: {  	s3 =	simm.s32 @!p0 $0x1082;
	s9 =	sld [smem:$0x3FAF]  }
0x2f: {  	lr =	sadd.s32 s0, s3;
	s0 =	sld [smem:$0x3FA6]  }
0x30: {  	s3 =	sld [smem:$0x3FA9]  }
0x31: {  	[smem:$0x3FB2] =	sst s10  }
0x32: {  	s10 =	sld [smem:$0x3FB0];
	_ =	sdelay $0x3  }
0x33: {  	p0 =	seq.s32 s10, $0x1;
	s10 =	sld [smem:$0x3FB2];
	_ =	sdelay $0x3  }
0x34: {  	[smem:$0x3FB2] =	sst s10  }
0x35: {  	s10 =	sld [smem:$0x3FB1];
	_ =	sdelay $0x3  }
0x36: {  	p1 =	seq.s32 s10, $0x1;
	s10 =	sld [smem:$0x3FB2];
	_ =	sdelay $0x3  }
0x37: {  	[smem:$0x3FB2] =	sst s10  }
0x38: {  	s10 =	sld [smem:$0x3FB3]  }
0x39: {  	_ = 	snop;
	(pc) =	sbr.ind lr, $3  }
0x3a: {  	_ = 	snop  }
0x3b: {  	_ = 	snop  }
0x3c: {  	p2 =	seq.s32 s10, $0x1;
	s10 =	sld [smem:$0x3FB2]  }
0x3d: {  	_ =	shalt  }
0x3e: {  	_ =	shalt  }
0x3f: {  	_ =	shalt  }
0x40: {  	_ =	shalt  }
0x41: {  	_ =	shalt  }
0x42: {  	_ =	shalt  }
0x43: {  	_ =	shalt  }
0x44: {  	_ =	shalt  }
0x45: {  	_ =	shalt  }
0x46: {  	_ =	shalt  }
0x47: {  	_ =	shalt  }
0x48: {  	_ =	shalt  }
0x49: {  	_ =	shalt  }
0x4a: {  	_ =	shalt  }
0x4b: {  	_ =	shalt  }
0x4c: {  	_ =	shalt  }
0x4d: {  	_ =	shalt  }
0x4e: {  	_ =	shalt  }
0x4f: {  	_ =	shalt  }
0x50: {  	_ =	shalt  }
0x51: {  	_ =	shalt  }
0x52: {  	_ =	shalt  }
0x53: {  	_ =	shalt  }
0x54: {  	_ =	shalt  }
0x55: {  	_ =	shalt  }
0x56: {  	_ =	shalt  }
0x57: {  	_ =	shalt  }
0x58: {  	_ =	shalt  }
0x59: {  	_ =	shalt  }
0x5a: {  	_ =	shalt  }
0x5b: {  	_ =	shalt  }
0x5c: {  	_ =	shalt  }
0x5d: {  	_ =	shalt  }
0x5e: {  	_ =	shalt  }
0x5f: {  	_ =	shalt  }
0x60: {  	_ =	shalt  }
0x61: {  	_ =	shalt  }
0x62: {  	_ =	shalt  }
0x63: {  	_ =	shalt  }
0x64: {  	_ =	shalt  }
0x65: {  	_ =	shalt  }
0x66: {  	_ =	shalt  }
0x67: {  	_ =	shalt  }
0x68: {  	_ =	shalt  }
0x69: {  	_ =	shalt  }
0x6a: {  	_ =	shalt  }
0x6b: {  	_ =	shalt  }
0x6c: {  	_ =	shalt  }
0x6d: {  	_ =	shalt  }
0x6e: {  	_ =	shalt  }
0x6f: {  	_ =	shalt  }
0x70: {  	_ =	shalt  }
0x71: {  	_ =	shalt  }
0x72: {  	_ =	shalt  }
0x73: {  	_ =	shalt  }
0x74: {  	_ =	shalt  }
0x75: {  	_ =	shalt  }
0x76: {  	_ =	shalt  }
0x77: {  	_ =	shalt  }
0x78: {  	_ =	shalt  }
0x79: {  	_ =	shalt  }
0x7a: {  	_ =	shalt  }
0x7b: {  	_ =	shalt  }
0x7c: {  	_ =	shalt  }
0x7d: {  	_ =	shalt  }
0x7e: {  	_ =	shalt  }
0x7f: {  	_ =	shalt  }
0x80: {  	_ =	shalt  }
0x81: {  	_ =	shalt  }
0x82: {  	_ =	shalt  }
0x83: {  	_ =	shalt  }
0x84: {  	_ =	shalt  }
0x85: {  	_ =	shalt  }
0x86: {  	_ =	shalt  }
0x87: {  	_ =	shalt  }
.Lfunc_end0:
.L_simem_size_0:
called_computation_lowered:
.L_overlay_start_0:
0x88: {  	s2 =	sld [smem:$0x3FD9]  }
0x89: {  	s3 =	sld [smem:$0x3FFE];
	_ =	sdelay $0x1  }
0x8a: {  	s1 =	srdreg.scid  }
0x8b: {  	s0 =	sand.u32 $0x1, s1  }
0x8c: {  	s17 =	sshll.u32 s0, $0xA;
	s2 =	sadd.s32 s3, s2  }
0x8d: {  	s2 =	sadd.s32 s2, s17  }
0x8e: {  	[smem:$0x3FBE] =	sst s2  }
0x8f: {  	_ = 	snop  }
0x90: {  	s2 =	sld [smem:$0x3FD0];
	(tm) =	ssettm $0x1  }
0x91: {  	s18 =	sld [smem:$0x3FFB];
	_ =	sdelay $0x3  }
0x92: {  	_ =	strace s18  }
0x93: {  	s3 =	sld [smem:$0x3FFC];
	_ =	sdelay $0x3  }
0x94: {  	_ =	strace s3  }
0x95: {  	s3 =	sld [smem:$0x3FFD];
	_ =	sdelay $0x3  }
0x96: {  	_ =	strace s3  }
0x97: {  	_ =	strace $0x8FFFFFFF  }
0x98: {  	s19 =	sld [smem:$0x3FDB];
	_ =	sdelay $0x1  }
0x99: {  	s4 =	simm.s32 $_scs_section_size  }
0x9a: {  	s5 =	simm.s32 $_size__tile_overlayer_lowered;
	s6 =	simm.s32 $_tile_overlayer_lowered  }
0x9b: {  	s22 =	simm.s32 $0x1BFF;
	s21 =	sshll.u32 s6, $0x1;
	s3 =	sadd.s32 s4, s19  }
0x9c: {  	s7 =	simm.s32 $0x0;
	s20 =	sshll.u32 s5, $0x1;
	s5 =	sadd.s32 s21, s3  }
0x9d: {  	[timem:s7], [sflag:s22] =	dma.local [hbm:s5], s20  }
0x9e: {  	_ =	swait.ge [sflag:s22], s20  }
0x9f: {  	s4 =	ssub.s32 $0x0, s20;
	[sflag:s22] =	ssyncset.done $0x0  }
0xa0: {  	[sflag:s22] =	ssyncadd.s32 s4;
	_ =	sdelay $0x1  }
0xa1: {  	s23 =	simm.s32 $0x1B8B  }
0xa2: {  	_ =	swait.ge [sflag:s23], $0x1  }
0xa3: {  	[sflag:s23] =	ssyncset.done $0x0  }
0xa4: {  	s25 =	simm.s32 $0x1B8E;
	s24 =	sld [smem:$0x3FFE];
	[sflag:s23] =	ssyncadd.s32 $0xFFFFFFFF  }
0xa5: {  	s26 =	simm.s32 $execute0_lowered;
	[smem:$0x3FD2] =	sst s25  }
0xa6: {  	s5 =	sshll.u32 s26, $0x1;
	_ =	strace $0x80000046;
	[dreg:$0x1] =	wrdreg $0xFFFFFFFF  }
0xa7: {  	s28 =	simm.s32 $_size_execute0_lowered;
	s3 =	sadd.s32 s3, s5;
	[dreg:$0x0] =	wrdreg $0x0  }
0xa8: {  	s5 =	sshll.u32 s28, $0x1;
	[dreg:$0x2] =	wrdreg s3  }
0xa9: {  	[dreg:$0x3] =	wrdreg s5  }
0xaa: {  	[dreg:$0x4] =	wrdreg $0xC0  }
0xab: {  	_ =	task [dreg:s7], $0x5FFFF  }
0xac: {  	[dreg:$0x1] =	wrdreg $0xFFFFFFFF  }
0xad: {  	[dreg:$0x0] =	wrdreg $0x60  }
0xae: {  	[dreg:$0x2] =	wrdreg s2  }
0xaf: {  	[dreg:$0x3] =	wrdreg s24  }
0xb0: {  	[dreg:$0x4] =	wrdreg $0x100000  }
0xb1: {  	[dreg:$0x5] =	wrdreg $0x1B0000  }
0xb2: {  	[dreg:$0x6] =	wrdreg $0x9  }
0xb3: {  	_ =	task.clear_ibuf [dreg:s7], $0x7FFFF;
	_ =	strace $0x90000046  }
0xb4: {  	s29 =	simm.s32 $0x9;
	_ =	strace $0x80000048  }
0xb5: {  	_ =	swait.ge [sflag:s29], $0x1  }
0xb6: {  	[sflag:s29] =	ssyncadd.s32 $0xFFFFFFFF  }
0xb7: {  	_ =	strace $0x90000048  }
0xb8: {  	_ =	sfence  }
0xb9: {  	s30 =	sld [smem:$0x0];
	_ =	sdelay $0x2  }
0xba: {  	s31 =	sshll.u32 s1, $0xD;
	s1 =	sshrl.u32 s1, $0x2  }
0xbb: {  	s3 =	sand.u32 $0x4000, s31;
	s1 =	sadd.s32 s1, s30  }
0xbc: {  	s0 =	sor.u32 s3, s0;
	s1 =	sshll.u32 s1, $0x11  }
0xbd: {  	s0 =	sor.u32 s1, s0  }
0xbe: {  	s0 =	sadd.s32 $0x8F2B, s0  }
0xbf: {  	[sflag:s0] =	ssyncadd.remote.s32 $0x1  }
0xc0: {  	_ =	sfence.sel $0xFFFF  }
0xc1: {  	[dreg:$0x0] =	wrdreg $0xFFFFFFFF;
	(pc) =	sbr.abs _section_cstart, $3  }
0xc2: {  	[dreg:$0x1] =	wrdreg $0xFFFFFFFF  }
0xc3: {  	_ =	task.clear_ibuf [dreg:s7], $0x2FFFF;
	_ =	strace $0x9FFFFFFF  }
0xc4: {  	(tm) =	ssettm $0x7FFFFFFF  }
0xc5: {  	_ =	shalt  }
tec
execute0_lowered:
.L_overlay_start_1:
0x0: {  	(tag) =	ssettag $0x1  }
0x1: {  	s10 =	stileid.u32  }
0x2: {  	s19 =	rddreg [dreg:$0x1];
	s6 =	smul.u32 $0x5000, s10  }
0x3: {  	s0 =	simm.s32 $0x0;
	s2 =	srdreg.scid;
	s25 =	smul.u32 $0x280, s10  }
0x4: {  	[smem:$0x7FF] =	sst s0;
	s3 =	sand.u32 $0x1, s2;
	s20 =	smul.u32 $0xA000, s10  }
0x5: {  	s4 =	sadd.s32 $0x16400, s19;
	s8 =	sadd.s32 $0x34400, s19;
	s21 =	smul.u32 $0x2800, s10  }
0x6: {  	s5 =	smul.u32 $0x50000, s3;
	s2 =	ssub.s32 $0x2, s3;
	s7 =	sxor.u32 $0x1, s3  }
0x7: {  	s11 =	sadd.s32 $0x2A400, s19;
	s9 =	sshrl.u32 s2, $0x1;
	s7 =	smul.u32 $0x50000, s7  }
0x8: {  	s1 =	sadd.s32 $0x80, s25;
	s14 =	sadd.s32 $0x180, s25;
	s2 =	ssub.s32 s2, s9  }
0x9: {  	s5 =	sadd.s32 s6, s5;
	s9 =	sadd.s32 $0x200, s25;
	s16 =	sshll.u32 s14, $0x6  }
0xa: {  	s17 =	sshll.u32 s14, $0x4;
	s5 =	sshrl.u32 s5, $0x3;
	s6 =	sadd.s32 s6, s7  }
0xb: {  	s7 =	sshll.u32 s1, $0x6;
	s28 =	sshll.u32 s9, $0x6;
	s9 =	sshll.u32 s9, $0x4  }
0xc: {  	s5 =	sadd.s32 s4, s5;
	s26 =	sshrl.u32 s6, $0x3;
	s6 =	smul.u32 $0xA0000, s3  }
0xd: {  	s3 =	smul.u32 $0x28000, s3;
	[dreg:$0x5] =	wrdreg s5;
	s4 =	sadd.s32 s4, s26  }
0xe: {  	s2 =	smax.u32 s2, $0x1;
	s5 =	sshll.u32 s1, $0x4;
	[dreg:$0x6] =	wrdreg s4  }
0xf: {  	s4 =	sadd.s32 $0x100, s25;
	s23 =	sadd.s32 s20, s6;
	s15 =	sadd.s32 s21, s3  }
0x10: {  	s18 =	sadd.s32 s6, s7;
	s26 =	sadd.s32 s3, s5;
	s10 =	sadd.s32 s6, s28  }
0x11: {  	s12 =	sshll.u32 s4, $0x6;
	s13 =	sshll.u32 s4, $0x4;
	s14 =	sshrl.u32 s23, $0x3  }
0x12: {  	s15 =	sshrl.u32 s15, $0x3;
	s25 =	sshrl.u32 s18, $0x3;
	s23 =	sadd.s32 s6, s16  }
0x13: {  	s10 =	sshrl.u32 s10, $0x3;
	s18 =	sadd.s32 $0x2400, s19;
	s30 =	sadd.s32 s8, s14  }
0x14: {  	s24 =	sadd.s32 s11, s15;
	s31 =	sadd.s32 s8, s25;
	s22 =	sadd.s32 s6, s12  }
0x15: {  	s4 =	sadd.s32 s8, s10;
	s25 =	sadd.s32 s3, s13;
	s14 =	sshrl.u32 s26, $0x3  }
0x16: {  	s10 =	rddreg [dreg:$0x0];
	s26 =	sadd.s32 s3, s17;
	s3 =	sadd.s32 s3, s9  }
0x17: {  	[dreg:$0x8] =	wrdreg s24;
	s15 =	sshrl.u32 s22, $0x3;
	s14 =	sadd.s32 s11, s14  }
0x18: {  	s24 =	sshrl.u32 s23, $0x3;
	s1 =	sadd.s32 s8, s15;
	[dreg:$0xd] =	wrdreg s14  }
0x19: {  	s6 =	sadd.s32 s8, s24;
	s8 =	sshrl.u32 s25, $0x3;
	s14 =	rddreg [dreg:$0x2]  }
0x1a: {  	s3 =	sshrl.u32 s3, $0x3;
	s15 =	rddreg [dreg:$0x3];
	s8 =	sadd.s32 s11, s8  }
0x1b: {  	s3 =	sadd.s32 s11, s3;
	[dreg:$0xe] =	wrdreg s8;
	s8 =	sshrl.u32 s26, $0x3  }
0x1c: {  	[dreg:$0x10] =	wrdreg s3;
	s19 =	sadd.s32 s20, s14;
	s8 =	sadd.s32 s11, s8  }
0x1d: {  	s20 =	sadd.s32 s21, s15;
	s21 =	sadd.s32 s7, s14;
	[dreg:$0xf] =	wrdreg s8  }
0x1e: {  	s22 =	sadd.s32 s5, s15;
	_ =	strace $0x80000047;
	[dreg:$0x11] =	wrdreg s2  }
0x1f: {  	s23 =	sadd.s32 s12, s14;
	s12 =	sadd.s32 $0x28000, s30;
	[dreg:$0x7] =	wrdreg s30  }
0x20: {  	s24 =	sadd.s32 s13, s15;
	s25 =	sadd.s32 s16, s14;
	[dreg:$0x12] =	wrdreg s12  }
0x21: {  	s28 =	sadd.s32 s28, s14;
	s13 =	sadd.s32 $0x28000, s31;
	[dreg:$0x9] =	wrdreg s31  }
0x22: {  	s29 =	sadd.s32 s9, s15;
	s16 =	sadd.s32 $0x28000, s6;
	[dreg:$0x13] =	wrdreg s13  }
0x23: {  	s5 =	simm.s32 $0x3;
	s7 =	simm.s32 $0xC000;
	[dreg:$0xa] =	wrdreg s1  }
0x24: {  	s9 =	simm.s32 $0x2;
	s26 =	sadd.s32 s17, s15;
	[dreg:$0xb] =	wrdreg s6  }
0x25: {  	s17 =	sadd.s32 $0x28000, s4;
	s11 =	simm.s32 $0x80;
	[dreg:$0x15] =	wrdreg s16  }
0x26: {  	s8 =	simm.s32 $0x1;
	s1 =	sadd.s32 $0x28000, s1;
	[dreg:$0xc] =	wrdreg s4  }
0x27: {  	[dreg:$0x16] =	wrdreg s17;
	s4 =	simm.s32 $0xE000;
	s6 =	simm.s32 $0x1A800  }
0x28: {  	s12 =	simm.s32 $0xA000;
	s16 =	simm.s32 $0x1A000;
	s17 =	simm.s32 $0x9F00  }
0x29: {  	v0 =	vimm.f32 $0.0e+00;
	v1 =	vimm.f32 $1.000000000e+00;
	s30 =	simm.s32 $0x9F80;
	s31 =	simm.s32 $0x0;
	[dreg:$0x14] =	wrdreg s1  }
.LBB2_1:
0x2a: {  	s13 =	simm.s32 $0xE020  }
0x2b: {  	[tilespmem:s13+$0xFFFFFFE0] =	vst v0  }
0x2c: {  	[tilespmem:s13+$0x10] =	vst v0  }
0x2d: {  	[tilespmem:s13+$0x0] =	vst v0  }
0x2e: {  	s1 =	simm.s32 $0x40;
	s2 =	simm.s32 $0x0;
	[tilespmem:s13+$0xFFFFFFF0] =	vst v0  }
.LBB2_2:
0x2f: {  	p0 =	sne.s32 s1, $0x1FC0  }
0x30: {  	[tilespmem:s2+$0x1A000] =	vst v1;
	s13 =	sadd.s32 $0x40, s13;
	s3 =	smov.u32 s1;
	s1 =	sadd.s32 $0x40, s1  }
.Ltmp0:
0x31: {  	[tilespmem:s2+$0x1A800] =	vst v0;
	(pc) =	sbr.rel @p0 .LBB2_2-.Ltmp0, $4  }
0x32: {  	[tilespmem:s13+$0xFFFFFFE0] =	vst v0  }
0x33: {  	[tilespmem:s13+$0x10] =	vst v0  }
0x34: {  	[tilespmem:s13+$0x0] =	vst v0  }
0x35: {  	s2 =	sshra.s32 s3, $0x2;
	[tilespmem:s13+$0xFFFFFFF0] =	vst v0  }
0x36: {  	[tilespmem:s2+$0x1A000] =	vst v1  }
0x37: {  	[tilespmem:s2+$0x1A800] =	vst v0;
	s1 =	simm.s32 $0x0;
	s3 =	rddreg [dreg:$0x5]  }
0x38: {  	[tilespmem:s1], [sflag:$0x3] =	stream.linear.gather [hbm4b:s3+s1], $0x5000, $0x38;
	[tilespmem:$0x1D800] =	vst v63  }
0x39: {  	_ =	swait.ge [sflag:s5], $0x5000  }
0x3a: {  	[sflag:s5] =	ssyncset.done $0x0  }
0x3b: {  	s3 =	simm.s32 $0x5000;
	s13 =	rddreg [dreg:$0x6];
	[sflag:s5] =	ssyncadd.s32 $0xFFFFB000  }
0x3c: {  	[tilespmem:s3], [sflag:$0x3] =	stream.linear.gather [hbm4b:s13+s1], $0x5000, $0x38;
	[tilespmem:$0x1D800] =	vst v63  }
0x3d: {  	_ =	swait.ge [sflag:s5], $0x5000  }
0x3e: {  	[sflag:s5] =	ssyncset.done $0x0  }
0x3f: {  	[sflag:s5] =	ssyncadd.s32 $0xFFFFB000  }
0x40: {  	[spmem:s19] =	stream.linear.scatter [tilespmem:s4], [sflag:$0x3], $0x2000, $0x38;
	[tilespmem:$0x1D800] =	vst v63  }
0x41: {  	_ =	swait.ge [sflag:s5], $0x2000  }
0x42: {  	[sflag:s5] =	ssyncset.done $0x0  }
0x43: {  	[sflag:s5] =	ssyncadd.s32 $0xFFFFE000  }
0x44: {  	[spmem:s20] =	stream.linear.scatter [tilespmem:s6], [sflag:$0x3], $0x800, $0x38;
	[tilespmem:$0x1D800] =	vst v63  }
0x45: {  	_ =	swait.ge [sflag:s5], $0x800  }
0x46: {  	[sflag:s5] =	ssyncset.done $0x0  }
0x47: {  	[sflag:s5] =	ssyncadd.s32 $0xFFFFF800  }
0x48: {  	[spmem:s21] =	stream.linear.scatter [tilespmem:s4], [sflag:$0x3], $0x2000, $0x38;
	[tilespmem:$0x1D800] =	vst v63  }
0x49: {  	_ =	swait.ge [sflag:s5], $0x2000  }
0x4a: {  	[sflag:s5] =	ssyncset.done $0x0  }
0x4b: {  	[sflag:s5] =	ssyncadd.s32 $0xFFFFE000  }
0x4c: {  	[spmem:s22] =	stream.linear.scatter [tilespmem:s6], [sflag:$0x3], $0x800, $0x38;
	[tilespmem:$0x1D800] =	vst v63  }
0x4d: {  	_ =	swait.ge [sflag:s5], $0x800  }
0x4e: {  	[sflag:s5] =	ssyncset.done $0x0  }
0x4f: {  	[sflag:s5] =	ssyncadd.s32 $0xFFFFF800  }
0x50: {  	[spmem:s23] =	stream.linear.scatter [tilespmem:s4], [sflag:$0x3], $0x2000, $0x38;
	[tilespmem:$0x1D800] =	vst v63  }
0x51: {  	_ =	swait.ge [sflag:s5], $0x2000  }
0x52: {  	[sflag:s5] =	ssyncset.done $0x0  }
0x53: {  	[sflag:s5] =	ssyncadd.s32 $0xFFFFE000  }
0x54: {  	[spmem:s24] =	stream.linear.scatter [tilespmem:s6], [sflag:$0x3], $0x800, $0x38;
	[tilespmem:$0x1D800] =	vst v63  }
0x55: {  	_ =	swait.ge [sflag:s5], $0x800  }
0x56: {  	[sflag:s5] =	ssyncset.done $0x0  }
0x57: {  	[sflag:s5] =	ssyncadd.s32 $0xFFFFF800  }
0x58: {  	[spmem:s25] =	stream.linear.scatter [tilespmem:s4], [sflag:$0x3], $0x2000, $0x38;
	[tilespmem:$0x1D800] =	vst v63  }
0x59: {  	_ =	swait.ge [sflag:s5], $0x2000  }
0x5a: {  	[sflag:s5] =	ssyncset.done $0x0  }
0x5b: {  	[sflag:s5] =	ssyncadd.s32 $0xFFFFE000  }
0x5c: {  	[spmem:s26] =	stream.linear.scatter [tilespmem:s6], [sflag:$0x3], $0x800, $0x38;
	[tilespmem:$0x1D800] =	vst v63  }
0x5d: {  	_ =	swait.ge [sflag:s5], $0x800  }
0x5e: {  	[sflag:s5] =	ssyncset.done $0x0  }
0x5f: {  	[sflag:s5] =	ssyncadd.s32 $0xFFFFF800  }
0x60: {  	[spmem:s28] =	stream.linear.scatter [tilespmem:s4], [sflag:$0x3], $0x2000, $0x38;
	[tilespmem:$0x1D800] =	vst v63  }
0x61: {  	_ =	swait.ge [sflag:s5], $0x2000  }
0x62: {  	[sflag:s5] =	ssyncset.done $0x0  }
0x63: {  	[sflag:s5] =	ssyncadd.s32 $0xFFFFE000  }
0x64: {  	[spmem:s29] =	stream.linear.scatter [tilespmem:s6], [sflag:$0x3], $0x800, $0x38;
	[tilespmem:$0x1D800] =	vst v63  }
0x65: {  	_ =	swait.ge [sflag:s5], $0x800  }
0x66: {  	[sflag:s5] =	ssyncset.done $0x0  }
0x67: {  	[sflag:s5] =	ssyncadd.s32 $0xFFFFF800  }
0x68: {  	[bflag:$0x0] =	sbarrier.arrive $0xFFFF  }
0x69: {  	[tilespmem:s12], [sflag:$0x1] =	stream.indirect.gather [hbm4b:s10+s11], $0x40, s1, s11, $0xb8;
	[tilespmem:$0x1D800] =	vst v63  }
0x6a: {  	_ = 	snop  }
0x6b: {  	[tilespmem:s7], [sflag:$0x2] =	stream.indirect.gather [hbm4b:s10+s11], $0x40, s11, s11, $0xb8;
	[tilespmem:$0x1D800] =	vst v63  }
0x6c: {  	_ =	swait.ge [sflag:s8], $0x2000  }
0x6d: {  	[sflag:s8] =	ssyncset.done $0x0  }
0x6e: {  	s2 =	simm.s32 $0x5000;
	[sflag:s8] =	ssyncadd.s32 $0xFFFFE000  }
0x6f: {  	[spmem:s14] =	stream.indirect.scatter.add.f32 [tilespmem:s12], [sflag:$0x3], $0x40, s2, s11, $0xb8;
	[tilespmem:$0x1D800] =	vst v63  }
0x70: {  	_ =	swait.ge [sflag:s5], $0x2000  }
0x71: {  	[sflag:s5] =	ssyncset.done $0x0  }
0x72: {  	[sflag:s5] =	ssyncadd.s32 $0xFFFFE000  }
0x73: {  	[spmem:s15] =	stream.indirect.scatter.add.f32 [tilespmem:s16], [sflag:$0x3], $0x10, s2, s11, $0xb8;
	[tilespmem:$0x1D800] =	vst v63  }
0x74: {  	_ =	swait.ge [sflag:s5], $0x800  }
0x75: {  	[sflag:s5] =	ssyncset.done $0x0  }
0x76: {  	s3 =	simm.s32 $0x100;
	[sflag:s5] =	ssyncadd.s32 $0xFFFFF800  }
0x77: {  	[tilespmem:s12], [sflag:$0x1] =	stream.indirect.gather [hbm4b:s10+s11], $0x40, s3, s11, $0xb8;
	[tilespmem:$0x1D800] =	vst v63  }
0x78: {  	_ =	swait.ge [sflag:s9], $0x2000  }
0x79: {  	[sflag:s9] =	ssyncset.done $0x0  }
0x7a: {  	s13 =	simm.s32 $0x5080;
	[sflag:s9] =	ssyncadd.s32 $0xFFFFE000  }
0x7b: {  	[spmem:s14] =	stream.indirect.scatter.add.f32 [tilespmem:s7], [sflag:$0x3], $0x40, s13, s11, $0xb8;
	[tilespmem:$0x1D800] =	vst v63  }
0x7c: {  	_ =	swait.ge [sflag:s5], $0x2000  }
0x7d: {  	[sflag:s5] =	ssyncset.done $0x0  }
0x7e: {  	[sflag:s5] =	ssyncadd.s32 $0xFFFFE000  }
0x7f: {  	[spmem:s15] =	stream.indirect.scatter.add.f32 [tilespmem:s16], [sflag:$0x3], $0x10, s13, s11, $0xb8;
	[tilespmem:$0x1D800] =	vst v63  }
0x80: {  	_ =	swait.ge [sflag:s5], $0x800  }
0x81: {  	[sflag:s5] =	ssyncset.done $0x0  }
0x82: {  	s1 =	simm.s32 $0x180;
	s13 =	simm.s32 $0x400;
	[sflag:s5] =	ssyncadd.s32 $0xFFFFF800  }
.LBB2_4:
0x83: {  	[tilespmem:s7], [sflag:$0x2] =	stream.indirect.gather [hbm4b:s10+s11], $0x40, s1, s11, $0xb8;
	[tilespmem:$0x1D800] =	vst v63  }
0x84: {  	s1 =	smov.u32 s13  }
0x85: {  	p0 =	sne.s32 s13, $0x13800;
	s13 =	sadd.s32 $0x400, s13;
	_ =	swait.ge [sflag:s8], $0x2000  }
0x86: {  	s1 =	sshra.s32 s1, $0x2;
	[sflag:s8] =	ssyncset.done $0x0  }
0x87: {  	s2 =	sadd.s32 $0x5000, s1;
	[sflag:s8] =	ssyncadd.s32 $0xFFFFE000  }
0x88: {  	[spmem:s14] =	stream.indirect.scatter.add.f32 [tilespmem:s12], [sflag:$0x3], $0x40, s2, s11, $0xb8;
	[tilespmem:$0x1D800] =	vst v63  }
0x89: {  	_ =	swait.ge [sflag:s5], $0x2000  }
0x8a: {  	[sflag:s5] =	ssyncset.done $0x0  }
0x8b: {  	[sflag:s5] =	ssyncadd.s32 $0xFFFFE000  }
0x8c: {  	[spmem:s15] =	stream.indirect.scatter.add.f32 [tilespmem:s16], [sflag:$0x3], $0x10, s2, s11, $0xb8;
	[tilespmem:$0x1D800] =	vst v63  }
0x8d: {  	_ =	swait.ge [sflag:s5], $0x800  }
0x8e: {  	[sflag:s5] =	ssyncset.done $0x0  }
0x8f: {  	s2 =	sadd.s32 $0x100, s1;
	[sflag:s5] =	ssyncadd.s32 $0xFFFFF800  }
0x90: {  	[tilespmem:s12], [sflag:$0x1] =	stream.indirect.gather [hbm4b:s10+s11], $0x40, s2, s11, $0xb8;
	[tilespmem:$0x1D800] =	vst v63  }
0x91: {  	_ =	swait.ge [sflag:s9], $0x2000  }
0x92: {  	[sflag:s9] =	ssyncset.done $0x0  }
0x93: {  	s2 =	sadd.s32 $0x5080, s1;
	[sflag:s9] =	ssyncadd.s32 $0xFFFFE000  }
0x94: {  	[spmem:s14] =	stream.indirect.scatter.add.f32 [tilespmem:s7], [sflag:$0x3], $0x40, s2, s11, $0xb8;
	[tilespmem:$0x1D800] =	vst v63  }
0x95: {  	_ =	swait.ge [sflag:s5], $0x2000  }
0x96: {  	[sflag:s5] =	ssyncset.done $0x0  }
.Ltmp1:
0x97: {  	[sflag:s5] =	ssyncadd.s32 $0xFFFFE000;
	(pc) =	sbr.rel @p0 .LBB2_4-.Ltmp1, $4  }
0x98: {  	[spmem:s15] =	stream.indirect.scatter.add.f32 [tilespmem:s16], [sflag:$0x3], $0x10, s2, s11, $0xb8;
	[tilespmem:$0x1D800] =	vst v63  }
0x99: {  	_ =	swait.ge [sflag:s5], $0x800  }
0x9a: {  	[sflag:s5] =	ssyncset.done $0x0  }
0x9b: {  	s1 =	sadd.s32 $0x180, s1;
	[sflag:s5] =	ssyncadd.s32 $0xFFFFF800  }
0x9c: {  	[tilespmem:s7], [sflag:$0x2] =	stream.indirect.gather [hbm4b:s10+s11], $0x40, s1, s11, $0xb8;
	[tilespmem:$0x1D800] =	vst v63  }
0x9d: {  	_ =	swait.ge [sflag:s8], $0x2000  }
0x9e: {  	[sflag:s8] =	ssyncset.done $0x0  }
0x9f: {  	[sflag:s8] =	ssyncadd.s32 $0xFFFFE000  }
0xa0: {  	[spmem:s14] =	stream.indirect.scatter.add.f32 [tilespmem:s12], [sflag:$0x3], $0x40, s17, s11, $0xb8;
	[tilespmem:$0x1D800] =	vst v63  }
0xa1: {  	_ =	swait.ge [sflag:s5], $0x2000  }
0xa2: {  	[sflag:s5] =	ssyncset.done $0x0  }
0xa3: {  	[sflag:s5] =	ssyncadd.s32 $0xFFFFE000  }
0xa4: {  	[spmem:s15] =	stream.indirect.scatter.add.f32 [tilespmem:s16], [sflag:$0x3], $0x10, s17, s11, $0xb8;
	[tilespmem:$0x1D800] =	vst v63  }
0xa5: {  	_ =	swait.ge [sflag:s5], $0x800  }
0xa6: {  	[sflag:s5] =	ssyncset.done $0x0  }
0xa7: {  	[sflag:s5] =	ssyncadd.s32 $0xFFFFF800  }
0xa8: {  	_ =	swait.ge [sflag:s9], $0x2000  }
0xa9: {  	[sflag:s9] =	ssyncset.done $0x0  }
0xaa: {  	[sflag:s9] =	ssyncadd.s32 $0xFFFFE000  }
0xab: {  	[spmem:s14] =	stream.indirect.scatter.add.f32 [tilespmem:s7], [sflag:$0x3], $0x40, s30, s11, $0xb8;
	[tilespmem:$0x1D800] =	vst v63  }
0xac: {  	_ =	swait.ge [sflag:s5], $0x2000  }
0xad: {  	[sflag:s5] =	ssyncset.done $0x0  }
0xae: {  	[sflag:s5] =	ssyncadd.s32 $0xFFFFE000  }
0xaf: {  	[spmem:s15] =	stream.indirect.scatter.add.f32 [tilespmem:s16], [sflag:$0x3], $0x10, s30, s11, $0xb8;
	[tilespmem:$0x1D800] =	vst v63  }
0xb0: {  	_ =	swait.ge [sflag:s5], $0x800  }
0xb1: {  	[sflag:s5] =	ssyncset.done $0x0  }
0xb2: {  	[sflag:s5] =	ssyncadd.s32 $0xFFFFF800  }
0xb3: {  	[bflag:$0x0] =	sbarrier.arrive $0xFFFF  }
0xb4: {  	[tilespmem:s12], [sflag:$0x3] =	stream.linear.gather [spmem:s19], $0x2000, $0x38;
	[tilespmem:$0x1D800] =	vst v63  }
0xb5: {  	_ =	swait.ge [sflag:s5], $0x2000  }
0xb6: {  	[sflag:s5] =	ssyncset.done $0x0  }
0xb7: {  	s13 =	simm.s32 $0x0;
	s2 =	rddreg [dreg:$0x7];
	[sflag:s5] =	ssyncadd.s32 $0xFFFFE000  }
0xb8: {  	[hbm4b:s2+s13] =	stream.linear.scatter [tilespmem:s12], [sflag:$0x3], $0x2000, $0x38;
	[tilespmem:$0x1D800] =	vst v63  }
0xb9: {  	_ =	swait.ge [sflag:s5], $0x2000  }
0xba: {  	[sflag:s5] =	ssyncset.done $0x0  }
0xbb: {  	[sflag:s5] =	ssyncadd.s32 $0xFFFFE000  }
0xbc: {  	[tilespmem:s6], [sflag:$0x3] =	stream.linear.gather [spmem:s20], $0x800, $0x38;
	[tilespmem:$0x1D800] =	vst v63  }
0xbd: {  	_ =	swait.ge [sflag:s5], $0x800  }
0xbe: {  	[sflag:s5] =	ssyncset.done $0x0  }
0xbf: {  	s3 =	rddreg [dreg:$0x8];
	[sflag:s5] =	ssyncadd.s32 $0xFFFFF800  }
0xc0: {  	[hbm4b:s3+s13] =	stream.linear.scatter [tilespmem:s6], [sflag:$0x3], $0x800, $0x38;
	[tilespmem:$0x1D800] =	vst v63  }
0xc1: {  	_ =	swait.ge [sflag:s5], $0x800  }
0xc2: {  	[sflag:s5] =	ssyncset.done $0x0  }
0xc3: {  	[sflag:s5] =	ssyncadd.s32 $0xFFFFF800  }
0xc4: {  	[tilespmem:s12], [sflag:$0x3] =	stream.linear.gather [spmem:s21], $0x2000, $0x38;
	[tilespmem:$0x1D800] =	vst v63  }
0xc5: {  	_ =	swait.ge [sflag:s5], $0x2000  }
0xc6: {  	[sflag:s5] =	ssyncset.done $0x0  }
0xc7: {  	s2 =	rddreg [dreg:$0x9];
	[sflag:s5] =	ssyncadd.s32 $0xFFFFE000  }
0xc8: {  	[hbm4b:s2+s13] =	stream.linear.scatter [tilespmem:s12], [sflag:$0x3], $0x2000, $0x38;
	[tilespmem:$0x1D800] =	vst v63  }
0xc9: {  	_ =	swait.ge [sflag:s5], $0x2000  }
0xca: {  	[sflag:s5] =	ssyncset.done $0x0  }
0xcb: {  	[sflag:s5] =	ssyncadd.s32 $0xFFFFE000  }
0xcc: {  	[tilespmem:s6], [sflag:$0x3] =	stream.linear.gather [spmem:s22], $0x800, $0x38;
	[tilespmem:$0x1D800] =	vst v63  }
0xcd: {  	_ =	swait.ge [sflag:s5], $0x800  }
0xce: {  	[sflag:s5] =	ssyncset.done $0x0  }
0xcf: {  	s3 =	rddreg [dreg:$0xd];
	[sflag:s5] =	ssyncadd.s32 $0xFFFFF800  }
0xd0: {  	[hbm4b:s3+s13] =	stream.linear.scatter [tilespmem:s6], [sflag:$0x3], $0x800, $0x38;
	[tilespmem:$0x1D800] =	vst v63  }
0xd1: {  	_ =	swait.ge [sflag:s5], $0x800  }
0xd2: {  	[sflag:s5] =	ssyncset.done $0x0  }
0xd3: {  	[sflag:s5] =	ssyncadd.s32 $0xFFFFF800  }
0xd4: {  	[tilespmem:s12], [sflag:$0x3] =	stream.linear.gather [spmem:s23], $0x2000, $0x38;
	[tilespmem:$0x1D800] =	vst v63  }
0xd5: {  	_ =	swait.ge [sflag:s5], $0x2000  }
0xd6: {  	[sflag:s5] =	ssyncset.done $0x0  }
0xd7: {  	s2 =	rddreg [dreg:$0xa];
	[sflag:s5] =	ssyncadd.s32 $0xFFFFE000  }
0xd8: {  	[hbm4b:s2+s13] =	stream.linear.scatter [tilespmem:s12], [sflag:$0x3], $0x2000, $0x38;
	[tilespmem:$0x1D800] =	vst v63  }
0xd9: {  	_ =	swait.ge [sflag:s5], $0x2000  }
0xda: {  	[sflag:s5] =	ssyncset.done $0x0  }
0xdb: {  	[sflag:s5] =	ssyncadd.s32 $0xFFFFE000  }
0xdc: {  	[tilespmem:s6], [sflag:$0x3] =	stream.linear.gather [spmem:s24], $0x800, $0x38;
	[tilespmem:$0x1D800] =	vst v63  }
0xdd: {  	_ =	swait.ge [sflag:s5], $0x800  }
0xde: {  	[sflag:s5] =	ssyncset.done $0x0  }
0xdf: {  	s3 =	rddreg [dreg:$0xe];
	[sflag:s5] =	ssyncadd.s32 $0xFFFFF800  }
0xe0: {  	[hbm4b:s3+s13] =	stream.linear.scatter [tilespmem:s6], [sflag:$0x3], $0x800, $0x38;
	[tilespmem:$0x1D800] =	vst v63  }
0xe1: {  	_ =	swait.ge [sflag:s5], $0x800  }
0xe2: {  	[sflag:s5] =	ssyncset.done $0x0  }
0xe3: {  	[sflag:s5] =	ssyncadd.s32 $0xFFFFF800  }
0xe4: {  	[tilespmem:s12], [sflag:$0x3] =	stream.linear.gather [spmem:s25], $0x2000, $0x38;
	[tilespmem:$0x1D800] =	vst v63  }
0xe5: {  	_ =	swait.ge [sflag:s5], $0x2000  }
0xe6: {  	[sflag:s5] =	ssyncset.done $0x0  }
0xe7: {  	s2 =	rddreg [dreg:$0xb];
	[sflag:s5] =	ssyncadd.s32 $0xFFFFE000  }
0xe8: {  	[hbm4b:s2+s13] =	stream.linear.scatter [tilespmem:s12], [sflag:$0x3], $0x2000, $0x38;
	[tilespmem:$0x1D800] =	vst v63  }
0xe9: {  	_ =	swait.ge [sflag:s5], $0x2000  }
0xea: {  	[sflag:s5] =	ssyncset.done $0x0  }
0xeb: {  	[sflag:s5] =	ssyncadd.s32 $0xFFFFE000  }
0xec: {  	[tilespmem:s6], [sflag:$0x3] =	stream.linear.gather [spmem:s26], $0x800, $0x38;
	[tilespmem:$0x1D800] =	vst v63  }
0xed: {  	_ =	swait.ge [sflag:s5], $0x800  }
0xee: {  	[sflag:s5] =	ssyncset.done $0x0  }
0xef: {  	s3 =	rddreg [dreg:$0xf];
	[sflag:s5] =	ssyncadd.s32 $0xFFFFF800  }
0xf0: {  	[hbm4b:s3+s13] =	stream.linear.scatter [tilespmem:s6], [sflag:$0x3], $0x800, $0x38;
	[tilespmem:$0x1D800] =	vst v63  }
0xf1: {  	_ =	swait.ge [sflag:s5], $0x800  }
0xf2: {  	[sflag:s5] =	ssyncset.done $0x0  }
0xf3: {  	[sflag:s5] =	ssyncadd.s32 $0xFFFFF800  }
0xf4: {  	[tilespmem:s12], [sflag:$0x3] =	stream.linear.gather [spmem:s28], $0x2000, $0x38;
	[tilespmem:$0x1D800] =	vst v63  }
0xf5: {  	_ =	swait.ge [sflag:s5], $0x2000  }
0xf6: {  	[sflag:s5] =	ssyncset.done $0x0  }
0xf7: {  	s2 =	rddreg [dreg:$0xc];
	[sflag:s5] =	ssyncadd.s32 $0xFFFFE000  }
0xf8: {  	[hbm4b:s2+s13] =	stream.linear.scatter [tilespmem:s12], [sflag:$0x3], $0x2000, $0x38;
	[tilespmem:$0x1D800] =	vst v63  }
0xf9: {  	_ =	swait.ge [sflag:s5], $0x2000  }
0xfa: {  	[sflag:s5] =	ssyncset.done $0x0  }
0xfb: {  	[sflag:s5] =	ssyncadd.s32 $0xFFFFE000  }
0xfc: {  	[tilespmem:s6], [sflag:$0x3] =	stream.linear.gather [spmem:s29], $0x800, $0x38;
	[tilespmem:$0x1D800] =	vst v63  }
0xfd: {  	_ =	swait.ge [sflag:s5], $0x800  }
0xfe: {  	[sflag:s5] =	ssyncset.done $0x0  }
0xff: {  	s3 =	rddreg [dreg:$0x10];
	[sflag:s5] =	ssyncadd.s32 $0xFFFFF800  }
0x100: {  	[hbm4b:s3+s13] =	stream.linear.scatter [tilespmem:s6], [sflag:$0x3], $0x800, $0x38;
	[tilespmem:$0x1D800] =	vst v63  }
0x101: {  	_ =	swait.ge [sflag:s5], $0x800  }
0x102: {  	[sflag:s5] =	ssyncset.done $0x0  }
0x103: {  	[sflag:s5] =	ssyncadd.s32 $0xFFFFF800  }
0x104: {  	[spmem:s19] =	stream.linear.scatter [tilespmem:s4], [sflag:$0x3], $0x2000, $0x38;
	[tilespmem:$0x1D800] =	vst v63  }
0x105: {  	_ =	swait.ge [sflag:s5], $0x2000  }
0x106: {  	[sflag:s5] =	ssyncset.done $0x0  }
0x107: {  	[sflag:s5] =	ssyncadd.s32 $0xFFFFE000  }
0x108: {  	[spmem:s21] =	stream.linear.scatter [tilespmem:s4], [sflag:$0x3], $0x2000, $0x38;
	[tilespmem:$0x1D800] =	vst v63  }
0x109: {  	_ =	swait.ge [sflag:s5], $0x2000  }
0x10a: {  	[sflag:s5] =	ssyncset.done $0x0  }
0x10b: {  	[sflag:s5] =	ssyncadd.s32 $0xFFFFE000  }
0x10c: {  	[spmem:s23] =	stream.linear.scatter [tilespmem:s4], [sflag:$0x3], $0x2000, $0x38;
	[tilespmem:$0x1D800] =	vst v63  }
0x10d: {  	_ =	swait.ge [sflag:s5], $0x2000  }
0x10e: {  	[sflag:s5] =	ssyncset.done $0x0  }
0x10f: {  	[sflag:s5] =	ssyncadd.s32 $0xFFFFE000  }
0x110: {  	[spmem:s25] =	stream.linear.scatter [tilespmem:s4], [sflag:$0x3], $0x2000, $0x38;
	[tilespmem:$0x1D800] =	vst v63  }
0x111: {  	_ =	swait.ge [sflag:s5], $0x2000  }
0x112: {  	[sflag:s5] =	ssyncset.done $0x0  }
0x113: {  	[sflag:s5] =	ssyncadd.s32 $0xFFFFE000  }
0x114: {  	[spmem:s28] =	stream.linear.scatter [tilespmem:s4], [sflag:$0x3], $0x2000, $0x38;
	[tilespmem:$0x1D800] =	vst v63  }
0x115: {  	_ =	swait.ge [sflag:s5], $0x2000  }
0x116: {  	[sflag:s5] =	ssyncset.done $0x0  }
0x117: {  	[sflag:s5] =	ssyncadd.s32 $0xFFFFE000  }
0x118: {  	[bflag:$0x0] =	sbarrier.arrive $0xFFFF  }
0x119: {  	[tilespmem:s12], [sflag:$0x1] =	stream.indirect.gather [hbm4b:s18+s11], $0x40, s13, s11, $0xb8;
	[tilespmem:$0x1D800] =	vst v63  }
0x11a: {  	_ = 	snop  }
0x11b: {  	[tilespmem:s7], [sflag:$0x2] =	stream.indirect.gather [hbm4b:s18+s11], $0x40, s11, s11, $0xb8;
	[tilespmem:$0x1D800] =	vst v63  }
0x11c: {  	_ =	swait.ge [sflag:s8], $0x2000  }
0x11d: {  	[sflag:s8] =	ssyncset.done $0x0  }
0x11e: {  	s2 =	simm.s32 $0x5000;
	[sflag:s8] =	ssyncadd.s32 $0xFFFFE000  }
0x11f: {  	[spmem:s14] =	stream.indirect.scatter.add.f32 [tilespmem:s12], [sflag:$0x3], $0x40, s2, s11, $0xb8;
	[tilespmem:$0x1D800] =	vst v63  }
0x120: {  	_ =	swait.ge [sflag:s5], $0x2000  }
0x121: {  	[sflag:s5] =	ssyncset.done $0x0  }
0x122: {  	s3 =	simm.s32 $0x100;
	[sflag:s5] =	ssyncadd.s32 $0xFFFFE000  }
0x123: {  	[tilespmem:s12], [sflag:$0x1] =	stream.indirect.gather [hbm4b:s18+s11], $0x40, s3, s11, $0xb8;
	[tilespmem:$0x1D800] =	vst v63  }
0x124: {  	_ =	swait.ge [sflag:s9], $0x2000  }
0x125: {  	[sflag:s9] =	ssyncset.done $0x0  }
0x126: {  	s13 =	simm.s32 $0x5080;
	[sflag:s9] =	ssyncadd.s32 $0xFFFFE000  }
0x127: {  	[spmem:s14] =	stream.indirect.scatter.add.f32 [tilespmem:s7], [sflag:$0x3], $0x40, s13, s11, $0xb8;
	[tilespmem:$0x1D800] =	vst v63  }
0x128: {  	_ =	swait.ge [sflag:s5], $0x2000  }
0x129: {  	[sflag:s5] =	ssyncset.done $0x0  }
0x12a: {  	s1 =	simm.s32 $0x180;
	s13 =	simm.s32 $0x400;
	[sflag:s5] =	ssyncadd.s32 $0xFFFFE000  }
.LBB2_6:
0x12b: {  	[tilespmem:s7], [sflag:$0x2] =	stream.indirect.gather [hbm4b:s18+s11], $0x40, s1, s11, $0xb8;
	[tilespmem:$0x1D800] =	vst v63  }
0x12c: {  	s1 =	smov.u32 s13  }
0x12d: {  	p0 =	sne.s32 s13, $0x13800;
	s13 =	sadd.s32 $0x400, s13;
	_ =	swait.ge [sflag:s8], $0x2000  }
0x12e: {  	s1 =	sshra.s32 s1, $0x2;
	[sflag:s8] =	ssyncset.done $0x0  }
0x12f: {  	s2 =	sadd.s32 $0x5000, s1;
	[sflag:s8] =	ssyncadd.s32 $0xFFFFE000  }
0x130: {  	[spmem:s14] =	stream.indirect.scatter.add.f32 [tilespmem:s12], [sflag:$0x3], $0x40, s2, s11, $0xb8;
	[tilespmem:$0x1D800] =	vst v63  }
0x131: {  	_ =	swait.ge [sflag:s5], $0x2000  }
0x132: {  	[sflag:s5] =	ssyncset.done $0x0  }
0x133: {  	s2 =	sadd.s32 $0x100, s1;
	[sflag:s5] =	ssyncadd.s32 $0xFFFFE000  }
0x134: {  	[tilespmem:s12], [sflag:$0x1] =	stream.indirect.gather [hbm4b:s18+s11], $0x40, s2, s11, $0xb8;
	[tilespmem:$0x1D800] =	vst v63  }
0x135: {  	_ =	swait.ge [sflag:s9], $0x2000  }
0x136: {  	[sflag:s9] =	ssyncset.done $0x0  }
.Ltmp2:
0x137: {  	s2 =	sadd.s32 $0x5080, s1;
	[sflag:s9] =	ssyncadd.s32 $0xFFFFE000;
	(pc) =	sbr.rel @p0 .LBB2_6-.Ltmp2, $4  }
0x138: {  	[spmem:s14] =	stream.indirect.scatter.add.f32 [tilespmem:s7], [sflag:$0x3], $0x40, s2, s11, $0xb8;
	[tilespmem:$0x1D800] =	vst v63  }
0x139: {  	_ =	swait.ge [sflag:s5], $0x2000  }
0x13a: {  	[sflag:s5] =	ssyncset.done $0x0  }
0x13b: {  	s1 =	sadd.s32 $0x180, s1;
	[sflag:s5] =	ssyncadd.s32 $0xFFFFE000  }
0x13c: {  	[tilespmem:s7], [sflag:$0x2] =	stream.indirect.gather [hbm4b:s18+s11], $0x40, s1, s11, $0xb8;
	[tilespmem:$0x1D800] =	vst v63  }
0x13d: {  	_ =	swait.ge [sflag:s8], $0x2000  }
0x13e: {  	[sflag:s8] =	ssyncset.done $0x0  }
0x13f: {  	[sflag:s8] =	ssyncadd.s32 $0xFFFFE000  }
0x140: {  	[spmem:s14] =	stream.indirect.scatter.add.f32 [tilespmem:s12], [sflag:$0x3], $0x40, s17, s11, $0xb8;
	[tilespmem:$0x1D800] =	vst v63  }
0x141: {  	_ =	swait.ge [sflag:s5], $0x2000  }
0x142: {  	[sflag:s5] =	ssyncset.done $0x0  }
0x143: {  	[sflag:s5] =	ssyncadd.s32 $0xFFFFE000  }
0x144: {  	_ =	swait.ge [sflag:s9], $0x2000  }
0x145: {  	[sflag:s9] =	ssyncset.done $0x0  }
0x146: {  	[sflag:s9] =	ssyncadd.s32 $0xFFFFE000  }
0x147: {  	[spmem:s14] =	stream.indirect.scatter.add.f32 [tilespmem:s7], [sflag:$0x3], $0x40, s30, s11, $0xb8;
	[tilespmem:$0x1D800] =	vst v63  }
0x148: {  	_ =	swait.ge [sflag:s5], $0x2000  }
0x149: {  	[sflag:s5] =	ssyncset.done $0x0  }
0x14a: {  	[sflag:s5] =	ssyncadd.s32 $0xFFFFE000  }
0x14b: {  	[bflag:$0x0] =	sbarrier.arrive $0xFFFF  }
0x14c: {  	[tilespmem:s12], [sflag:$0x3] =	stream.linear.gather [spmem:s19], $0x2000, $0x38;
	[tilespmem:$0x1D800] =	vst v63  }
0x14d: {  	_ =	swait.ge [sflag:s5], $0x2000  }
0x14e: {  	[sflag:s5] =	ssyncset.done $0x0  }
0x14f: {  	s2 =	rddreg [dreg:$0x12];
	[sflag:s5] =	ssyncadd.s32 $0xFFFFE000  }
0x150: {  	[hbm4b:s2+s0] =	stream.linear.scatter [tilespmem:s12], [sflag:$0x3], $0x2000, $0x38;
	[tilespmem:$0x1D800] =	vst v63  }
0x151: {  	_ =	swait.ge [sflag:s5], $0x2000  }
0x152: {  	[sflag:s5] =	ssyncset.done $0x0  }
0x153: {  	[sflag:s5] =	ssyncadd.s32 $0xFFFFE000  }
0x154: {  	[tilespmem:s12], [sflag:$0x3] =	stream.linear.gather [spmem:s21], $0x2000, $0x38;
	[tilespmem:$0x1D800] =	vst v63  }
0x155: {  	_ =	swait.ge [sflag:s5], $0x2000  }
0x156: {  	[sflag:s5] =	ssyncset.done $0x0  }
0x157: {  	s3 =	rddreg [dreg:$0x13];
	[sflag:s5] =	ssyncadd.s32 $0xFFFFE000  }
0x158: {  	[hbm4b:s3+s0] =	stream.linear.scatter [tilespmem:s12], [sflag:$0x3], $0x2000, $0x38;
	[tilespmem:$0x1D800] =	vst v63  }
0x159: {  	_ =	swait.ge [sflag:s5], $0x2000  }
0x15a: {  	[sflag:s5] =	ssyncset.done $0x0  }
0x15b: {  	[sflag:s5] =	ssyncadd.s32 $0xFFFFE000  }
0x15c: {  	[tilespmem:s12], [sflag:$0x3] =	stream.linear.gather [spmem:s23], $0x2000, $0x38;
	[tilespmem:$0x1D800] =	vst v63  }
0x15d: {  	_ =	swait.ge [sflag:s5], $0x2000  }
0x15e: {  	[sflag:s5] =	ssyncset.done $0x0  }
0x15f: {  	s13 =	rddreg [dreg:$0x14];
	[sflag:s5] =	ssyncadd.s32 $0xFFFFE000  }
0x160: {  	[hbm4b:s13+s0] =	stream.linear.scatter [tilespmem:s12], [sflag:$0x3], $0x2000, $0x38;
	[tilespmem:$0x1D800] =	vst v63  }
0x161: {  	_ =	swait.ge [sflag:s5], $0x2000  }
0x162: {  	[sflag:s5] =	ssyncset.done $0x0  }
0x163: {  	[sflag:s5] =	ssyncadd.s32 $0xFFFFE000  }
0x164: {  	[tilespmem:s12], [sflag:$0x3] =	stream.linear.gather [spmem:s25], $0x2000, $0x38;
	[tilespmem:$0x1D800] =	vst v63  }
0x165: {  	_ =	swait.ge [sflag:s5], $0x2000  }
0x166: {  	[sflag:s5] =	ssyncset.done $0x0  }
0x167: {  	s2 =	rddreg [dreg:$0x15];
	[sflag:s5] =	ssyncadd.s32 $0xFFFFE000  }
0x168: {  	[hbm4b:s2+s0] =	stream.linear.scatter [tilespmem:s12], [sflag:$0x3], $0x2000, $0x38;
	[tilespmem:$0x1D800] =	vst v63  }
0x169: {  	_ =	swait.ge [sflag:s5], $0x2000  }
0x16a: {  	[sflag:s5] =	ssyncset.done $0x0  }
0x16b: {  	[sflag:s5] =	ssyncadd.s32 $0xFFFFE000  }
0x16c: {  	[tilespmem:s12], [sflag:$0x3] =	stream.linear.gather [spmem:s28], $0x2000, $0x38;
	[tilespmem:$0x1D800] =	vst v63  }
0x16d: {  	_ =	swait.ge [sflag:s5], $0x2000  }
0x16e: {  	[sflag:s5] =	ssyncset.done $0x0  }
0x16f: {  	s3 =	rddreg [dreg:$0x16];
	[sflag:s5] =	ssyncadd.s32 $0xFFFFE000  }
0x170: {  	[hbm4b:s3+s0] =	stream.linear.scatter [tilespmem:s12], [sflag:$0x3], $0x2000, $0x38;
	[tilespmem:$0x1D800] =	vst v63  }
0x171: {  	_ =	swait.ge [sflag:s5], $0x2000  }
0x172: {  	s31 =	sadd.s32 $0x1, s31;
	s13 =	rddreg [dreg:$0x11]  }
0x173: {  	p0 =	sne.s32 s31, s13  }
.Ltmp3:
0x174: {  	_ = 	snop;
	(pc) =	sbr.rel @p0 .LBB2_1-.Ltmp3, $3  }
0x175: {  	_ =	sdelay $0x1  }
0x176: {  	[sflag:s5] =	ssyncset.done $0x0  }
0x177: {  	[sflag:s5] =	ssyncadd.s32 $0xFFFFE000  }
0x178: {  	_ =	sfence.sel $0x180000  }
0x179: {  	[bflag:$0x0] =	sbarrier.arrive $0xFFFF  }
0x17a: {  	_ =	strace $0x90000047  }
0x17b: {  	s0 =	stileid.u32;
	[bflag:$0x2] =	sbarrier.arrive $0xFFFF  }
0x17c: {  	p0 =	sne.s32 s0, $0x0;
	s0 =	rddreg [dreg:$0x4]  }
0x17d: {  	s0 =	sadd.s32 @!p0 $0x100000, s0  }
0x17e: {  	[sflag:s0] =	ssyncadd.tile.s32 @!p0 $0x1;
	_ =	shalt  }
.Lfunc_end2:
_tile_overlayer_lowered:
.L_overlay_start_2:
0x17f: {  	(tag) =	ssettag $0x2  }
0x180: {  	s0 =	rddreg [dreg:$0x0];
	s2 =	stileid.u32  }
0x181: {  	s1 =	rddreg [dreg:$0x1];
	p0 =	sne.s32 s2, $0x0  }
0x182: {  	s3 =	rddreg [dreg:$0x2];
	[bflag:$0x3] =	sbarrier.arrive $0xFFFF;
	s2 =	simm.s32 @!p0 $0x1C03  }
0x183: {  	[timem:s3], [sflag:s2] =	dma.local @!p0 [hbm:s0], s1  }
0x184: {  	s0 =	simm.s32 @!p0 $0x3  }
0x185: {  	_ =	swait.ge @!p0 [sflag:s0], s1  }
0x186: {  	s1 =	ssub.s32 @!p0 $0x0, s1;
	[sflag:s0] =	ssyncset.done @!p0 $0x0  }
0x187: {  	[sflag:s0] =	ssyncadd.s32 @!p0 s1  }
0x188: {  	[bflag:$0x3] =	sbarrier.arrive $0xFFFF  }
0x189: {  	_ =	shalt  }

// kernel: kernel.9.cloned.1.call-start
scs
__scs_entry_jumppad:
0x0: {  	(pc) =	sbr.rel $0x88, $3  }
0x1: {  	(tag) =	ssettag $0x0;
	lr =	simm.s32 $0x1  }
0x2: {  	[smem:$0x3F97] =	sst lr;
	_ =	strace $0xD0000000  }
0x3: {  	_ = 	snop  }
0x4: {  	_ = 	snop  }
0x5: {  	_ = 	snop  }
0x6: {  	_ = 	snop  }
0x7: {  	_ = 	snop  }
__scs_overlays_trampoline_lowered:
0x8: {  	[smem:$0x3FA6] =	sst s0  }
0x9: {  	[smem:$0x3FA7] =	sst s1  }
0xa: {  	[smem:$0x3FA8] =	sst s2  }
0xb: {  	[smem:$0x3FA9] =	sst s3  }
0xc: {  	[smem:$0x3FAA] =	sst s4  }
0xd: {  	[smem:$0x3FAB] =	sst s5  }
0xe: {  	[smem:$0x3FAC] =	sst s6  }
0xf: {  	[smem:$0x3FAD] =	sst s7  }
0x10: {  	[smem:$0x3FAE] =	sst s8  }
0x11: {  	[smem:$0x3FAF] =	sst s9;
	s0 =	simm.s32 @!p0 $0x0  }
0x12: {  	s1 =	sld [smem:$0x3F95];
	s0 =	simm.s32 @p0 $0x1  }
0x13: {  	[smem:$0x3FB0] =	sst s0;
	s0 =	simm.s32 @!p1 $0x0  }
0x14: {  	s2 =	sld [smem:$0x3F94];
	s0 =	simm.s32 @p1 $0x1  }
0x15: {  	[smem:$0x3FB1] =	sst s0;
	s0 =	simm.s32 @!p2 $0x0  }
0x16: {  	s3 =	sld [smem:$0x3FDB];
	s0 =	simm.s32 @p2 $0x1  }
0x17: {  	s4 =	simm.s32 $0x1BF5;
	[smem:$0x3FB3] =	sst s0  }
0x18: {  	s0 =	sld [smem:$0x3F96];
	_ =	swait.ge [sflag:s4], $0x0  }
0x19: {  	s7 =	sld [smem:$0x3F97]  }
0x1a: {  	s8 =	sadd.s32 $0xFFFFE003, lr  }
0x1b: {  	s9 =	sadd.s32 $0xFFFFFEF7, lr;
	s5 =	simm.s32 $0xFFFFFFFF;
	p2 =	slt.u32 s8, $0xFFFFF086  }
0x1c: {  	p1 =	slt.u32 s9, $0xF7A;
	s5 =	simm.s32 @!p2 $0x0  }
0x1d: {  	s5 =	simm.s32 @p1 $0x1;
	p0 =	seq.s32 s7, s2  }
0x1e: {  	s7 =	smul.u32 @!p0 $0xF7A, s2;
	p2 =	seq.s32 @!p0 s5, $0x0  }
0x1f: {  	s9 =	smul.u32 $0xF7A, s1;
	s8 =	simm.s32 @!p0 $0x1BF5;
	p2 =	por !p2, p0  }
0x20: {  	[sflag:s8] =	ssyncset.s32 @!p0 $0xFFFFF086;
	s6 =	sadd.s32 @!p0 s3, s7;
	s7 =	simm.s32 @!p0 $0x108  }
0x21: {  	s3 =	sadd.s32 s3, s9;
	s6 =	sadd.s32 @!p0 $0x88, s6;
	s7 =	simm.s32 @p2 $0x1082  }
0x22: {  	[simem:s7], [sflag:s8] =	dma.local @!p0 [hbm:s6], $0xF7A  }
0x23: {  	s9 =	sor.u32 $0xD0000000, s2;
	s6 =	simm.s32 $0x108;
	_ =	swait.ge @!p0 [sflag:s8], $0x0  }
0x24: {  	s3 =	sadd.s32 $0x88, s3;
	s6 =	simm.s32 @!p1 $0x1082;
	[sflag:s4] =	ssyncset.s32 $0xFFFFF086  }
0x25: {  	[simem:s6], [sflag:s4] =	dma.local [hbm:s3], $0xF7A  }
0x26: {  	[smem:$0x3F97] =	sst s1;
	(tag) =	ssettag s2;
	_ =	strace s9  }
0x27: {  	s1 =	sld [smem:$0x3FA7]  }
0x28: {  	s2 =	sld [smem:$0x3FA8]  }
0x29: {  	s4 =	sld [smem:$0x3FAA]  }
0x2a: {  	p0 =	seq.s32 s5, $0x0;
	s5 =	sld [smem:$0x3FAB]  }
0x2b: {  	s6 =	sld [smem:$0x3FAC]  }
0x2c: {  	s7 =	sld [smem:$0x3FAD]  }
0x2d: {  	s3 =	simm.s32 $0x108;
	s8 =	sld [smem:$0x3FAE]  }
0x2e: {  	s3 =	simm.s32 @!p0 $0x1082;
	s9 =	sld [smem:$0x3FAF]  }
0x2f: {  	lr =	sadd.s32 s0, s3;
	s0 =	sld [smem:$0x3FA6]  }
0x30: {  	s3 =	sld [smem:$0x3FA9]  }
0x31: {  	[smem:$0x3FB2] =	sst s10  }
0x32: {  	s10 =	sld [smem:$0x3FB0];
	_ =	sdelay $0x3  }
0x33: {  	p0 =	seq.s32 s10, $0x1;
	s10 =	sld [smem:$0x3FB2];
	_ =	sdelay $0x3  }
0x34: {  	[smem:$0x3FB2] =	sst s10  }
0x35: {  	s10 =	sld [smem:$0x3FB1];
	_ =	sdelay $0x3  }
0x36: {  	p1 =	seq.s32 s10, $0x1;
	s10 =	sld [smem:$0x3FB2];
	_ =	sdelay $0x3  }
0x37: {  	[smem:$0x3FB2] =	sst s10  }
0x38: {  	s10 =	sld [smem:$0x3FB3]  }
0x39: {  	_ = 	snop;
	(pc) =	sbr.ind lr, $3  }
0x3a: {  	_ = 	snop  }
0x3b: {  	_ = 	snop  }
0x3c: {  	p2 =	seq.s32 s10, $0x1;
	s10 =	sld [smem:$0x3FB2]  }
0x3d: {  	_ =	shalt  }
0x3e: {  	_ =	shalt  }
0x3f: {  	_ =	shalt  }
0x40: {  	_ =	shalt  }
0x41: {  	_ =	shalt  }
0x42: {  	_ =	shalt  }
0x43: {  	_ =	shalt  }
0x44: {  	_ =	shalt  }
0x45: {  	_ =	shalt  }
0x46: {  	_ =	shalt  }
0x47: {  	_ =	shalt  }
0x48: {  	_ =	shalt  }
0x49: {  	_ =	shalt  }
0x4a: {  	_ =	shalt  }
0x4b: {  	_ =	shalt  }
0x4c: {  	_ =	shalt  }
0x4d: {  	_ =	shalt  }
0x4e: {  	_ =	shalt  }
0x4f: {  	_ =	shalt  }
0x50: {  	_ =	shalt  }
0x51: {  	_ =	shalt  }
0x52: {  	_ =	shalt  }
0x53: {  	_ =	shalt  }
0x54: {  	_ =	shalt  }
0x55: {  	_ =	shalt  }
0x56: {  	_ =	shalt  }
0x57: {  	_ =	shalt  }
0x58: {  	_ =	shalt  }
0x59: {  	_ =	shalt  }
0x5a: {  	_ =	shalt  }
0x5b: {  	_ =	shalt  }
0x5c: {  	_ =	shalt  }
0x5d: {  	_ =	shalt  }
0x5e: {  	_ =	shalt  }
0x5f: {  	_ =	shalt  }
0x60: {  	_ =	shalt  }
0x61: {  	_ =	shalt  }
0x62: {  	_ =	shalt  }
0x63: {  	_ =	shalt  }
0x64: {  	_ =	shalt  }
0x65: {  	_ =	shalt  }
0x66: {  	_ =	shalt  }
0x67: {  	_ =	shalt  }
0x68: {  	_ =	shalt  }
0x69: {  	_ =	shalt  }
0x6a: {  	_ =	shalt  }
0x6b: {  	_ =	shalt  }
0x6c: {  	_ =	shalt  }
0x6d: {  	_ =	shalt  }
0x6e: {  	_ =	shalt  }
0x6f: {  	_ =	shalt  }
0x70: {  	_ =	shalt  }
0x71: {  	_ =	shalt  }
0x72: {  	_ =	shalt  }
0x73: {  	_ =	shalt  }
0x74: {  	_ =	shalt  }
0x75: {  	_ =	shalt  }
0x76: {  	_ =	shalt  }
0x77: {  	_ =	shalt  }
0x78: {  	_ =	shalt  }
0x79: {  	_ =	shalt  }
0x7a: {  	_ =	shalt  }
0x7b: {  	_ =	shalt  }
0x7c: {  	_ =	shalt  }
0x7d: {  	_ =	shalt  }
0x7e: {  	_ =	shalt  }
0x7f: {  	_ =	shalt  }
0x80: {  	_ =	shalt  }
0x81: {  	_ =	shalt  }
0x82: {  	_ =	shalt  }
0x83: {  	_ =	shalt  }
0x84: {  	_ =	shalt  }
0x85: {  	_ =	shalt  }
0x86: {  	_ =	shalt  }
0x87: {  	_ =	shalt  }
.Lfunc_end0:
.L_simem_size_0:
called_computation.1_lowered:
.L_overlay_start_0:
0x88: {  	s2 =	sld [smem:$0x3FD9]  }
0x89: {  	s3 =	sld [smem:$0x3FFE];
	_ =	sdelay $0x1  }
0x8a: {  	s1 =	srdreg.scid  }
0x8b: {  	s0 =	sand.u32 $0x1, s1  }
0x8c: {  	s17 =	sshll.u32 s0, $0xA;
	s2 =	sadd.s32 s3, s2  }
0x8d: {  	s2 =	sadd.s32 s2, s17  }
0x8e: {  	[smem:$0x3FBE] =	sst s2  }
0x8f: {  	_ = 	snop  }
0x90: {  	s2 =	sld [smem:$0x3FD0];
	(tm) =	ssettm $0x1  }
0x91: {  	s18 =	sld [smem:$0x3FFB];
	_ =	sdelay $0x3  }
0x92: {  	_ =	strace s18  }
0x93: {  	s3 =	sld [smem:$0x3FFC];
	_ =	sdelay $0x3  }
0x94: {  	_ =	strace s3  }
0x95: {  	s3 =	sld [smem:$0x3FFD];
	_ =	sdelay $0x3  }
0x96: {  	_ =	strace s3  }
0x97: {  	_ =	strace $0x8FFFFFFF  }
0x98: {  	s19 =	sld [smem:$0x3FDB];
	_ =	sdelay $0x1  }
0x99: {  	s4 =	simm.s32 $_scs_section_size  }
0x9a: {  	s5 =	simm.s32 $_size__tile_overlayer_lowered;
	s6 =	simm.s32 $_tile_overlayer_lowered  }
0x9b: {  	s22 =	simm.s32 $0x1BFF;
	s21 =	sshll.u32 s6, $0x1;
	s3 =	sadd.s32 s4, s19  }
0x9c: {  	s7 =	simm.s32 $0x0;
	s20 =	sshll.u32 s5, $0x1;
	s5 =	sadd.s32 s21, s3  }
0x9d: {  	[timem:s7], [sflag:s22] =	dma.local [hbm:s5], s20  }
0x9e: {  	_ =	swait.ge [sflag:s22], s20  }
0x9f: {  	s4 =	ssub.s32 $0x0, s20;
	[sflag:s22] =	ssyncset.done $0x0  }
0xa0: {  	[sflag:s22] =	ssyncadd.s32 s4;
	_ =	sdelay $0x1  }
0xa1: {  	s23 =	simm.s32 $0x1B8B  }
0xa2: {  	_ =	swait.ge [sflag:s23], $0x1  }
0xa3: {  	[sflag:s23] =	ssyncset.done $0x0  }
0xa4: {  	s25 =	simm.s32 $0x1B8E;
	s24 =	sld [smem:$0x3FFE];
	[sflag:s23] =	ssyncadd.s32 $0xFFFFFFFF  }
0xa5: {  	s26 =	simm.s32 $execute0_lowered;
	[smem:$0x3FD2] =	sst s25  }
0xa6: {  	s5 =	sshll.u32 s26, $0x1;
	_ =	strace $0x80000049;
	[dreg:$0x1] =	wrdreg $0xFFFFFFFF  }
0xa7: {  	s28 =	simm.s32 $_size_execute0_lowered;
	s3 =	sadd.s32 s3, s5;
	[dreg:$0x0] =	wrdreg $0x0  }
0xa8: {  	s5 =	sshll.u32 s28, $0x1;
	[dreg:$0x2] =	wrdreg s3  }
0xa9: {  	[dreg:$0x3] =	wrdreg s5  }
0xaa: {  	[dreg:$0x4] =	wrdreg $0xC0  }
0xab: {  	_ =	task [dreg:s7], $0x5FFFF  }
0xac: {  	[dreg:$0x1] =	wrdreg $0xFFFFFFFF  }
0xad: {  	[dreg:$0x0] =	wrdreg $0x60  }
0xae: {  	[dreg:$0x2] =	wrdreg s2  }
0xaf: {  	[dreg:$0x3] =	wrdreg s24  }
0xb0: {  	[dreg:$0x4] =	wrdreg $0x100000  }
0xb1: {  	[dreg:$0x5] =	wrdreg $0x9  }
0xb2: {  	_ =	task.clear_ibuf [dreg:s7], $0x6FFFF;
	_ =	strace $0x90000049  }
0xb3: {  	s29 =	simm.s32 $0x9;
	_ =	strace $0x8000004B  }
0xb4: {  	_ =	swait.ge [sflag:s29], $0x1  }
0xb5: {  	[sflag:s29] =	ssyncadd.s32 $0xFFFFFFFF  }
0xb6: {  	_ =	strace $0x9000004B  }
0xb7: {  	_ =	sfence  }
0xb8: {  	s30 =	sld [smem:$0x0];
	_ =	sdelay $0x2  }
0xb9: {  	s31 =	sshll.u32 s1, $0xD;
	s1 =	sshrl.u32 s1, $0x2  }
0xba: {  	s3 =	sand.u32 $0x4000, s31;
	s1 =	sadd.s32 s1, s30  }
0xbb: {  	s0 =	sor.u32 s3, s0;
	s1 =	sshll.u32 s1, $0x11  }
0xbc: {  	s0 =	sor.u32 s1, s0  }
0xbd: {  	s0 =	sadd.s32 $0x8F2B, s0  }
0xbe: {  	[sflag:s0] =	ssyncadd.remote.s32 $0x1  }
0xbf: {  	_ =	sfence.sel $0xFFFF  }
0xc0: {  	[dreg:$0x0] =	wrdreg $0xFFFFFFFF;
	(pc) =	sbr.abs _section_cstart, $3  }
0xc1: {  	[dreg:$0x1] =	wrdreg $0xFFFFFFFF  }
0xc2: {  	_ =	task.clear_ibuf [dreg:s7], $0x2FFFF;
	_ =	strace $0x9FFFFFFF  }
0xc3: {  	(tm) =	ssettm $0x7FFFFFFF  }
tec
execute0_lowered:
.L_overlay_start_1:
0x0: {  	(tag) =	ssettag $0x1  }
0x1: {  	s1 =	rddreg [dreg:$0x0]  }
0x2: {  	s0 =	rddreg [dreg:$0x1]  }
0x3: {  	s2 =	rddreg [dreg:$0x2]  }
0x4: {  	s3 =	srdreg.scid;
	s4 =	simm.s32 $0x0;
	s12 =	stileid.u32  }
0x5: {  	s28 =	simm.s32 $0x80;
	s29 =	simm.s32 $0xA000;
	s30 =	simm.s32 $0xC000  }
0x6: {  	s31 =	simm.s32 $0x1;
	s3 =	sand.u32 $0x1, s3;
	s7 =	smul.u32 $0x5000, s12  }
0x7: {  	[smem:$0x7FF] =	sst s4;
	s5 =	sadd.s32 $0x2400, s0;
	s12 =	smul.u32 $0xA000, s12  }
0x8: {  	s9 =	sadd.s32 $0x16400, s0;
	s0 =	sadd.s32 $0x2A400, s0;
	s6 =	smul.u32 $0x50000, s3  }
0x9: {  	s8 =	sxor.u32 $0x1, s3;
	s10 =	ssub.s32 $0x2, s3;
	s3 =	smul.u32 $0xA0000, s3  }
0xa: {  	_ =	strace $0x8000004A;
	s8 =	smul.u32 $0x50000, s8;
	s11 =	sshrl.u32 s10, $0x1  }
0xb: {  	s21 =	sadd.s32 $0x2000, s12;
	s22 =	sadd.s32 $0x4000, s12;
	s15 =	sadd.s32 $0x6000, s12  }
0xc: {  	s16 =	sadd.s32 $0x8000, s12;
	s6 =	sadd.s32 s7, s6;
	s13 =	ssub.s32 s10, s11  }
0xd: {  	s10 =	sadd.s32 s22, s2;
	s11 =	sadd.s32 s15, s2;
	s14 =	sadd.s32 s12, s3  }
0xe: {  	s23 =	sadd.s32 s3, s22;
	s24 =	sadd.s32 s3, s15;
	s7 =	sadd.s32 s7, s8  }
0xf: {  	s6 =	sshrl.u32 s6, $0x3;
	s8 =	sadd.s32 s12, s2;
	s14 =	sshrl.u32 s14, $0x3  }
0x10: {  	s12 =	sadd.s32 s16, s2;
	s7 =	sshrl.u32 s7, $0x3;
	s6 =	sadd.s32 s9, s6  }
0x11: {  	s18 =	sadd.s32 s0, s14;
	[dreg:$0x4] =	wrdreg s6;
	s20 =	sadd.s32 s9, s7  }
0x12: {  	s9 =	sadd.s32 s21, s2;
	s6 =	sadd.s32 s3, s21;
	s7 =	sshrl.u32 s24, $0x3  }
0x13: {  	s3 =	sadd.s32 s3, s16;
	s19 =	smov.u32 s18;
	s25 =	sadd.s32 $0x28000, s18  }
0x14: {  	s24 =	simm.s32 $0x3;
	[dreg:$0x5] =	wrdreg s20;
	s6 =	sshrl.u32 s6, $0x3  }
0x15: {  	s16 =	sadd.s32 s0, s7;
	s3 =	sshrl.u32 s3, $0x3;
	[dreg:$0x6] =	wrdreg s25  }
0x16: {  	s25 =	simm.s32 $0x9F80;
	s14 =	sadd.s32 s0, s6;
	s6 =	sshrl.u32 s23, $0x3  }
0x17: {  	s17 =	sadd.s32 s0, s3;
	s21 =	sadd.s32 $0x28000, s16;
	s23 =	smax.u32 s13, $0x1  }
0x18: {  	s3 =	simm.s32 $0x9F00;
	s15 =	sadd.s32 s0, s6;
	s26 =	sadd.s32 $0x28000, s14  }
0x19: {  	s22 =	sadd.s32 $0x28000, s17;
	s0 =	simm.s32 $0x2;
	s6 =	simm.s32 $0x0  }
0x1a: {  	v0 =	vimm.f32 $0.0e+00;
	[dreg:$0x7] =	wrdreg s26;
	s20 =	sadd.s32 $0x28000, s15;
	s26 =	simm.s32 $0xE000  }
.LBB2_1:
0x1b: {  	s13 =	simm.s32 $0x100;
	s7 =	simm.s32 $0x0  }
.LBB2_2:
0x1c: {  	p0 =	sne.s32 s13, $0x7F00;
	[tilespmem:s7+$0xE030] =	vst v0;
	s18 =	smov.u32 s13;
	s13 =	sadd.s32 $0x100, s13  }
.Ltmp0:
0x1d: {  	[tilespmem:s7+$0xE020] =	vst v0;
	(pc) =	sbr.rel @p0 .LBB2_2-.Ltmp0, $3  }
0x1e: {  	[tilespmem:s7+$0xE000] =	vst v0  }
0x1f: {  	[tilespmem:s7+$0xE010] =	vst v0;
	_ =	sdelay $0x1  }
0x20: {  	s7 =	sshra.s32 s18, $0x2  }
0x21: {  	[tilespmem:s7+$0xE030] =	vst v0  }
0x22: {  	[tilespmem:s7+$0xE020] =	vst v0  }
0x23: {  	[tilespmem:s7+$0xE000] =	vst v0  }
0x24: {  	[tilespmem:s7+$0xE010] =	vst v0;
	s7 =	simm.s32 $0x0;
	s13 =	rddreg [dreg:$0x4]  }
0x25: {  	[tilespmem:s7], [sflag:$0x3] =	stream.linear.gather [hbm4b:s13+s7], $0x5000, $0x38;
	[tilespmem:$0x1A000] =	vst v63  }
0x26: {  	_ =	swait.ge [sflag:s24], $0x5000  }
0x27: {  	[sflag:s24] =	ssyncset.done $0x0  }
0x28: {  	s18 =	simm.s32 $0x5000;
	s13 =	rddreg [dreg:$0x5];
	[sflag:s24] =	ssyncadd.s32 $0xFFFFB000  }
0x29: {  	[tilespmem:s18], [sflag:$0x3] =	stream.linear.gather [hbm4b:s13+s7], $0x5000, $0x38;
	[tilespmem:$0x1A000] =	vst v63  }
0x2a: {  	_ =	swait.ge [sflag:s24], $0x5000  }
0x2b: {  	[sflag:s24] =	ssyncset.done $0x0  }
0x2c: {  	[sflag:s24] =	ssyncadd.s32 $0xFFFFB000  }
0x2d: {  	[spmem:s8] =	stream.linear.scatter [tilespmem:s26], [sflag:$0x3], $0x2000, $0x38;
	[tilespmem:$0x1A000] =	vst v63  }
0x2e: {  	_ =	swait.ge [sflag:s24], $0x2000  }
0x2f: {  	[sflag:s24] =	ssyncset.done $0x0  }
0x30: {  	[sflag:s24] =	ssyncadd.s32 $0xFFFFE000  }
0x31: {  	[spmem:s9] =	stream.linear.scatter [tilespmem:s26], [sflag:$0x3], $0x2000, $0x38;
	[tilespmem:$0x1A000] =	vst v63  }
0x32: {  	_ =	swait.ge [sflag:s24], $0x2000  }
0x33: {  	[sflag:s24] =	ssyncset.done $0x0  }
0x34: {  	[sflag:s24] =	ssyncadd.s32 $0xFFFFE000  }
0x35: {  	[spmem:s10] =	stream.linear.scatter [tilespmem:s26], [sflag:$0x3], $0x2000, $0x38;
	[tilespmem:$0x1A000] =	vst v63  }
0x36: {  	_ =	swait.ge [sflag:s24], $0x2000  }
0x37: {  	[sflag:s24] =	ssyncset.done $0x0  }
0x38: {  	[sflag:s24] =	ssyncadd.s32 $0xFFFFE000  }
0x39: {  	[spmem:s11] =	stream.linear.scatter [tilespmem:s26], [sflag:$0x3], $0x2000, $0x38;
	[tilespmem:$0x1A000] =	vst v63  }
0x3a: {  	_ =	swait.ge [sflag:s24], $0x2000  }
0x3b: {  	[sflag:s24] =	ssyncset.done $0x0  }
0x3c: {  	[sflag:s24] =	ssyncadd.s32 $0xFFFFE000  }
0x3d: {  	[spmem:s12] =	stream.linear.scatter [tilespmem:s26], [sflag:$0x3], $0x2000, $0x38;
	[tilespmem:$0x1A000] =	vst v63  }
0x3e: {  	_ =	swait.ge [sflag:s24], $0x2000  }
0x3f: {  	[sflag:s24] =	ssyncset.done $0x0  }
0x40: {  	[sflag:s24] =	ssyncadd.s32 $0xFFFFE000  }
0x41: {  	[bflag:$0x0] =	sbarrier.arrive $0xFFFF  }
0x42: {  	[tilespmem:s29], [sflag:$0x1] =	stream.indirect.gather [hbm4b:s1+s28], $0x40, s7, s28, $0xb8;
	[tilespmem:$0x1A000] =	vst v63  }
0x43: {  	_ = 	snop  }
0x44: {  	[tilespmem:s30], [sflag:$0x2] =	stream.indirect.gather [hbm4b:s1+s28], $0x40, s28, s28, $0xb8;
	[tilespmem:$0x1A000] =	vst v63  }
0x45: {  	_ =	swait.ge [sflag:s31], $0x2000  }
0x46: {  	[sflag:s31] =	ssyncset.done $0x0  }
0x47: {  	s18 =	simm.s32 $0x5000;
	[sflag:s31] =	ssyncadd.s32 $0xFFFFE000  }
0x48: {  	[spmem:s2] =	stream.indirect.scatter.add.f32 [tilespmem:s29], [sflag:$0x3], $0x40, s18, s28, $0xb8;
	[tilespmem:$0x1A000] =	vst v63  }
0x49: {  	_ =	swait.ge [sflag:s24], $0x2000  }
0x4a: {  	[sflag:s24] =	ssyncset.done $0x0  }
0x4b: {  	s13 =	simm.s32 $0x100;
	[sflag:s24] =	ssyncadd.s32 $0xFFFFE000  }
0x4c: {  	[tilespmem:s29], [sflag:$0x1] =	stream.indirect.gather [hbm4b:s1+s28], $0x40, s13, s28, $0xb8;
	[tilespmem:$0x1A000] =	vst v63  }
0x4d: {  	_ =	swait.ge [sflag:s0], $0x2000  }
0x4e: {  	[sflag:s0] =	ssyncset.done $0x0  }
0x4f: {  	s18 =	simm.s32 $0x5080;
	[sflag:s0] =	ssyncadd.s32 $0xFFFFE000  }
0x50: {  	[spmem:s2] =	stream.indirect.scatter.add.f32 [tilespmem:s30], [sflag:$0x3], $0x40, s18, s28, $0xb8;
	[tilespmem:$0x1A000] =	vst v63  }
0x51: {  	_ =	swait.ge [sflag:s24], $0x2000  }
0x52: {  	[sflag:s24] =	ssyncset.done $0x0  }
0x53: {  	s7 =	simm.s32 $0x400;
	s13 =	simm.s32 $0x180;
	[sflag:s24] =	ssyncadd.s32 $0xFFFFE000  }
.LBB2_4:
0x54: {  	[tilespmem:s30], [sflag:$0x2] =	stream.indirect.gather [hbm4b:s1+s28], $0x40, s13, s28, $0xb8;
	[tilespmem:$0x1A000] =	vst v63  }
0x55: {  	s13 =	smov.u32 s7  }
0x56: {  	p0 =	sne.s32 s7, $0x13800;
	s7 =	sadd.s32 $0x400, s7;
	_ =	swait.ge [sflag:s31], $0x2000  }
0x57: {  	s13 =	sshra.s32 s13, $0x2;
	[sflag:s31] =	ssyncset.done $0x0  }
0x58: {  	s18 =	sadd.s32 $0x5000, s13;
	[sflag:s31] =	ssyncadd.s32 $0xFFFFE000  }
0x59: {  	[spmem:s2] =	stream.indirect.scatter.add.f32 [tilespmem:s29], [sflag:$0x3], $0x40, s18, s28, $0xb8;
	[tilespmem:$0x1A000] =	vst v63  }
0x5a: {  	_ =	swait.ge [sflag:s24], $0x2000  }
0x5b: {  	[sflag:s24] =	ssyncset.done $0x0  }
0x5c: {  	s18 =	sadd.s32 $0x100, s13;
	[sflag:s24] =	ssyncadd.s32 $0xFFFFE000  }
0x5d: {  	[tilespmem:s29], [sflag:$0x1] =	stream.indirect.gather [hbm4b:s1+s28], $0x40, s18, s28, $0xb8;
	[tilespmem:$0x1A000] =	vst v63  }
0x5e: {  	_ =	swait.ge [sflag:s0], $0x2000  }
0x5f: {  	[sflag:s0] =	ssyncset.done $0x0  }
.Ltmp1:
0x60: {  	s18 =	sadd.s32 $0x5080, s13;
	[sflag:s0] =	ssyncadd.s32 $0xFFFFE000;
	(pc) =	sbr.rel @p0 .LBB2_4-.Ltmp1, $4  }
0x61: {  	[spmem:s2] =	stream.indirect.scatter.add.f32 [tilespmem:s30], [sflag:$0x3], $0x40, s18, s28, $0xb8;
	[tilespmem:$0x1A000] =	vst v63  }
0x62: {  	_ =	swait.ge [sflag:s24], $0x2000  }
0x63: {  	[sflag:s24] =	ssyncset.done $0x0  }
0x64: {  	s13 =	sadd.s32 $0x180, s13;
	[sflag:s24] =	ssyncadd.s32 $0xFFFFE000  }
0x65: {  	[tilespmem:s30], [sflag:$0x2] =	stream.indirect.gather [hbm4b:s1+s28], $0x40, s13, s28, $0xb8;
	[tilespmem:$0x1A000] =	vst v63  }
0x66: {  	_ =	swait.ge [sflag:s31], $0x2000  }
0x67: {  	[sflag:s31] =	ssyncset.done $0x0  }
0x68: {  	[sflag:s31] =	ssyncadd.s32 $0xFFFFE000  }
0x69: {  	[spmem:s2] =	stream.indirect.scatter.add.f32 [tilespmem:s29], [sflag:$0x3], $0x40, s3, s28, $0xb8;
	[tilespmem:$0x1A000] =	vst v63  }
0x6a: {  	_ =	swait.ge [sflag:s24], $0x2000  }
0x6b: {  	[sflag:s24] =	ssyncset.done $0x0  }
0x6c: {  	[sflag:s24] =	ssyncadd.s32 $0xFFFFE000  }
0x6d: {  	_ =	swait.ge [sflag:s0], $0x2000  }
0x6e: {  	[sflag:s0] =	ssyncset.done $0x0  }
0x6f: {  	[sflag:s0] =	ssyncadd.s32 $0xFFFFE000  }
0x70: {  	[spmem:s2] =	stream.indirect.scatter.add.f32 [tilespmem:s30], [sflag:$0x3], $0x40, s25, s28, $0xb8;
	[tilespmem:$0x1A000] =	vst v63  }
0x71: {  	_ =	swait.ge [sflag:s24], $0x2000  }
0x72: {  	[sflag:s24] =	ssyncset.done $0x0  }
0x73: {  	[sflag:s24] =	ssyncadd.s32 $0xFFFFE000  }
0x74: {  	[bflag:$0x0] =	sbarrier.arrive $0xFFFF  }
0x75: {  	[tilespmem:s29], [sflag:$0x3] =	stream.linear.gather [spmem:s8], $0x2000, $0x38;
	[tilespmem:$0x1A000] =	vst v63  }
0x76: {  	_ =	swait.ge [sflag:s24], $0x2000  }
0x77: {  	[sflag:s24] =	ssyncset.done $0x0  }
0x78: {  	s7 =	simm.s32 $0x0;
	[sflag:s24] =	ssyncadd.s32 $0xFFFFE000  }
0x79: {  	[hbm4b:s19+s7] =	stream.linear.scatter [tilespmem:s29], [sflag:$0x3], $0x2000, $0x38;
	[tilespmem:$0x1A000] =	vst v63  }
0x7a: {  	_ =	swait.ge [sflag:s24], $0x2000  }
0x7b: {  	[sflag:s24] =	ssyncset.done $0x0  }
0x7c: {  	[sflag:s24] =	ssyncadd.s32 $0xFFFFE000  }
0x7d: {  	[tilespmem:s29], [sflag:$0x3] =	stream.linear.gather [spmem:s9], $0x2000, $0x38;
	[tilespmem:$0x1A000] =	vst v63  }
0x7e: {  	_ =	swait.ge [sflag:s24], $0x2000  }
0x7f: {  	[sflag:s24] =	ssyncset.done $0x0  }
0x80: {  	[sflag:s24] =	ssyncadd.s32 $0xFFFFE000  }
0x81: {  	[hbm4b:s14+s7] =	stream.linear.scatter [tilespmem:s29], [sflag:$0x3], $0x2000, $0x38;
	[tilespmem:$0x1A000] =	vst v63  }
0x82: {  	_ =	swait.ge [sflag:s24], $0x2000  }
0x83: {  	[sflag:s24] =	ssyncset.done $0x0  }
0x84: {  	[sflag:s24] =	ssyncadd.s32 $0xFFFFE000  }
0x85: {  	[tilespmem:s29], [sflag:$0x3] =	stream.linear.gather [spmem:s10], $0x2000, $0x38;
	[tilespmem:$0x1A000] =	vst v63  }
0x86: {  	_ =	swait.ge [sflag:s24], $0x2000  }
0x87: {  	[sflag:s24] =	ssyncset.done $0x0  }
0x88: {  	[sflag:s24] =	ssyncadd.s32 $0xFFFFE000  }
0x89: {  	[hbm4b:s15+s7] =	stream.linear.scatter [tilespmem:s29], [sflag:$0x3], $0x2000, $0x38;
	[tilespmem:$0x1A000] =	vst v63  }
0x8a: {  	_ =	swait.ge [sflag:s24], $0x2000  }
0x8b: {  	[sflag:s24] =	ssyncset.done $0x0  }
0x8c: {  	[sflag:s24] =	ssyncadd.s32 $0xFFFFE000  }
0x8d: {  	[tilespmem:s29], [sflag:$0x3] =	stream.linear.gather [spmem:s11], $0x2000, $0x38;
	[tilespmem:$0x1A000] =	vst v63  }
0x8e: {  	_ =	swait.ge [sflag:s24], $0x2000  }
0x8f: {  	[sflag:s24] =	ssyncset.done $0x0  }
0x90: {  	[sflag:s24] =	ssyncadd.s32 $0xFFFFE000  }
0x91: {  	[hbm4b:s16+s7] =	stream.linear.scatter [tilespmem:s29], [sflag:$0x3], $0x2000, $0x38;
	[tilespmem:$0x1A000] =	vst v63  }
0x92: {  	_ =	swait.ge [sflag:s24], $0x2000  }
0x93: {  	[sflag:s24] =	ssyncset.done $0x0  }
0x94: {  	[sflag:s24] =	ssyncadd.s32 $0xFFFFE000  }
0x95: {  	[tilespmem:s29], [sflag:$0x3] =	stream.linear.gather [spmem:s12], $0x2000, $0x38;
	[tilespmem:$0x1A000] =	vst v63  }
0x96: {  	_ =	swait.ge [sflag:s24], $0x2000  }
0x97: {  	[sflag:s24] =	ssyncset.done $0x0  }
0x98: {  	[sflag:s24] =	ssyncadd.s32 $0xFFFFE000  }
0x99: {  	[hbm4b:s17+s7] =	stream.linear.scatter [tilespmem:s29], [sflag:$0x3], $0x2000, $0x38;
	[tilespmem:$0x1A000] =	vst v63  }
0x9a: {  	_ =	swait.ge [sflag:s24], $0x2000  }
0x9b: {  	[sflag:s24] =	ssyncset.done $0x0  }
0x9c: {  	[sflag:s24] =	ssyncadd.s32 $0xFFFFE000  }
0x9d: {  	[spmem:s8] =	stream.linear.scatter [tilespmem:s26], [sflag:$0x3], $0x2000, $0x38;
	[tilespmem:$0x1A000] =	vst v63  }
0x9e: {  	_ =	swait.ge [sflag:s24], $0x2000  }
0x9f: {  	[sflag:s24] =	ssyncset.done $0x0  }
0xa0: {  	[sflag:s24] =	ssyncadd.s32 $0xFFFFE000  }
0xa1: {  	[spmem:s9] =	stream.linear.scatter [tilespmem:s26], [sflag:$0x3], $0x2000, $0x38;
	[tilespmem:$0x1A000] =	vst v63  }
0xa2: {  	_ =	swait.ge [sflag:s24], $0x2000  }
0xa3: {  	[sflag:s24] =	ssyncset.done $0x0  }
0xa4: {  	[sflag:s24] =	ssyncadd.s32 $0xFFFFE000  }
0xa5: {  	[spmem:s10] =	stream.linear.scatter [tilespmem:s26], [sflag:$0x3], $0x2000, $0x38;
	[tilespmem:$0x1A000] =	vst v63  }
0xa6: {  	_ =	swait.ge [sflag:s24], $0x2000  }
0xa7: {  	[sflag:s24] =	ssyncset.done $0x0  }
0xa8: {  	[sflag:s24] =	ssyncadd.s32 $0xFFFFE000  }
0xa9: {  	[spmem:s11] =	stream.linear.scatter [tilespmem:s26], [sflag:$0x3], $0x2000, $0x38;
	[tilespmem:$0x1A000] =	vst v63  }
0xaa: {  	_ =	swait.ge [sflag:s24], $0x2000  }
0xab: {  	[sflag:s24] =	ssyncset.done $0x0  }
0xac: {  	[sflag:s24] =	ssyncadd.s32 $0xFFFFE000  }
0xad: {  	[spmem:s12] =	stream.linear.scatter [tilespmem:s26], [sflag:$0x3], $0x2000, $0x38;
	[tilespmem:$0x1A000] =	vst v63  }
0xae: {  	_ =	swait.ge [sflag:s24], $0x2000  }
0xaf: {  	[sflag:s24] =	ssyncset.done $0x0  }
0xb0: {  	[sflag:s24] =	ssyncadd.s32 $0xFFFFE000  }
0xb1: {  	[bflag:$0x0] =	sbarrier.arrive $0xFFFF  }
0xb2: {  	[tilespmem:s29], [sflag:$0x1] =	stream.indirect.gather [hbm4b:s5+s28], $0x40, s7, s28, $0xb8;
	[tilespmem:$0x1A000] =	vst v63  }
0xb3: {  	_ = 	snop  }
0xb4: {  	[tilespmem:s30], [sflag:$0x2] =	stream.indirect.gather [hbm4b:s5+s28], $0x40, s28, s28, $0xb8;
	[tilespmem:$0x1A000] =	vst v63  }
0xb5: {  	_ =	swait.ge [sflag:s31], $0x2000  }
0xb6: {  	[sflag:s31] =	ssyncset.done $0x0  }
0xb7: {  	s18 =	simm.s32 $0x5000;
	[sflag:s31] =	ssyncadd.s32 $0xFFFFE000  }
0xb8: {  	[spmem:s2] =	stream.indirect.scatter.add.f32 [tilespmem:s29], [sflag:$0x3], $0x40, s18, s28, $0xb8;
	[tilespmem:$0x1A000] =	vst v63  }
0xb9: {  	_ =	swait.ge [sflag:s24], $0x2000  }
0xba: {  	[sflag:s24] =	ssyncset.done $0x0  }
0xbb: {  	s13 =	simm.s32 $0x100;
	[sflag:s24] =	ssyncadd.s32 $0xFFFFE000  }
0xbc: {  	[tilespmem:s29], [sflag:$0x1] =	stream.indirect.gather [hbm4b:s5+s28], $0x40, s13, s28, $0xb8;
	[tilespmem:$0x1A000] =	vst v63  }
0xbd: {  	_ =	swait.ge [sflag:s0], $0x2000  }
0xbe: {  	[sflag:s0] =	ssyncset.done $0x0  }
0xbf: {  	s18 =	simm.s32 $0x5080;
	[sflag:s0] =	ssyncadd.s32 $0xFFFFE000  }
0xc0: {  	[spmem:s2] =	stream.indirect.scatter.add.f32 [tilespmem:s30], [sflag:$0x3], $0x40, s18, s28, $0xb8;
	[tilespmem:$0x1A000] =	vst v63  }
0xc1: {  	_ =	swait.ge [sflag:s24], $0x2000  }
0xc2: {  	[sflag:s24] =	ssyncset.done $0x0  }
0xc3: {  	s7 =	simm.s32 $0x400;
	s13 =	simm.s32 $0x180;
	[sflag:s24] =	ssyncadd.s32 $0xFFFFE000  }
.LBB2_6:
0xc4: {  	[tilespmem:s30], [sflag:$0x2] =	stream.indirect.gather [hbm4b:s5+s28], $0x40, s13, s28, $0xb8;
	[tilespmem:$0x1A000] =	vst v63  }
0xc5: {  	s13 =	smov.u32 s7  }
0xc6: {  	p0 =	sne.s32 s7, $0x13800;
	s7 =	sadd.s32 $0x400, s7;
	_ =	swait.ge [sflag:s31], $0x2000  }
0xc7: {  	s13 =	sshra.s32 s13, $0x2;
	[sflag:s31] =	ssyncset.done $0x0  }
0xc8: {  	s18 =	sadd.s32 $0x5000, s13;
	[sflag:s31] =	ssyncadd.s32 $0xFFFFE000  }
0xc9: {  	[spmem:s2] =	stream.indirect.scatter.add.f32 [tilespmem:s29], [sflag:$0x3], $0x40, s18, s28, $0xb8;
	[tilespmem:$0x1A000] =	vst v63  }
0xca: {  	_ =	swait.ge [sflag:s24], $0x2000  }
0xcb: {  	[sflag:s24] =	ssyncset.done $0x0  }
0xcc: {  	s18 =	sadd.s32 $0x100, s13;
	[sflag:s24] =	ssyncadd.s32 $0xFFFFE000  }
0xcd: {  	[tilespmem:s29], [sflag:$0x1] =	stream.indirect.gather [hbm4b:s5+s28], $0x40, s18, s28, $0xb8;
	[tilespmem:$0x1A000] =	vst v63  }
0xce: {  	_ =	swait.ge [sflag:s0], $0x2000  }
0xcf: {  	[sflag:s0] =	ssyncset.done $0x0  }
.Ltmp2:
0xd0: {  	s18 =	sadd.s32 $0x5080, s13;
	[sflag:s0] =	ssyncadd.s32 $0xFFFFE000;
	(pc) =	sbr.rel @p0 .LBB2_6-.Ltmp2, $4  }
0xd1: {  	[spmem:s2] =	stream.indirect.scatter.add.f32 [tilespmem:s30], [sflag:$0x3], $0x40, s18, s28, $0xb8;
	[tilespmem:$0x1A000] =	vst v63  }
0xd2: {  	_ =	swait.ge [sflag:s24], $0x2000  }
0xd3: {  	[sflag:s24] =	ssyncset.done $0x0  }
0xd4: {  	s13 =	sadd.s32 $0x180, s13;
	[sflag:s24] =	ssyncadd.s32 $0xFFFFE000  }
0xd5: {  	[tilespmem:s30], [sflag:$0x2] =	stream.indirect.gather [hbm4b:s5+s28], $0x40, s13, s28, $0xb8;
	[tilespmem:$0x1A000] =	vst v63  }
0xd6: {  	_ =	swait.ge [sflag:s31], $0x2000  }
0xd7: {  	[sflag:s31] =	ssyncset.done $0x0  }
0xd8: {  	[sflag:s31] =	ssyncadd.s32 $0xFFFFE000  }
0xd9: {  	[spmem:s2] =	stream.indirect.scatter.add.f32 [tilespmem:s29], [sflag:$0x3], $0x40, s3, s28, $0xb8;
	[tilespmem:$0x1A000] =	vst v63  }
0xda: {  	_ =	swait.ge [sflag:s24], $0x2000  }
0xdb: {  	[sflag:s24] =	ssyncset.done $0x0  }
0xdc: {  	[sflag:s24] =	ssyncadd.s32 $0xFFFFE000  }
0xdd: {  	_ =	swait.ge [sflag:s0], $0x2000  }
0xde: {  	[sflag:s0] =	ssyncset.done $0x0  }
0xdf: {  	[sflag:s0] =	ssyncadd.s32 $0xFFFFE000  }
0xe0: {  	[spmem:s2] =	stream.indirect.scatter.add.f32 [tilespmem:s30], [sflag:$0x3], $0x40, s25, s28, $0xb8;
	[tilespmem:$0x1A000] =	vst v63  }
0xe1: {  	_ =	swait.ge [sflag:s24], $0x2000  }
0xe2: {  	[sflag:s24] =	ssyncset.done $0x0  }
0xe3: {  	[sflag:s24] =	ssyncadd.s32 $0xFFFFE000  }
0xe4: {  	[bflag:$0x0] =	sbarrier.arrive $0xFFFF  }
0xe5: {  	[tilespmem:s29], [sflag:$0x3] =	stream.linear.gather [spmem:s8], $0x2000, $0x38;
	[tilespmem:$0x1A000] =	vst v63  }
0xe6: {  	_ =	swait.ge [sflag:s24], $0x2000  }
0xe7: {  	[sflag:s24] =	ssyncset.done $0x0  }
0xe8: {  	s7 =	rddreg [dreg:$0x6];
	[sflag:s24] =	ssyncadd.s32 $0xFFFFE000  }
0xe9: {  	[hbm4b:s7+s4] =	stream.linear.scatter [tilespmem:s29], [sflag:$0x3], $0x2000, $0x38;
	[tilespmem:$0x1A000] =	vst v63  }
0xea: {  	_ =	swait.ge [sflag:s24], $0x2000  }
0xeb: {  	[sflag:s24] =	ssyncset.done $0x0  }
0xec: {  	[sflag:s24] =	ssyncadd.s32 $0xFFFFE000  }
0xed: {  	[tilespmem:s29], [sflag:$0x3] =	stream.linear.gather [spmem:s9], $0x2000, $0x38;
	[tilespmem:$0x1A000] =	vst v63  }
0xee: {  	_ =	swait.ge [sflag:s24], $0x2000  }
0xef: {  	[sflag:s24] =	ssyncset.done $0x0  }
0xf0: {  	s18 =	rddreg [dreg:$0x7];
	[sflag:s24] =	ssyncadd.s32 $0xFFFFE000  }
0xf1: {  	[hbm4b:s18+s4] =	stream.linear.scatter [tilespmem:s29], [sflag:$0x3], $0x2000, $0x38;
	[tilespmem:$0x1A000] =	vst v63  }
0xf2: {  	_ =	swait.ge [sflag:s24], $0x2000  }
0xf3: {  	[sflag:s24] =	ssyncset.done $0x0  }
0xf4: {  	[sflag:s24] =	ssyncadd.s32 $0xFFFFE000  }
0xf5: {  	[tilespmem:s29], [sflag:$0x3] =	stream.linear.gather [spmem:s10], $0x2000, $0x38;
	[tilespmem:$0x1A000] =	vst v63  }
0xf6: {  	_ =	swait.ge [sflag:s24], $0x2000  }
0xf7: {  	[sflag:s24] =	ssyncset.done $0x0  }
0xf8: {  	[sflag:s24] =	ssyncadd.s32 $0xFFFFE000  }
0xf9: {  	[hbm4b:s20+s4] =	stream.linear.scatter [tilespmem:s29], [sflag:$0x3], $0x2000, $0x38;
	[tilespmem:$0x1A000] =	vst v63  }
0xfa: {  	_ =	swait.ge [sflag:s24], $0x2000  }
0xfb: {  	[sflag:s24] =	ssyncset.done $0x0  }
0xfc: {  	[sflag:s24] =	ssyncadd.s32 $0xFFFFE000  }
0xfd: {  	[tilespmem:s29], [sflag:$0x3] =	stream.linear.gather [spmem:s11], $0x2000, $0x38;
	[tilespmem:$0x1A000] =	vst v63  }
0xfe: {  	_ =	swait.ge [sflag:s24], $0x2000  }
0xff: {  	[sflag:s24] =	ssyncset.done $0x0  }
0x100: {  	[sflag:s24] =	ssyncadd.s32 $0xFFFFE000  }
0x101: {  	[hbm4b:s21+s4] =	stream.linear.scatter [tilespmem:s29], [sflag:$0x3], $0x2000, $0x38;
	[tilespmem:$0x1A000] =	vst v63  }
0x102: {  	_ =	swait.ge [sflag:s24], $0x2000  }
0x103: {  	[sflag:s24] =	ssyncset.done $0x0  }
0x104: {  	[sflag:s24] =	ssyncadd.s32 $0xFFFFE000  }
0x105: {  	[tilespmem:s29], [sflag:$0x3] =	stream.linear.gather [spmem:s12], $0x2000, $0x38;
	[tilespmem:$0x1A000] =	vst v63  }
0x106: {  	s6 =	sadd.s32 $0x1, s6;
	_ =	swait.ge [sflag:s24], $0x2000  }
0x107: {  	p0 =	sne.s32 s6, s23;
	[sflag:s24] =	ssyncset.done $0x0  }
.Ltmp3:
0x108: {  	[sflag:s24] =	ssyncadd.s32 $0xFFFFE000;
	(pc) =	sbr.rel @p0 .LBB2_1-.Ltmp3, $4  }
0x109: {  	[hbm4b:s22+s4] =	stream.linear.scatter [tilespmem:s29], [sflag:$0x3], $0x2000, $0x38;
	[tilespmem:$0x1A000] =	vst v63  }
0x10a: {  	_ =	swait.ge [sflag:s24], $0x2000  }
0x10b: {  	[sflag:s24] =	ssyncset.done $0x0  }
0x10c: {  	[sflag:s24] =	ssyncadd.s32 $0xFFFFE000  }
0x10d: {  	_ =	sfence.sel $0x180000  }
0x10e: {  	[bflag:$0x0] =	sbarrier.arrive $0xFFFF  }
0x10f: {  	_ =	strace $0x9000004A  }
0x110: {  	s0 =	stileid.u32;
	[bflag:$0x2] =	sbarrier.arrive $0xFFFF  }
0x111: {  	p0 =	sne.s32 s0, $0x0;
	s0 =	rddreg [dreg:$0x3]  }
0x112: {  	s0 =	sadd.s32 @!p0 $0x100000, s0  }
0x113: {  	[sflag:s0] =	ssyncadd.tile.s32 @!p0 $0x1;
	_ =	shalt  }
.Lfunc_end2:
_tile_overlayer_lowered:
.L_overlay_start_2:
0x114: {  	(tag) =	ssettag $0x2  }
0x115: {  	s0 =	rddreg [dreg:$0x0];
	s2 =	stileid.u32  }
0x116: {  	s1 =	rddreg [dreg:$0x1];
	p0 =	sne.s32 s2, $0x0  }
0x117: {  	s3 =	rddreg [dreg:$0x2];
	[bflag:$0x3] =	sbarrier.arrive $0xFFFF;
	s2 =	simm.s32 @!p0 $0x1C03  }
0x118: {  	[timem:s3], [sflag:s2] =	dma.local @!p0 [hbm:s0], s1  }
0x119: {  	s0 =	simm.s32 @!p0 $0x3  }
0x11a: {  	_ =	swait.ge @!p0 [sflag:s0], s1  }
0x11b: {  	s1 =	ssub.s32 @!p0 $0x0, s1;
	[sflag:s0] =	ssyncset.done @!p0 $0x0  }
0x11c: {  	[sflag:s0] =	ssyncadd.s32 @!p0 s1  }
0x11d: {  	[bflag:$0x3] =	sbarrier.arrive $0xFFFF  }
0x11e: {  	_ =	shalt  }

</sc_bundles>
